<compile_context>
chip_gen: v7x
topology: tpu7x:2x2x1
jax: 0.10.2.dev20260603
libtpu: 0.0.44.dev20260713+nightly
codegen_flags: <defaults>
</compile_context>

<pallas_src>
import functools

import jax
import jax.numpy as jnp
import numpy as np
from jax import lax
from jax.experimental import pallas as pl
from jax.experimental.pallas import tpu as pltpu
from jax.experimental.pallas import tpu_sc as plsc

HIDDEN = 64
N_SEQ = 16
MAX_LEN = 512

_LEN_NP = np.array([MAX_LEN - 34 * i for i in range(N_SEQ)], dtype=np.int64)
_BS_NP = np.array([(_LEN_NP > t).sum() for t in range(MAX_LEN)], dtype=np.int64)
_OFF_NP = np.zeros(MAX_LEN, dtype=np.int64)
_OFF_NP[1:] = np.cumsum(_BS_NP)[:-1]
_TOTAL = int(_BS_NP.sum())

_INV_NP = np.zeros(_TOTAL, dtype=np.int32)
_SRC_NP = np.zeros(_TOTAL, dtype=np.int32)
for _t in range(MAX_LEN):
    for _i in range(int(_BS_NP[_t])):
        _INV_NP[_OFF_NP[_t] + _i] = _i * MAX_LEN + _t
        _SRC_NP[_OFF_NP[_t] + _i] = _t * N_SEQ + _i

_SEGMENTS = []
_t = 0
while _t < MAX_LEN:
    _b = int(_BS_NP[_t])
    _t1 = _t
    while _t1 < MAX_LEN and int(_BS_NP[_t1]) == _b:
        _t1 += 1
    _SEGMENTS.append((_t, _t1, _b, int(_OFF_NP[_t])))
    _t = _t1

_NW = 32
_CPW = 128
_TAIL = _TOTAL - _NW * _CPW


def _sc_embed_unpack(data, inv, emb_table):
    mesh = plsc.VectorSubcoreMesh(core_axis_name="c", subcore_axis_name="s")

    @functools.partial(
        pl.kernel,
        mesh=mesh,
        out_type=jax.ShapeDtypeStruct((N_SEQ * MAX_LEN, 128), jnp.float32),
        scratch_types=[
            pltpu.VMEM((_CPW,), jnp.int32),
            pltpu.VMEM((_CPW,), jnp.int32),
            pltpu.VMEM((_CPW, 128), jnp.float32),
            pltpu.VMEM((_TAIL,), jnp.int32),
            pltpu.VMEM((_TAIL,), jnp.int32),
            pltpu.VMEM((_TAIL, 128), jnp.float32),
            pltpu.SemaphoreType.DMA,
        ],
    )
    def k(data_hbm, inv_hbm, emb_hbm, out_hbm,
          tok_v, dst_v, rows_v, tok_t, dst_t, rows_t, sem):
        wid = lax.axis_index("c") * 16 + lax.axis_index("s")
        base = wid * _CPW
        pltpu.sync_copy(data_hbm.at[pl.ds(base, _CPW)], tok_v)
        pltpu.sync_copy(inv_hbm.at[pl.ds(base, _CPW)], dst_v)
        pltpu.async_copy(emb_hbm.at[tok_v], rows_v, sem).wait()
        pltpu.sync_copy(rows_v, out_hbm.at[dst_v])

        @pl.when(wid == _NW - 1)
        def _tail():
            tb = _NW * _CPW
            pltpu.sync_copy(data_hbm.at[pl.ds(tb, _TAIL)], tok_t)
            pltpu.sync_copy(inv_hbm.at[pl.ds(tb, _TAIL)], dst_t)
            pltpu.async_copy(emb_hbm.at[tok_t], rows_t, sem).wait()
            pltpu.sync_copy(rows_t, out_hbm.at[dst_t])

    return k(data, inv, emb_table)


def _sc_pack_rows(y_pad, src):
    mesh = plsc.VectorSubcoreMesh(core_axis_name="c", subcore_axis_name="s")

    @functools.partial(
        pl.kernel,
        mesh=mesh,
        out_type=jax.ShapeDtypeStruct((_TOTAL, MAX_LEN), jnp.float32),
        scratch_types=[
            pltpu.VMEM((_CPW,), jnp.int32),
            pltpu.VMEM((_CPW, MAX_LEN), jnp.float32),
            pltpu.VMEM((_TAIL,), jnp.int32),
            pltpu.VMEM((_TAIL, MAX_LEN), jnp.float32),
            pltpu.SemaphoreType.DMA,
        ],
    )
    def k(ypad_hbm, src_hbm, out_hbm, idx_v, rows_v, idx_t, rows_t, sem):
        wid = lax.axis_index("c") * 16 + lax.axis_index("s")
        base = wid * _CPW
        pltpu.sync_copy(src_hbm.at[pl.ds(base, _CPW)], idx_v)
        pltpu.async_copy(ypad_hbm.at[idx_v], rows_v, sem).wait()
        pltpu.sync_copy(rows_v, out_hbm.at[pl.ds(base, _CPW)])

        @pl.when(wid == _NW - 1)
        def _tail():
            tb = _NW * _CPW
            pltpu.sync_copy(src_hbm.at[pl.ds(tb, _TAIL)], idx_t)
            pltpu.async_copy(ypad_hbm.at[idx_t], rows_t, sem).wait()
            pltpu.sync_copy(rows_t, out_hbm.at[pl.ds(tb, _TAIL)])

    return k(y_pad, src)


def _tc_body(x_ref, wih_ref, whh_ref, bih_ref, bhh_ref, y_ref, xp_ref, xt_ref, cq_ref, hid_ref):
    lens_i = MAX_LEN - 34 * lax.broadcasted_iota(jnp.int32, (N_SEQ, 1, 1), 0)
    lens = lens_i.astype(jnp.float32)
    t_iota = lax.broadcasted_iota(jnp.int32, (N_SEQ, MAX_LEN, 1), 1)
    xp = x_ref[...].reshape(N_SEQ, MAX_LEN, 128)[:, :, :HIDDEN]
    xp = jnp.where(t_iota < lens_i, xp, 0.0)
    xp_ref[...] = xp
    for i in range(N_SEQ):
        xt_ref[i] = xp[i].T
    ctx0 = jnp.sum(xt_ref[...], axis=2) / lens.reshape(N_SEQ, 1)
    hid_ref[...] = jnp.zeros((N_SEQ, HIDDEN), jnp.float32)

    def dot_d(a, b_mat):
        return jax.lax.dot_general(
            a, b_mat, (((1,), (0,)), ((), ())),
            precision=jax.lax.Precision.DEFAULT,
            preferred_element_type=jnp.float32,
        )

    def step(t, b, ctx):
        hprev = hid_ref[0:b, :]
        u = dot_d(ctx, wih_ref[...]) + bih_ref[...]
        v = (u + dot_d(hprev, whh_ref[...])) + bhh_ref[...]
        hid = jnp.tanh(v)
        xf = xp_ref[0:b].reshape(b * MAX_LEN, HIDDEN)
        S = lax.dot_general(xf, hid, (((1,), (1,)), ((), ())),
                            precision=jax.lax.Precision.DEFAULT,
                            preferred_element_type=jnp.float32)
        S3 = S.reshape(b, MAX_LEN, b)
        sel = (lax.broadcasted_iota(jnp.int32, (b, 1, b), 0)
               == lax.broadcasted_iota(jnp.int32, (b, 1, b), 2))
        sc = jnp.sum(jnp.where(sel, S3, 0.0), axis=2)
        m = jnp.max(sc, axis=1, keepdims=True)
        shifted = sc - m
        e = jnp.exp(shifted)
        r = [e[:, i * 128:(i + 1) * 128] for i in range(4)]
        acc = (r[0] + r[1]) + (r[2] + r[3])
        w = 64
        while w >= 1:
            acc = acc[:, 0:w] + acc[:, w:2 * w]
            w //= 2
        s = acc
        attn = shifted - jnp.log(s)
        wgt = jnp.exp(attn)
        ctx_new = jnp.sum(xt_ref[0:b] * wgt[:, None, :], axis=2)
        cq_ref[0:b, :] = ctx_new.astype(jnp.bfloat16)
        hid_ref[0:b, :] = hid
        y_ref[t, 0:b, :] = attn

    step(0, N_SEQ, ctx0)
    for (t0, t1, b, out_base) in _SEGMENTS:
        def body(t, _, b=b):
            step(t, b, cq_ref[0:b, :].astype(jnp.float32))
            return 0

        jax.lax.fori_loop(max(t0, 1), t1, body, 0)


def kernel(data, batch_sizes, emb_table, W_ih, W_hh, b_ih, b_hh):
    del batch_sizes
    inv = jnp.asarray(_INV_NP)
    emb128 = jnp.pad(emb_table, ((0, 0), (0, 128 - HIDDEN)))
    x_flat = _sc_embed_unpack(data.astype(jnp.int32), inv, emb128)
    wih_t = W_ih.T
    whh_t = W_hh.T
    bih = b_ih.reshape(1, HIDDEN)
    bhh = b_hh.reshape(1, HIDDEN)
    y_pad = pl.pallas_call(
        _tc_body,
        out_shape=jax.ShapeDtypeStruct((MAX_LEN, N_SEQ, MAX_LEN), jnp.float32),
        scratch_shapes=[
            pltpu.VMEM((N_SEQ, MAX_LEN, HIDDEN), jnp.float32),
            pltpu.VMEM((N_SEQ, HIDDEN, MAX_LEN), jnp.float32),
            pltpu.VMEM((N_SEQ, HIDDEN), jnp.bfloat16),
            pltpu.VMEM((N_SEQ, HIDDEN), jnp.float32),
        ],
    )(x_flat, wih_t, whh_t, bih, bhh)
    return _sc_pack_rows(y_pad.reshape(MAX_LEN * N_SEQ, MAX_LEN),
                         jnp.asarray(_SRC_NP))

# --- scband reference (transcript-rebuilt; emitter-appended) ---
"""Pipeline reference for scband-model-35536559407348 (READ-ONLY COPY).

The authoritative reference and input builder live on the scoring server;
editing this copy changes nothing except your own understanding.
"""

import jax, jax.numpy as jnp
import numpy as np

HIDDEN = 64
VOCAB = 100000
N_SEQ = 16
MAX_LEN = 512


def _lengths():
    # sorted-descending lengths, as required by PackedSequence: 512, 478, ..., 2
    return np.array([MAX_LEN - 34 * i for i in range(N_SEQ)], dtype=np.int64)


def setup_inputs(seed: int = 0):
    key = jax.random.key(seed)
    k1, k2, k3, k4, k5, k6 = jax.random.split(key, 6)
    lengths = _lengths()
    bs = np.array([(lengths > t).sum() for t in range(MAX_LEN)], dtype=np.int64)
    total = int(bs.sum())  # 4112 packed tokens
    data = jax.random.randint(k1, (total,), 0, VOCAB)
    emb_table = jax.random.normal(k2, (VOCAB, HIDDEN), dtype=jnp.float32)
    s = 1.0 / np.sqrt(HIDDEN)
    W_ih = jax.random.uniform(k3, (HIDDEN, HIDDEN), minval=-s, maxval=s, dtype=jnp.float32)
    W_hh = jax.random.uniform(k4, (HIDDEN, HIDDEN), minval=-s, maxval=s, dtype=jnp.float32)
    b_ih = jax.random.uniform(k5, (HIDDEN,), minval=-s, maxval=s, dtype=jnp.float32)
    b_hh = jax.random.uniform(k6, (HIDDEN,), minval=-s, maxval=s, dtype=jnp.float32)
    return {"data": data, "batch_sizes": jnp.asarray(bs), "emb_table": emb_table,
            "W_ih": W_ih, "W_hh": W_hh, "b_ih": b_ih, "b_hh": b_hh}


def _forward(data, batch_sizes, bs_np, emb_table, W_ih, W_hh, b_ih, b_hh):
    seq_len = int(bs_np.shape[0])
    n = int(bs_np[0])
    # embedding lookup on packed data (SparseCore gather)
    x = jnp.take(emb_table, data, axis=0)
    # pad_packed_sequence: scatter packed tokens into [n, seq_len, H]
    seq_idx = np.concatenate([np.arange(b) for b in bs_np])
    time_idx = np.concatenate([np.full(b, t) for t, b in enumerate(bs_np)])
    x_pad = jnp.zeros((n, seq_len, HIDDEN), dtype=x.dtype).at[seq_idx, time_idx].set(x)
    x_len = (batch_sizes[None, :] > jnp.arange(n)[:, None]).sum(axis=1)  # per-sequence lengths
    context = x_pad.sum(axis=1) / x_len[:, None].astype(x.dtype)
    hidden = jnp.zeros((n, HIDDEN), dtype=x.dtype)
    xp = x_pad
    outs = []
    for t in range(seq_len):
        b = int(bs_np[t])
        context = context[:b]
        hidden = hidden[:b]
        xp = xp[:b]
        # RNNCell (tanh)
        hidden = jnp.tanh(context @ W_ih.T + b_ih + hidden @ W_hh.T + b_hh)
        # _attn: bmm scores -> log_softmax -> weighted average
        scores = jnp.einsum('bsh,bh->bs', xp, hidden)
        attn = jax.nn.log_softmax(scores, axis=1)
        context = (jnp.exp(attn)[:, :, None] * xp).sum(axis=1)
        outs.append(attn)
    # y rows are laid out packed-contiguously, in batch_sizes order
    return jnp.concatenate(outs, axis=0)


def reference(data, batch_sizes, emb_table, W_ih, W_hh, b_ih, b_hh):
    lengths = _lengths()
    bs_np = np.array([(lengths > t).sum() for t in range(batch_sizes.shape[0])], dtype=np.int64)
    return _forward(data, batch_sizes, bs_np, emb_table, W_ih, W_hh, b_ih, b_hh)

if __name__ == "__main__":
    import jax
    _d = setup_inputs()
    print(jax.jit(kernel)(*tuple(_d.values())))

</pallas_src>

<mosaic_0001>
#map = affine_map<(d0, d1) -> (0)>
#map1 = affine_map<(d0, d1) -> (0, 0)>
module attributes {stable_mosaic.version = 14 : i64} {
  func.func @k(%arg0: i32, %arg1: i32, %arg2: memref<4112xi32, #tpu.memory_space<hbm>>, %arg3: memref<4112xi32, #tpu.memory_space<hbm>>, %arg4: memref<100000x128xf32, #tpu.memory_space<hbm>>, %arg5: memref<8192x128xf32, #tpu.memory_space<hbm>>, %arg6: memref<128xi32, #tpu.memory_space<vmem>>, %arg7: memref<128xi32, #tpu.memory_space<vmem>>, %arg8: memref<128x128xf32, #tpu.memory_space<vmem>>, %arg9: memref<16xi32, #tpu.memory_space<vmem>>, %arg10: memref<16xi32, #tpu.memory_space<vmem>>, %arg11: memref<16x128xf32, #tpu.memory_space<vmem>>, %arg12: memref<!tpu.dma_semaphore, #tpu.memory_space<semaphore_mem>>) attributes {dimension_semantics = [#tpu.dimension_semantics<core_parallel>, #tpu.dimension_semantics<subcore_parallel>], iteration_bounds = array<i64: 2, 16>, scalar_prefetch = 0 : i64, scratch_operands = 7 : i64, tpu.core_type = #tpu.core_type<sc_vector_subcore>, window_params = [{transform_indices = #map}, {transform_indices = #map}, {transform_indices = #map1}, {transform_indices = #map1}]} {
    %mul3A = arith.constant 16 : i32
    %mul3A_0 = arith.muli %arg0, %mul3A : i32
    %add3A = arith.addi %mul3A_0, %arg1 : i32
    %mul3A_1 = arith.constant 128 : i32
    %mul3A_2 = arith.muli %add3A, %mul3A_1 : i32
    "tpu.region"() ({
      %run_scoped3A = tpu.sem_alloc : memref<!tpu.dma_semaphore, #tpu.memory_space<semaphore_mem>>
      %dma_start3A_9 = tpu.memref_slice %arg2[%mul3A_2] : memref<4112xi32, #tpu.memory_space<hbm>> -> memref<128xi32, #tpu.memory_space<hbm>>
      %dma_start3A_10 = tpu.memref_slice %arg2[%mul3A_2] : memref<4112xi32, #tpu.memory_space<hbm>> -> memref<128xi32, #tpu.memory_space<hbm>>
      tpu.enqueue_dma source(%dma_start3A_10 : memref<128xi32, #tpu.memory_space<hbm>>) target(%arg6 : memref<128xi32, #tpu.memory_space<vmem>>) target_semaphore(%run_scoped3A : memref<!tpu.dma_semaphore, #tpu.memory_space<semaphore_mem>>)
      %dma_wait3A_11 = tpu.memref_slice %arg2[%mul3A_2] : memref<4112xi32, #tpu.memory_space<hbm>> -> memref<128xi32, #tpu.memory_space<hbm>>
      %dma_wait3A_12 = tpu.memref_slice %arg2[%mul3A_2] : memref<4112xi32, #tpu.memory_space<hbm>> -> memref<128xi32, #tpu.memory_space<hbm>>
      tpu.wait_dma2 semaphore(%run_scoped3A : memref<!tpu.dma_semaphore, #tpu.memory_space<semaphore_mem>>) src(%dma_wait3A_12 : memref<128xi32, #tpu.memory_space<hbm>>) dst(%arg6 : memref<128xi32, #tpu.memory_space<vmem>>)
      tpu.yield
    }) : () -> ()
    "tpu.region"() ({
      %run_scoped3A = tpu.sem_alloc : memref<!tpu.dma_semaphore, #tpu.memory_space<semaphore_mem>>
      %dma_start3A_9 = tpu.memref_slice %arg3[%mul3A_2] : memref<4112xi32, #tpu.memory_space<hbm>> -> memref<128xi32, #tpu.memory_space<hbm>>
      %dma_start3A_10 = tpu.memref_slice %arg3[%mul3A_2] : memref<4112xi32, #tpu.memory_space<hbm>> -> memref<128xi32, #tpu.memory_space<hbm>>
      tpu.enqueue_dma source(%dma_start3A_10 : memref<128xi32, #tpu.memory_space<hbm>>) target(%arg7 : memref<128xi32, #tpu.memory_space<vmem>>) target_semaphore(%run_scoped3A : memref<!tpu.dma_semaphore, #tpu.memory_space<semaphore_mem>>)
      %dma_wait3A_11 = tpu.memref_slice %arg3[%mul3A_2] : memref<4112xi32, #tpu.memory_space<hbm>> -> memref<128xi32, #tpu.memory_space<hbm>>
      %dma_wait3A_12 = tpu.memref_slice %arg3[%mul3A_2] : memref<4112xi32, #tpu.memory_space<hbm>> -> memref<128xi32, #tpu.memory_space<hbm>>
      tpu.wait_dma2 semaphore(%run_scoped3A : memref<!tpu.dma_semaphore, #tpu.memory_space<semaphore_mem>>) src(%dma_wait3A_12 : memref<128xi32, #tpu.memory_space<hbm>>) dst(%arg7 : memref<128xi32, #tpu.memory_space<vmem>>)
      tpu.yield
    }) : () -> ()
    %dma_start3A = arith.constant 0 : i32
    %dma_start3A_3 = arith.constant 0 : i32
    %dma_start3A_4 = tpu.memref_slice %arg4[%dma_start3A, %dma_start3A_3] : memref<100000x128xf32, #tpu.memory_space<hbm>> -> memref<100000x128xf32, #tpu.memory_space<hbm>>
    tpu.enqueue_indirect_dma source(%dma_start3A_4 : memref<100000x128xf32, #tpu.memory_space<hbm>>) target(%arg8 : memref<128x128xf32, #tpu.memory_space<vmem>>) offsets(%arg6 : memref<128xi32, #tpu.memory_space<vmem>>) semaphore(%arg12 : memref<!tpu.dma_semaphore, #tpu.memory_space<semaphore_mem>>)
    %dma_wait3A = arith.constant 0 : i32
    %dma_wait3A_5 = arith.constant 0 : i32
    %dma_wait3A_6 = tpu.memref_slice %arg4[%dma_wait3A, %dma_wait3A_5] : memref<100000x128xf32, #tpu.memory_space<hbm>> -> memref<100000x128xf32, #tpu.memory_space<hbm>>
    tpu.wait_indirect_dma semaphore(%arg12 : memref<!tpu.dma_semaphore, #tpu.memory_space<semaphore_mem>>) src(%dma_wait3A_6 : memref<100000x128xf32, #tpu.memory_space<hbm>>) dst(%arg8 : memref<128x128xf32, #tpu.memory_space<vmem>>)
    "tpu.region"() ({
      %run_scoped3A = tpu.sem_alloc : memref<!tpu.dma_semaphore, #tpu.memory_space<semaphore_mem>>
      %dma_start3A_9 = arith.constant 0 : i32
      %dma_start3A_10 = arith.constant 0 : i32
      %dma_start3A_11 = tpu.memref_slice %arg5[%dma_start3A_9, %dma_start3A_10] : memref<8192x128xf32, #tpu.memory_space<hbm>> -> memref<8192x128xf32, #tpu.memory_space<hbm>>
      tpu.enqueue_indirect_dma source(%arg8 : memref<128x128xf32, #tpu.memory_space<vmem>>) target(%dma_start3A_11 : memref<8192x128xf32, #tpu.memory_space<hbm>>) offsets(%arg7 : memref<128xi32, #tpu.memory_space<vmem>>) semaphore(%run_scoped3A : memref<!tpu.dma_semaphore, #tpu.memory_space<semaphore_mem>>)
      %dma_wait3A_12 = arith.constant 0 : i32
      %dma_wait3A_13 = arith.constant 0 : i32
      %dma_wait3A_14 = tpu.memref_slice %arg5[%dma_wait3A_12, %dma_wait3A_13] : memref<8192x128xf32, #tpu.memory_space<hbm>> -> memref<8192x128xf32, #tpu.memory_space<hbm>>
      tpu.wait_indirect_dma semaphore(%run_scoped3A : memref<!tpu.dma_semaphore, #tpu.memory_space<semaphore_mem>>) src(%arg8 : memref<128x128xf32, #tpu.memory_space<vmem>>) dst(%dma_wait3A_14 : memref<8192x128xf32, #tpu.memory_space<hbm>>)
      tpu.yield
    }) : () -> ()
    %eq3A = arith.constant 31 : i32
    %eq3A_7 = arith.cmpi eq, %add3A, %eq3A : i32
    %convert_element_type3A = arith.extui %eq3A_7 : i1 to i32
    %cond3A = arith.constant 0 : i32
    %cond3A_8 = arith.cmpi ne, %convert_element_type3A, %cond3A : i32
    scf.if %cond3A_8 {
      "tpu.region"() ({
        %run_scoped3A = tpu.sem_alloc : memref<!tpu.dma_semaphore, #tpu.memory_space<semaphore_mem>>
        %dma_start3A_15 = arith.constant 4096 : i32
        %dma_start3A_16 = tpu.memref_slice %arg2[%dma_start3A_15] : memref<4112xi32, #tpu.memory_space<hbm>> -> memref<16xi32, #tpu.memory_space<hbm>>
        %dma_start3A_17 = arith.constant 4096 : i32
        %dma_start3A_18 = tpu.memref_slice %arg2[%dma_start3A_17] : memref<4112xi32, #tpu.memory_space<hbm>> -> memref<16xi32, #tpu.memory_space<hbm>>
        tpu.enqueue_dma source(%dma_start3A_18 : memref<16xi32, #tpu.memory_space<hbm>>) target(%arg9 : memref<16xi32, #tpu.memory_space<vmem>>) target_semaphore(%run_scoped3A : memref<!tpu.dma_semaphore, #tpu.memory_space<semaphore_mem>>)
        %dma_wait3A_19 = arith.constant 4096 : i32
        %dma_wait3A_20 = tpu.memref_slice %arg2[%dma_wait3A_19] : memref<4112xi32, #tpu.memory_space<hbm>> -> memref<16xi32, #tpu.memory_space<hbm>>
        %dma_wait3A_21 = arith.constant 4096 : i32
        %dma_wait3A_22 = tpu.memref_slice %arg2[%dma_wait3A_21] : memref<4112xi32, #tpu.memory_space<hbm>> -> memref<16xi32, #tpu.memory_space<hbm>>
        tpu.wait_dma2 semaphore(%run_scoped3A : memref<!tpu.dma_semaphore, #tpu.memory_space<semaphore_mem>>) src(%dma_wait3A_22 : memref<16xi32, #tpu.memory_space<hbm>>) dst(%arg9 : memref<16xi32, #tpu.memory_space<vmem>>)
        tpu.yield
      }) : () -> ()
      "tpu.region"() ({
        %run_scoped3A = tpu.sem_alloc : memref<!tpu.dma_semaphore, #tpu.memory_space<semaphore_mem>>
        %dma_start3A_15 = arith.constant 4096 : i32
        %dma_start3A_16 = tpu.memref_slice %arg3[%dma_start3A_15] : memref<4112xi32, #tpu.memory_space<hbm>> -> memref<16xi32, #tpu.memory_space<hbm>>
        %dma_start3A_17 = arith.constant 4096 : i32
        %dma_start3A_18 = tpu.memref_slice %arg3[%dma_start3A_17] : memref<4112xi32, #tpu.memory_space<hbm>> -> memref<16xi32, #tpu.memory_space<hbm>>
        tpu.enqueue_dma source(%dma_start3A_18 : memref<16xi32, #tpu.memory_space<hbm>>) target(%arg10 : memref<16xi32, #tpu.memory_space<vmem>>) target_semaphore(%run_scoped3A : memref<!tpu.dma_semaphore, #tpu.memory_space<semaphore_mem>>)
        %dma_wait3A_19 = arith.constant 4096 : i32
        %dma_wait3A_20 = tpu.memref_slice %arg3[%dma_wait3A_19] : memref<4112xi32, #tpu.memory_space<hbm>> -> memref<16xi32, #tpu.memory_space<hbm>>
        %dma_wait3A_21 = arith.constant 4096 : i32
        %dma_wait3A_22 = tpu.memref_slice %arg3[%dma_wait3A_21] : memref<4112xi32, #tpu.memory_space<hbm>> -> memref<16xi32, #tpu.memory_space<hbm>>
        tpu.wait_dma2 semaphore(%run_scoped3A : memref<!tpu.dma_semaphore, #tpu.memory_space<semaphore_mem>>) src(%dma_wait3A_22 : memref<16xi32, #tpu.memory_space<hbm>>) dst(%arg10 : memref<16xi32, #tpu.memory_space<vmem>>)
        tpu.yield
      }) : () -> ()
      %dma_start3A_9 = arith.constant 0 : i32
      %dma_start3A_10 = arith.constant 0 : i32
      %dma_start3A_11 = tpu.memref_slice %arg4[%dma_start3A_9, %dma_start3A_10] : memref<100000x128xf32, #tpu.memory_space<hbm>> -> memref<100000x128xf32, #tpu.memory_space<hbm>>
      tpu.enqueue_indirect_dma source(%dma_start3A_11 : memref<100000x128xf32, #tpu.memory_space<hbm>>) target(%arg11 : memref<16x128xf32, #tpu.memory_space<vmem>>) offsets(%arg9 : memref<16xi32, #tpu.memory_space<vmem>>) semaphore(%arg12 : memref<!tpu.dma_semaphore, #tpu.memory_space<semaphore_mem>>)
      %dma_wait3A_12 = arith.constant 0 : i32
      %dma_wait3A_13 = arith.constant 0 : i32
      %dma_wait3A_14 = tpu.memref_slice %arg4[%dma_wait3A_12, %dma_wait3A_13] : memref<100000x128xf32, #tpu.memory_space<hbm>> -> memref<100000x128xf32, #tpu.memory_space<hbm>>
      tpu.wait_indirect_dma semaphore(%arg12 : memref<!tpu.dma_semaphore, #tpu.memory_space<semaphore_mem>>) src(%dma_wait3A_14 : memref<100000x128xf32, #tpu.memory_space<hbm>>) dst(%arg11 : memref<16x128xf32, #tpu.memory_space<vmem>>)
      "tpu.region"() ({
        %run_scoped3A = tpu.sem_alloc : memref<!tpu.dma_semaphore, #tpu.memory_space<semaphore_mem>>
        %dma_start3A_15 = arith.constant 0 : i32
        %dma_start3A_16 = arith.constant 0 : i32
        %dma_start3A_17 = tpu.memref_slice %arg5[%dma_start3A_15, %dma_start3A_16] : memref<8192x128xf32, #tpu.memory_space<hbm>> -> memref<8192x128xf32, #tpu.memory_space<hbm>>
        tpu.enqueue_indirect_dma source(%arg11 : memref<16x128xf32, #tpu.memory_space<vmem>>) target(%dma_start3A_17 : memref<8192x128xf32, #tpu.memory_space<hbm>>) offsets(%arg10 : memref<16xi32, #tpu.memory_space<vmem>>) semaphore(%run_scoped3A : memref<!tpu.dma_semaphore, #tpu.memory_space<semaphore_mem>>)
        %dma_wait3A_18 = arith.constant 0 : i32
        %dma_wait3A_19 = arith.constant 0 : i32
        %dma_wait3A_20 = tpu.memref_slice %arg5[%dma_wait3A_18, %dma_wait3A_19] : memref<8192x128xf32, #tpu.memory_space<hbm>> -> memref<8192x128xf32, #tpu.memory_space<hbm>>
        tpu.wait_indirect_dma semaphore(%run_scoped3A : memref<!tpu.dma_semaphore, #tpu.memory_space<semaphore_mem>>) src(%arg11 : memref<16x128xf32, #tpu.memory_space<vmem>>) dst(%dma_wait3A_20 : memref<8192x128xf32, #tpu.memory_space<hbm>>)
        tpu.yield
      }) : () -> ()
    } else {
    }
    return
  }
}

#map = affine_map<(d0, d1) -> (0, 0)>
#map1 = affine_map<(d0, d1) -> (0)>
module attributes {stable_mosaic.version = 14 : i64} {
  func.func @k(%arg0: i32, %arg1: i32, %arg2: memref<8192x512xf32, #tpu.memory_space<hbm>>, %arg3: memref<4112xi32, #tpu.memory_space<hbm>>, %arg4: memref<4112x512xf32, #tpu.memory_space<hbm>>, %arg5: memref<128xi32, #tpu.memory_space<vmem>>, %arg6: memref<128x512xf32, #tpu.memory_space<vmem>>, %arg7: memref<16xi32, #tpu.memory_space<vmem>>, %arg8: memref<16x512xf32, #tpu.memory_space<vmem>>, %arg9: memref<!tpu.dma_semaphore, #tpu.memory_space<semaphore_mem>>) attributes {dimension_semantics = [#tpu.dimension_semantics<core_parallel>, #tpu.dimension_semantics<subcore_parallel>], iteration_bounds = array<i64: 2, 16>, scalar_prefetch = 0 : i64, scratch_operands = 5 : i64, tpu.core_type = #tpu.core_type<sc_vector_subcore>, window_params = [{transform_indices = #map}, {transform_indices = #map1}, {transform_indices = #map}]} {
    %mul3A = arith.constant 16 : i32
    %mul3A_0 = arith.muli %arg0, %mul3A : i32
    %add3A = arith.addi %mul3A_0, %arg1 : i32
    %mul3A_1 = arith.constant 128 : i32
    %mul3A_2 = arith.muli %add3A, %mul3A_1 : i32
    "tpu.region"() ({
      %run_scoped3A = tpu.sem_alloc : memref<!tpu.dma_semaphore, #tpu.memory_space<semaphore_mem>>
      %dma_start3A_9 = tpu.memref_slice %arg3[%mul3A_2] : memref<4112xi32, #tpu.memory_space<hbm>> -> memref<128xi32, #tpu.memory_space<hbm>>
      %dma_start3A_10 = tpu.memref_slice %arg3[%mul3A_2] : memref<4112xi32, #tpu.memory_space<hbm>> -> memref<128xi32, #tpu.memory_space<hbm>>
      tpu.enqueue_dma source(%dma_start3A_10 : memref<128xi32, #tpu.memory_space<hbm>>) target(%arg5 : memref<128xi32, #tpu.memory_space<vmem>>) target_semaphore(%run_scoped3A : memref<!tpu.dma_semaphore, #tpu.memory_space<semaphore_mem>>)
      %dma_wait3A_11 = tpu.memref_slice %arg3[%mul3A_2] : memref<4112xi32, #tpu.memory_space<hbm>> -> memref<128xi32, #tpu.memory_space<hbm>>
      %dma_wait3A_12 = tpu.memref_slice %arg3[%mul3A_2] : memref<4112xi32, #tpu.memory_space<hbm>> -> memref<128xi32, #tpu.memory_space<hbm>>
      tpu.wait_dma2 semaphore(%run_scoped3A : memref<!tpu.dma_semaphore, #tpu.memory_space<semaphore_mem>>) src(%dma_wait3A_12 : memref<128xi32, #tpu.memory_space<hbm>>) dst(%arg5 : memref<128xi32, #tpu.memory_space<vmem>>)
      tpu.yield
    }) : () -> ()
    %dma_start3A = arith.constant 0 : i32
    %dma_start3A_3 = arith.constant 0 : i32
    %dma_start3A_4 = tpu.memref_slice %arg2[%dma_start3A, %dma_start3A_3] : memref<8192x512xf32, #tpu.memory_space<hbm>> -> memref<8192x512xf32, #tpu.memory_space<hbm>>
    tpu.enqueue_indirect_dma source(%dma_start3A_4 : memref<8192x512xf32, #tpu.memory_space<hbm>>) target(%arg6 : memref<128x512xf32, #tpu.memory_space<vmem>>) offsets(%arg5 : memref<128xi32, #tpu.memory_space<vmem>>) semaphore(%arg9 : memref<!tpu.dma_semaphore, #tpu.memory_space<semaphore_mem>>)
    %dma_wait3A = arith.constant 0 : i32
    %dma_wait3A_5 = arith.constant 0 : i32
    %dma_wait3A_6 = tpu.memref_slice %arg2[%dma_wait3A, %dma_wait3A_5] : memref<8192x512xf32, #tpu.memory_space<hbm>> -> memref<8192x512xf32, #tpu.memory_space<hbm>>
    tpu.wait_indirect_dma semaphore(%arg9 : memref<!tpu.dma_semaphore, #tpu.memory_space<semaphore_mem>>) src(%dma_wait3A_6 : memref<8192x512xf32, #tpu.memory_space<hbm>>) dst(%arg6 : memref<128x512xf32, #tpu.memory_space<vmem>>)
    "tpu.region"() ({
      %run_scoped3A = tpu.sem_alloc : memref<!tpu.dma_semaphore, #tpu.memory_space<semaphore_mem>>
      %dma_start3A_9 = arith.constant 0 : i32
      %dma_start3A_10 = tpu.memref_slice %arg4[%mul3A_2, %dma_start3A_9] : memref<4112x512xf32, #tpu.memory_space<hbm>> -> memref<128x512xf32, #tpu.memory_space<hbm>>
      %dma_start3A_11 = arith.constant 0 : i32
      %dma_start3A_12 = tpu.memref_slice %arg4[%mul3A_2, %dma_start3A_11] : memref<4112x512xf32, #tpu.memory_space<hbm>> -> memref<128x512xf32, #tpu.memory_space<hbm>>
      tpu.enqueue_dma source(%arg6 : memref<128x512xf32, #tpu.memory_space<vmem>>) target(%dma_start3A_12 : memref<128x512xf32, #tpu.memory_space<hbm>>) target_semaphore(%run_scoped3A : memref<!tpu.dma_semaphore, #tpu.memory_space<semaphore_mem>>)
      %dma_wait3A_13 = arith.constant 0 : i32
      %dma_wait3A_14 = tpu.memref_slice %arg4[%mul3A_2, %dma_wait3A_13] : memref<4112x512xf32, #tpu.memory_space<hbm>> -> memref<128x512xf32, #tpu.memory_space<hbm>>
      %dma_wait3A_15 = arith.constant 0 : i32
      %dma_wait3A_16 = tpu.memref_slice %arg4[%mul3A_2, %dma_wait3A_15] : memref<4112x512xf32, #tpu.memory_space<hbm>> -> memref<128x512xf32, #tpu.memory_space<hbm>>
      tpu.wait_dma2 semaphore(%run_scoped3A : memref<!tpu.dma_semaphore, #tpu.memory_space<semaphore_mem>>) src(%arg6 : memref<128x512xf32, #tpu.memory_space<vmem>>) dst(%dma_wait3A_16 : memref<128x512xf32, #tpu.memory_space<hbm>>)
      tpu.yield
    }) : () -> ()
    %eq3A = arith.constant 31 : i32
    %eq3A_7 = arith.cmpi eq, %add3A, %eq3A : i32
    %convert_element_type3A = arith.extui %eq3A_7 : i1 to i32
    %cond3A = arith.constant 0 : i32
    %cond3A_8 = arith.cmpi ne, %convert_element_type3A, %cond3A : i32
    scf.if %cond3A_8 {
      "tpu.region"() ({
        %run_scoped3A = tpu.sem_alloc : memref<!tpu.dma_semaphore, #tpu.memory_space<semaphore_mem>>
        %dma_start3A_15 = arith.constant 4096 : i32
        %dma_start3A_16 = tpu.memref_slice %arg3[%dma_start3A_15] : memref<4112xi32, #tpu.memory_space<hbm>> -> memref<16xi32, #tpu.memory_space<hbm>>
        %dma_start3A_17 = arith.constant 4096 : i32
        %dma_start3A_18 = tpu.memref_slice %arg3[%dma_start3A_17] : memref<4112xi32, #tpu.memory_space<hbm>> -> memref<16xi32, #tpu.memory_space<hbm>>
        tpu.enqueue_dma source(%dma_start3A_18 : memref<16xi32, #tpu.memory_space<hbm>>) target(%arg7 : memref<16xi32, #tpu.memory_space<vmem>>) target_semaphore(%run_scoped3A : memref<!tpu.dma_semaphore, #tpu.memory_space<semaphore_mem>>)
        %dma_wait3A_19 = arith.constant 4096 : i32
        %dma_wait3A_20 = tpu.memref_slice %arg3[%dma_wait3A_19] : memref<4112xi32, #tpu.memory_space<hbm>> -> memref<16xi32, #tpu.memory_space<hbm>>
        %dma_wait3A_21 = arith.constant 4096 : i32
        %dma_wait3A_22 = tpu.memref_slice %arg3[%dma_wait3A_21] : memref<4112xi32, #tpu.memory_space<hbm>> -> memref<16xi32, #tpu.memory_space<hbm>>
        tpu.wait_dma2 semaphore(%run_scoped3A : memref<!tpu.dma_semaphore, #tpu.memory_space<semaphore_mem>>) src(%dma_wait3A_22 : memref<16xi32, #tpu.memory_space<hbm>>) dst(%arg7 : memref<16xi32, #tpu.memory_space<vmem>>)
        tpu.yield
      }) : () -> ()
      %dma_start3A_9 = arith.constant 0 : i32
      %dma_start3A_10 = arith.constant 0 : i32
      %dma_start3A_11 = tpu.memref_slice %arg2[%dma_start3A_9, %dma_start3A_10] : memref<8192x512xf32, #tpu.memory_space<hbm>> -> memref<8192x512xf32, #tpu.memory_space<hbm>>
      tpu.enqueue_indirect_dma source(%dma_start3A_11 : memref<8192x512xf32, #tpu.memory_space<hbm>>) target(%arg8 : memref<16x512xf32, #tpu.memory_space<vmem>>) offsets(%arg7 : memref<16xi32, #tpu.memory_space<vmem>>) semaphore(%arg9 : memref<!tpu.dma_semaphore, #tpu.memory_space<semaphore_mem>>)
      %dma_wait3A_12 = arith.constant 0 : i32
      %dma_wait3A_13 = arith.constant 0 : i32
      %dma_wait3A_14 = tpu.memref_slice %arg2[%dma_wait3A_12, %dma_wait3A_13] : memref<8192x512xf32, #tpu.memory_space<hbm>> -> memref<8192x512xf32, #tpu.memory_space<hbm>>
      tpu.wait_indirect_dma semaphore(%arg9 : memref<!tpu.dma_semaphore, #tpu.memory_space<semaphore_mem>>) src(%dma_wait3A_14 : memref<8192x512xf32, #tpu.memory_space<hbm>>) dst(%arg8 : memref<16x512xf32, #tpu.memory_space<vmem>>)
      "tpu.region"() ({
        %run_scoped3A = tpu.sem_alloc : memref<!tpu.dma_semaphore, #tpu.memory_space<semaphore_mem>>
        %dma_start3A_15 = arith.constant 4096 : i32
        %dma_start3A_16 = arith.constant 0 : i32
        %dma_start3A_17 = tpu.memref_slice %arg4[%dma_start3A_15, %dma_start3A_16] : memref<4112x512xf32, #tpu.memory_space<hbm>> -> memref<16x512xf32, #tpu.memory_space<hbm>>
        %dma_start3A_18 = arith.constant 4096 : i32
        %dma_start3A_19 = arith.constant 0 : i32
        %dma_start3A_20 = tpu.memref_slice %arg4[%dma_start3A_18, %dma_start3A_19] : memref<4112x512xf32, #tpu.memory_space<hbm>> -> memref<16x512xf32, #tpu.memory_space<hbm>>
        tpu.enqueue_dma source(%arg8 : memref<16x512xf32, #tpu.memory_space<vmem>>) target(%dma_start3A_20 : memref<16x512xf32, #tpu.memory_space<hbm>>) target_semaphore(%run_scoped3A : memref<!tpu.dma_semaphore, #tpu.memory_space<semaphore_mem>>)
        %dma_wait3A_21 = arith.constant 4096 : i32
        %dma_wait3A_22 = arith.constant 0 : i32
        %dma_wait3A_23 = tpu.memref_slice %arg4[%dma_wait3A_21, %dma_wait3A_22] : memref<4112x512xf32, #tpu.memory_space<hbm>> -> memref<16x512xf32, #tpu.memory_space<hbm>>
        %dma_wait3A_24 = arith.constant 4096 : i32
        %dma_wait3A_25 = arith.constant 0 : i32
        %dma_wait3A_26 = tpu.memref_slice %arg4[%dma_wait3A_24, %dma_wait3A_25] : memref<4112x512xf32, #tpu.memory_space<hbm>> -> memref<16x512xf32, #tpu.memory_space<hbm>>
        tpu.wait_dma2 semaphore(%run_scoped3A : memref<!tpu.dma_semaphore, #tpu.memory_space<semaphore_mem>>) src(%arg8 : memref<16x512xf32, #tpu.memory_space<vmem>>) dst(%dma_wait3A_26 : memref<16x512xf32, #tpu.memory_space<hbm>>)
        tpu.yield
      }) : () -> ()
    } else {
    }
    return
  }
}

module attributes {stable_mosaic.version = 14 : i64} {
  func.func @_tc_body(%arg0: memref<8192x128xf32, #tpu.memory_space<vmem>>, %arg1: memref<64x64xf32, #tpu.memory_space<vmem>>, %arg2: memref<64x64xf32, #tpu.memory_space<vmem>>, %arg3: memref<1x64xf32, #tpu.memory_space<vmem>>, %arg4: memref<1x64xf32, #tpu.memory_space<vmem>>, %arg5: memref<512x16x512xf32, #tpu.memory_space<vmem>>, %arg6: memref<16x512x64xf32, #tpu.memory_space<vmem>>, %arg7: memref<16x64x512xf32, #tpu.memory_space<vmem>>, %arg8: memref<16x64xbf16, #tpu.memory_space<vmem>>, %arg9: memref<16x64xf32, #tpu.memory_space<vmem>>) attributes {dimension_semantics = [], scalar_prefetch = 0 : i64, scratch_operands = 4 : i64, tpu.core_type = #tpu.core_type<tc>} {
    %iota3A = tpu.iota {dimensions = array<i32: 0>} : vector<16x1x1xi32>
    %mul3A = arith.constant 34 : i32
    %mul3A_0 = vector.broadcast %mul3A : i32 to vector<16x1x1xi32>
    %mul3A_1 = arith.muli %mul3A_0, %iota3A : vector<16x1x1xi32>
    %sub3A = arith.constant 512 : i32
    %sub3A_2 = vector.broadcast %sub3A : i32 to vector<16x1x1xi32>
    %sub3A_3 = arith.subi %sub3A_2, %mul3A_1 : vector<16x1x1xi32>
    %convert_element_type3A = arith.sitofp %sub3A_3 : vector<16x1x1xi32> to vector<16x1x1xf32>
    %iota3A_4 = tpu.iota {dimensions = array<i32: 1>} : vector<16x512x1xi32>
    %get3A = arith.constant 0 : index
    %get3A_5 = arith.constant 0 : index
    %get3A_6 = vector.load %arg0[%get3A, %get3A_5] : memref<8192x128xf32, #tpu.memory_space<vmem>>, vector<8192x128xf32>
    %reshape3A = vector.shape_cast %get3A_6 : vector<8192x128xf32> to vector<16x512x128xf32>
    %slice3A = vector.extract_strided_slice %reshape3A {offsets = [0, 0, 0], sizes = [16, 512, 64], strides = [1, 1, 1]} : vector<16x512x128xf32> to vector<16x512x64xf32>
    %lt3A = vector.broadcast %sub3A_3 : vector<16x1x1xi32> to vector<16x512x1xi32>
    %lt3A_7 = arith.cmpi slt, %iota3A_4, %lt3A : vector<16x512x1xi32>
    %jit3A = arith.constant 0.000000e+00 : f32
    %broadcast_in_dim3A = vector.shape_cast %lt3A_7 : vector<16x512x1xi1> to vector<16x512x1xi1>
    %broadcast_in_dim3A_8 = vector.broadcast %broadcast_in_dim3A : vector<16x512x1xi1> to vector<16x512x64xi1>
    %broadcast_in_dim3A_9 = vector.broadcast %jit3A : f32 to vector<16x512x64xf32>
    %select_n3A = arith.select %broadcast_in_dim3A_8, %slice3A, %broadcast_in_dim3A_9 : vector<16x512x64xi1>, vector<16x512x64xf32>
    %swap3A = arith.constant 0 : index
    %swap3A_10 = arith.constant 0 : index
    %swap3A_11 = arith.constant 0 : index
    %swap3A_12 = vector.load %arg6[%swap3A, %swap3A_10, %swap3A_11] : memref<16x512x64xf32, #tpu.memory_space<vmem>>, vector<16x512x64xf32>
    tpu.vector_store %arg6[%swap3A, %swap3A_10, %swap3A_11], %select_n3A {strides = array<i32>} : memref<16x512x64xf32, #tpu.memory_space<vmem>>, vector<16x512x64xf32>,
    %slice3A_13 = vector.extract_strided_slice %select_n3A {offsets = [0, 0, 0], sizes = [1, 512, 64], strides = [1, 1, 1]} : vector<16x512x64xf32> to vector<1x512x64xf32>
    %squeeze3A = vector.shape_cast %slice3A_13 : vector<1x512x64xf32> to vector<512x64xf32>
    %transpose3A = tpu.transpose %squeeze3A, [1, 0] : vector<512x64xf32> -> vector<64x512xf32>
    %swap3A_14 = arith.constant 0 : index
    %swap3A_15 = arith.constant 0 : index
    %swap3A_16 = arith.constant 0 : index
    %swap3A_17 = vector.load %arg7[%swap3A_14, %swap3A_15, %swap3A_16] : memref<16x64x512xf32, #tpu.memory_space<vmem>>, vector<1x64x512xf32>
    %swap3A_18 = vector.shape_cast %swap3A_17 : vector<1x64x512xf32> to vector<64x512xf32>
    %swap3A_19 = vector.shape_cast %transpose3A : vector<64x512xf32> to vector<1x64x512xf32>
    tpu.vector_store %arg7[%swap3A_14, %swap3A_15, %swap3A_16], %swap3A_19 {strides = array<i32>} : memref<16x64x512xf32, #tpu.memory_space<vmem>>, vector<1x64x512xf32>,
    %slice3A_20 = vector.extract_strided_slice %select_n3A {offsets = [1, 0, 0], sizes = [1, 512, 64], strides = [1, 1, 1]} : vector<16x512x64xf32> to vector<1x512x64xf32>
    %squeeze3A_21 = vector.shape_cast %slice3A_20 : vector<1x512x64xf32> to vector<512x64xf32>
    %transpose3A_22 = tpu.transpose %squeeze3A_21, [1, 0] : vector<512x64xf32> -> vector<64x512xf32>
    %swap3A_23 = arith.constant 1 : index
    %swap3A_24 = arith.constant 0 : index
    %swap3A_25 = arith.constant 0 : index
    %swap3A_26 = vector.load %arg7[%swap3A_23, %swap3A_24, %swap3A_25] : memref<16x64x512xf32, #tpu.memory_space<vmem>>, vector<1x64x512xf32>
    %swap3A_27 = vector.shape_cast %swap3A_26 : vector<1x64x512xf32> to vector<64x512xf32>
    %swap3A_28 = vector.shape_cast %transpose3A_22 : vector<64x512xf32> to vector<1x64x512xf32>
    tpu.vector_store %arg7[%swap3A_23, %swap3A_24, %swap3A_25], %swap3A_28 {strides = array<i32>} : memref<16x64x512xf32, #tpu.memory_space<vmem>>, vector<1x64x512xf32>,
    %slice3A_29 = vector.extract_strided_slice %select_n3A {offsets = [2, 0, 0], sizes = [1, 512, 64], strides = [1, 1, 1]} : vector<16x512x64xf32> to vector<1x512x64xf32>
    %squeeze3A_30 = vector.shape_cast %slice3A_29 : vector<1x512x64xf32> to vector<512x64xf32>
    %transpose3A_31 = tpu.transpose %squeeze3A_30, [1, 0] : vector<512x64xf32> -> vector<64x512xf32>
    %swap3A_32 = arith.constant 2 : index
    %swap3A_33 = arith.constant 0 : index
    %swap3A_34 = arith.constant 0 : index
    %swap3A_35 = vector.load %arg7[%swap3A_32, %swap3A_33, %swap3A_34] : memref<16x64x512xf32, #tpu.memory_space<vmem>>, vector<1x64x512xf32>
    %swap3A_36 = vector.shape_cast %swap3A_35 : vector<1x64x512xf32> to vector<64x512xf32>
    %swap3A_37 = vector.shape_cast %transpose3A_31 : vector<64x512xf32> to vector<1x64x512xf32>
    tpu.vector_store %arg7[%swap3A_32, %swap3A_33, %swap3A_34], %swap3A_37 {strides = array<i32>} : memref<16x64x512xf32, #tpu.memory_space<vmem>>, vector<1x64x512xf32>,
    %slice3A_38 = vector.extract_strided_slice %select_n3A {offsets = [3, 0, 0], sizes = [1, 512, 64], strides = [1, 1, 1]} : vector<16x512x64xf32> to vector<1x512x64xf32>
    %squeeze3A_39 = vector.shape_cast %slice3A_38 : vector<1x512x64xf32> to vector<512x64xf32>
    %transpose3A_40 = tpu.transpose %squeeze3A_39, [1, 0] : vector<512x64xf32> -> vector<64x512xf32>
    %swap3A_41 = arith.constant 3 : index
    %swap3A_42 = arith.constant 0 : index
    %swap3A_43 = arith.constant 0 : index
    %swap3A_44 = vector.load %arg7[%swap3A_41, %swap3A_42, %swap3A_43] : memref<16x64x512xf32, #tpu.memory_space<vmem>>, vector<1x64x512xf32>
    %swap3A_45 = vector.shape_cast %swap3A_44 : vector<1x64x512xf32> to vector<64x512xf32>
    %swap3A_46 = vector.shape_cast %transpose3A_40 : vector<64x512xf32> to vector<1x64x512xf32>
    tpu.vector_store %arg7[%swap3A_41, %swap3A_42, %swap3A_43], %swap3A_46 {strides = array<i32>} : memref<16x64x512xf32, #tpu.memory_space<vmem>>, vector<1x64x512xf32>,
    %slice3A_47 = vector.extract_strided_slice %select_n3A {offsets = [4, 0, 0], sizes = [1, 512, 64], strides = [1, 1, 1]} : vector<16x512x64xf32> to vector<1x512x64xf32>
    %squeeze3A_48 = vector.shape_cast %slice3A_47 : vector<1x512x64xf32> to vector<512x64xf32>
    %transpose3A_49 = tpu.transpose %squeeze3A_48, [1, 0] : vector<512x64xf32> -> vector<64x512xf32>
    %swap3A_50 = arith.constant 4 : index
    %swap3A_51 = arith.constant 0 : index
    %swap3A_52 = arith.constant 0 : index
    %swap3A_53 = vector.load %arg7[%swap3A_50, %swap3A_51, %swap3A_52] : memref<16x64x512xf32, #tpu.memory_space<vmem>>, vector<1x64x512xf32>
    %swap3A_54 = vector.shape_cast %swap3A_53 : vector<1x64x512xf32> to vector<64x512xf32>
    %swap3A_55 = vector.shape_cast %transpose3A_49 : vector<64x512xf32> to vector<1x64x512xf32>
    tpu.vector_store %arg7[%swap3A_50, %swap3A_51, %swap3A_52], %swap3A_55 {strides = array<i32>} : memref<16x64x512xf32, #tpu.memory_space<vmem>>, vector<1x64x512xf32>,
    %slice3A_56 = vector.extract_strided_slice %select_n3A {offsets = [5, 0, 0], sizes = [1, 512, 64], strides = [1, 1, 1]} : vector<16x512x64xf32> to vector<1x512x64xf32>
    %squeeze3A_57 = vector.shape_cast %slice3A_56 : vector<1x512x64xf32> to vector<512x64xf32>
    %transpose3A_58 = tpu.transpose %squeeze3A_57, [1, 0] : vector<512x64xf32> -> vector<64x512xf32>
    %swap3A_59 = arith.constant 5 : index
    %swap3A_60 = arith.constant 0 : index
    %swap3A_61 = arith.constant 0 : index
    %swap3A_62 = vector.load %arg7[%swap3A_59, %swap3A_60, %swap3A_61] : memref<16x64x512xf32, #tpu.memory_space<vmem>>, vector<1x64x512xf32>
    %swap3A_63 = vector.shape_cast %swap3A_62 : vector<1x64x512xf32> to vector<64x512xf32>
    %swap3A_64 = vector.shape_cast %transpose3A_58 : vector<64x512xf32> to vector<1x64x512xf32>
    tpu.vector_store %arg7[%swap3A_59, %swap3A_60, %swap3A_61], %swap3A_64 {strides = array<i32>} : memref<16x64x512xf32, #tpu.memory_space<vmem>>, vector<1x64x512xf32>,
    %slice3A_65 = vector.extract_strided_slice %select_n3A {offsets = [6, 0, 0], sizes = [1, 512, 64], strides = [1, 1, 1]} : vector<16x512x64xf32> to vector<1x512x64xf32>
    %squeeze3A_66 = vector.shape_cast %slice3A_65 : vector<1x512x64xf32> to vector<512x64xf32>
    %transpose3A_67 = tpu.transpose %squeeze3A_66, [1, 0] : vector<512x64xf32> -> vector<64x512xf32>
    %swap3A_68 = arith.constant 6 : index
    %swap3A_69 = arith.constant 0 : index
    %swap3A_70 = arith.constant 0 : index
    %swap3A_71 = vector.load %arg7[%swap3A_68, %swap3A_69, %swap3A_70] : memref<16x64x512xf32, #tpu.memory_space<vmem>>, vector<1x64x512xf32>
    %swap3A_72 = vector.shape_cast %swap3A_71 : vector<1x64x512xf32> to vector<64x512xf32>
    %swap3A_73 = vector.shape_cast %transpose3A_67 : vector<64x512xf32> to vector<1x64x512xf32>
    tpu.vector_store %arg7[%swap3A_68, %swap3A_69, %swap3A_70], %swap3A_73 {strides = array<i32>} : memref<16x64x512xf32, #tpu.memory_space<vmem>>, vector<1x64x512xf32>,
    %slice3A_74 = vector.extract_strided_slice %select_n3A {offsets = [7, 0, 0], sizes = [1, 512, 64], strides = [1, 1, 1]} : vector<16x512x64xf32> to vector<1x512x64xf32>
    %squeeze3A_75 = vector.shape_cast %slice3A_74 : vector<1x512x64xf32> to vector<512x64xf32>
    %transpose3A_76 = tpu.transpose %squeeze3A_75, [1, 0] : vector<512x64xf32> -> vector<64x512xf32>
    %swap3A_77 = arith.constant 7 : index
    %swap3A_78 = arith.constant 0 : index
    %swap3A_79 = arith.constant 0 : index
    %swap3A_80 = vector.load %arg7[%swap3A_77, %swap3A_78, %swap3A_79] : memref<16x64x512xf32, #tpu.memory_space<vmem>>, vector<1x64x512xf32>
    %swap3A_81 = vector.shape_cast %swap3A_80 : vector<1x64x512xf32> to vector<64x512xf32>
    %swap3A_82 = vector.shape_cast %transpose3A_76 : vector<64x512xf32> to vector<1x64x512xf32>
    tpu.vector_store %arg7[%swap3A_77, %swap3A_78, %swap3A_79], %swap3A_82 {strides = array<i32>} : memref<16x64x512xf32, #tpu.memory_space<vmem>>, vector<1x64x512xf32>,
    %slice3A_83 = vector.extract_strided_slice %select_n3A {offsets = [8, 0, 0], sizes = [1, 512, 64], strides = [1, 1, 1]} : vector<16x512x64xf32> to vector<1x512x64xf32>
    %squeeze3A_84 = vector.shape_cast %slice3A_83 : vector<1x512x64xf32> to vector<512x64xf32>
    %transpose3A_85 = tpu.transpose %squeeze3A_84, [1, 0] : vector<512x64xf32> -> vector<64x512xf32>
    %swap3A_86 = arith.constant 8 : index
    %swap3A_87 = arith.constant 0 : index
    %swap3A_88 = arith.constant 0 : index
    %swap3A_89 = vector.load %arg7[%swap3A_86, %swap3A_87, %swap3A_88] : memref<16x64x512xf32, #tpu.memory_space<vmem>>, vector<1x64x512xf32>
    %swap3A_90 = vector.shape_cast %swap3A_89 : vector<1x64x512xf32> to vector<64x512xf32>
    %swap3A_91 = vector.shape_cast %transpose3A_85 : vector<64x512xf32> to vector<1x64x512xf32>
    tpu.vector_store %arg7[%swap3A_86, %swap3A_87, %swap3A_88], %swap3A_91 {strides = array<i32>} : memref<16x64x512xf32, #tpu.memory_space<vmem>>, vector<1x64x512xf32>,
    %slice3A_92 = vector.extract_strided_slice %select_n3A {offsets = [9, 0, 0], sizes = [1, 512, 64], strides = [1, 1, 1]} : vector<16x512x64xf32> to vector<1x512x64xf32>
    %squeeze3A_93 = vector.shape_cast %slice3A_92 : vector<1x512x64xf32> to vector<512x64xf32>
    %transpose3A_94 = tpu.transpose %squeeze3A_93, [1, 0] : vector<512x64xf32> -> vector<64x512xf32>
    %swap3A_95 = arith.constant 9 : index
    %swap3A_96 = arith.constant 0 : index
    %swap3A_97 = arith.constant 0 : index
    %swap3A_98 = vector.load %arg7[%swap3A_95, %swap3A_96, %swap3A_97] : memref<16x64x512xf32, #tpu.memory_space<vmem>>, vector<1x64x512xf32>
    %swap3A_99 = vector.shape_cast %swap3A_98 : vector<1x64x512xf32> to vector<64x512xf32>
    %swap3A_100 = vector.shape_cast %transpose3A_94 : vector<64x512xf32> to vector<1x64x512xf32>
    tpu.vector_store %arg7[%swap3A_95, %swap3A_96, %swap3A_97], %swap3A_100 {strides = array<i32>} : memref<16x64x512xf32, #tpu.memory_space<vmem>>, vector<1x64x512xf32>,
    %slice3A_101 = vector.extract_strided_slice %select_n3A {offsets = [10, 0, 0], sizes = [1, 512, 64], strides = [1, 1, 1]} : vector<16x512x64xf32> to vector<1x512x64xf32>
    %squeeze3A_102 = vector.shape_cast %slice3A_101 : vector<1x512x64xf32> to vector<512x64xf32>
    %transpose3A_103 = tpu.transpose %squeeze3A_102, [1, 0] : vector<512x64xf32> -> vector<64x512xf32>
    %swap3A_104 = arith.constant 10 : index
    %swap3A_105 = arith.constant 0 : index
    %swap3A_106 = arith.constant 0 : index
    %swap3A_107 = vector.load %arg7[%swap3A_104, %swap3A_105, %swap3A_106] : memref<16x64x512xf32, #tpu.memory_space<vmem>>, vector<1x64x512xf32>
    %swap3A_108 = vector.shape_cast %swap3A_107 : vector<1x64x512xf32> to vector<64x512xf32>
    %swap3A_109 = vector.shape_cast %transpose3A_103 : vector<64x512xf32> to vector<1x64x512xf32>
    tpu.vector_store %arg7[%swap3A_104, %swap3A_105, %swap3A_106], %swap3A_109 {strides = array<i32>} : memref<16x64x512xf32, #tpu.memory_space<vmem>>, vector<1x64x512xf32>,
    %slice3A_110 = vector.extract_strided_slice %select_n3A {offsets = [11, 0, 0], sizes = [1, 512, 64], strides = [1, 1, 1]} : vector<16x512x64xf32> to vector<1x512x64xf32>
    %squeeze3A_111 = vector.shape_cast %slice3A_110 : vector<1x512x64xf32> to vector<512x64xf32>
    %transpose3A_112 = tpu.transpose %squeeze3A_111, [1, 0] : vector<512x64xf32> -> vector<64x512xf32>
    %swap3A_113 = arith.constant 11 : index
    %swap3A_114 = arith.constant 0 : index
    %swap3A_115 = arith.constant 0 : index
    %swap3A_116 = vector.load %arg7[%swap3A_113, %swap3A_114, %swap3A_115] : memref<16x64x512xf32, #tpu.memory_space<vmem>>, vector<1x64x512xf32>
    %swap3A_117 = vector.shape_cast %swap3A_116 : vector<1x64x512xf32> to vector<64x512xf32>
    %swap3A_118 = vector.shape_cast %transpose3A_112 : vector<64x512xf32> to vector<1x64x512xf32>
    tpu.vector_store %arg7[%swap3A_113, %swap3A_114, %swap3A_115], %swap3A_118 {strides = array<i32>} : memref<16x64x512xf32, #tpu.memory_space<vmem>>, vector<1x64x512xf32>,
    %slice3A_119 = vector.extract_strided_slice %select_n3A {offsets = [12, 0, 0], sizes = [1, 512, 64], strides = [1, 1, 1]} : vector<16x512x64xf32> to vector<1x512x64xf32>
    %squeeze3A_120 = vector.shape_cast %slice3A_119 : vector<1x512x64xf32> to vector<512x64xf32>
    %transpose3A_121 = tpu.transpose %squeeze3A_120, [1, 0] : vector<512x64xf32> -> vector<64x512xf32>
    %swap3A_122 = arith.constant 12 : index
    %swap3A_123 = arith.constant 0 : index
    %swap3A_124 = arith.constant 0 : index
    %swap3A_125 = vector.load %arg7[%swap3A_122, %swap3A_123, %swap3A_124] : memref<16x64x512xf32, #tpu.memory_space<vmem>>, vector<1x64x512xf32>
    %swap3A_126 = vector.shape_cast %swap3A_125 : vector<1x64x512xf32> to vector<64x512xf32>
    %swap3A_127 = vector.shape_cast %transpose3A_121 : vector<64x512xf32> to vector<1x64x512xf32>
    tpu.vector_store %arg7[%swap3A_122, %swap3A_123, %swap3A_124], %swap3A_127 {strides = array<i32>} : memref<16x64x512xf32, #tpu.memory_space<vmem>>, vector<1x64x512xf32>,
    %slice3A_128 = vector.extract_strided_slice %select_n3A {offsets = [13, 0, 0], sizes = [1, 512, 64], strides = [1, 1, 1]} : vector<16x512x64xf32> to vector<1x512x64xf32>
    %squeeze3A_129 = vector.shape_cast %slice3A_128 : vector<1x512x64xf32> to vector<512x64xf32>
    %transpose3A_130 = tpu.transpose %squeeze3A_129, [1, 0] : vector<512x64xf32> -> vector<64x512xf32>
    %swap3A_131 = arith.constant 13 : index
    %swap3A_132 = arith.constant 0 : index
    %swap3A_133 = arith.constant 0 : index
    %swap3A_134 = vector.load %arg7[%swap3A_131, %swap3A_132, %swap3A_133] : memref<16x64x512xf32, #tpu.memory_space<vmem>>, vector<1x64x512xf32>
    %swap3A_135 = vector.shape_cast %swap3A_134 : vector<1x64x512xf32> to vector<64x512xf32>
    %swap3A_136 = vector.shape_cast %transpose3A_130 : vector<64x512xf32> to vector<1x64x512xf32>
    tpu.vector_store %arg7[%swap3A_131, %swap3A_132, %swap3A_133], %swap3A_136 {strides = array<i32>} : memref<16x64x512xf32, #tpu.memory_space<vmem>>, vector<1x64x512xf32>,
    %slice3A_137 = vector.extract_strided_slice %select_n3A {offsets = [14, 0, 0], sizes = [1, 512, 64], strides = [1, 1, 1]} : vector<16x512x64xf32> to vector<1x512x64xf32>
    %squeeze3A_138 = vector.shape_cast %slice3A_137 : vector<1x512x64xf32> to vector<512x64xf32>
    %transpose3A_139 = tpu.transpose %squeeze3A_138, [1, 0] : vector<512x64xf32> -> vector<64x512xf32>
    %swap3A_140 = arith.constant 14 : index
    %swap3A_141 = arith.constant 0 : index
    %swap3A_142 = arith.constant 0 : index
    %swap3A_143 = vector.load %arg7[%swap3A_140, %swap3A_141, %swap3A_142] : memref<16x64x512xf32, #tpu.memory_space<vmem>>, vector<1x64x512xf32>
    %swap3A_144 = vector.shape_cast %swap3A_143 : vector<1x64x512xf32> to vector<64x512xf32>
    %swap3A_145 = vector.shape_cast %transpose3A_139 : vector<64x512xf32> to vector<1x64x512xf32>
    tpu.vector_store %arg7[%swap3A_140, %swap3A_141, %swap3A_142], %swap3A_145 {strides = array<i32>} : memref<16x64x512xf32, #tpu.memory_space<vmem>>, vector<1x64x512xf32>,
    %slice3A_146 = vector.extract_strided_slice %select_n3A {offsets = [15, 0, 0], sizes = [1, 512, 64], strides = [1, 1, 1]} : vector<16x512x64xf32> to vector<1x512x64xf32>
    %squeeze3A_147 = vector.shape_cast %slice3A_146 : vector<1x512x64xf32> to vector<512x64xf32>
    %transpose3A_148 = tpu.transpose %squeeze3A_147, [1, 0] : vector<512x64xf32> -> vector<64x512xf32>
    %swap3A_149 = arith.constant 15 : index
    %swap3A_150 = arith.constant 0 : index
    %swap3A_151 = arith.constant 0 : index
    %swap3A_152 = vector.load %arg7[%swap3A_149, %swap3A_150, %swap3A_151] : memref<16x64x512xf32, #tpu.memory_space<vmem>>, vector<1x64x512xf32>
    %swap3A_153 = vector.shape_cast %swap3A_152 : vector<1x64x512xf32> to vector<64x512xf32>
    %swap3A_154 = vector.shape_cast %transpose3A_148 : vector<64x512xf32> to vector<1x64x512xf32>
    tpu.vector_store %arg7[%swap3A_149, %swap3A_150, %swap3A_151], %swap3A_154 {strides = array<i32>} : memref<16x64x512xf32, #tpu.memory_space<vmem>>, vector<1x64x512xf32>,
    %get3A_155 = arith.constant 0 : index
    %get3A_156 = arith.constant 0 : index
    %get3A_157 = arith.constant 0 : index
    %get3A_158 = vector.load %arg7[%get3A_155, %get3A_156, %get3A_157] : memref<16x64x512xf32, #tpu.memory_space<vmem>>, vector<16x64x512xf32>
    %reduce_sum3A = arith.constant dense<0.000000e+00> : vector<16x64xf32>
    %reduce_sum3A_159 = vector.multi_reduction <add>, %get3A_158, %reduce_sum3A [2] : vector<16x64x512xf32> to vector<16x64xf32>
    %reshape3A_160 = vector.shape_cast %convert_element_type3A : vector<16x1x1xf32> to vector<16x1xf32>
    %div3A = vector.broadcast %reshape3A_160 : vector<16x1xf32> to vector<16x64xf32>
    %div3A_161 = arith.divf %reduce_sum3A_159, %div3A : vector<16x64xf32>
    %broadcast_in_dim3A_162 = arith.constant 0.000000e+00 : f32
    %broadcast_in_dim3A_163 = vector.broadcast %broadcast_in_dim3A_162 : f32 to vector<16x64xf32>
    %swap3A_164 = arith.constant 0 : index
    %swap3A_165 = arith.constant 0 : index
    %swap3A_166 = vector.load %arg9[%swap3A_164, %swap3A_165] : memref<16x64xf32, #tpu.memory_space<vmem>>, vector<16x64xf32>
    tpu.vector_store %arg9[%swap3A_164, %swap3A_165], %broadcast_in_dim3A_163 {strides = array<i32>} : memref<16x64xf32, #tpu.memory_space<vmem>>, vector<16x64xf32>,
    %get3A_167 = arith.constant 0 : index
    %get3A_168 = arith.constant 0 : index
    %get3A_169 = vector.load %arg9[%get3A_167, %get3A_168] : memref<16x64xf32, #tpu.memory_space<vmem>>, vector<16x64xf32>
    %get3A_170 = arith.constant 0 : index
    %get3A_171 = arith.constant 0 : index
    %get3A_172 = vector.load %arg1[%get3A_170, %get3A_171] : memref<64x64xf32, #tpu.memory_space<vmem>>, vector<64x64xf32>
    %dot_general3A = arith.constant dense<0.000000e+00> : vector<16x64xf32>
    %dot_general3A_173 = tpu.matmul %div3A_161, %get3A_172, %dot_general3A {dimension_numbers = #tpu.dot_dimension_numbers<[1], [0], [0], [1], [0, 0, 1, 1], [], []>, transpose_lhs_hint = false} : vector<16x64xf32>, vector<64x64xf32>, vector<16x64xf32> -> vector<16x64xf32>
    %get3A_174 = arith.constant 0 : index
    %get3A_175 = arith.constant 0 : index
    %get3A_176 = vector.load %arg3[%get3A_174, %get3A_175] : memref<1x64xf32, #tpu.memory_space<vmem>>, vector<1x64xf32>
    %add3A = vector.broadcast %get3A_176 : vector<1x64xf32> to vector<16x64xf32>
    %add3A_177 = arith.addf %dot_general3A_173, %add3A : vector<16x64xf32>
    %get3A_178 = arith.constant 0 : index
    %get3A_179 = arith.constant 0 : index
    %get3A_180 = vector.load %arg2[%get3A_178, %get3A_179] : memref<64x64xf32, #tpu.memory_space<vmem>>, vector<64x64xf32>
    %dot_general3A_181 = arith.constant dense<0.000000e+00> : vector<16x64xf32>
    %dot_general3A_182 = tpu.matmul %get3A_169, %get3A_180, %dot_general3A_181 {dimension_numbers = #tpu.dot_dimension_numbers<[1], [0], [0], [1], [0, 0, 1, 1], [], []>, transpose_lhs_hint = false} : vector<16x64xf32>, vector<64x64xf32>, vector<16x64xf32> -> vector<16x64xf32>
    %add3A_183 = arith.addf %add3A_177, %dot_general3A_182 : vector<16x64xf32>
    %get3A_184 = arith.constant 0 : index
    %get3A_185 = arith.constant 0 : index
    %get3A_186 = vector.load %arg4[%get3A_184, %get3A_185] : memref<1x64xf32, #tpu.memory_space<vmem>>, vector<1x64xf32>
    %add3A_187 = vector.broadcast %get3A_186 : vector<1x64xf32> to vector<16x64xf32>
    %add3A_188 = arith.addf %add3A_183, %add3A_187 : vector<16x64xf32>
    %tanh3A = math.tanh %add3A_188 : vector<16x64xf32>
    %get3A_189 = arith.constant 0 : index
    %get3A_190 = arith.constant 0 : index
    %get3A_191 = arith.constant 0 : index
    %get3A_192 = vector.load %arg6[%get3A_189, %get3A_190, %get3A_191] : memref<16x512x64xf32, #tpu.memory_space<vmem>>, vector<16x512x64xf32>
    %reshape3A_193 = vector.shape_cast %get3A_192 : vector<16x512x64xf32> to vector<8192x64xf32>
    %dot_general3A_194 = arith.constant dense<0.000000e+00> : vector<8192x16xf32>
    %dot_general3A_195 = tpu.matmul %reshape3A_193, %tanh3A, %dot_general3A_194 {dimension_numbers = #tpu.dot_dimension_numbers<[1], [1], [0], [0], [0, 0, 1, 0], [], []>, transpose_lhs_hint = false} : vector<8192x64xf32>, vector<16x64xf32>, vector<8192x16xf32> -> vector<8192x16xf32>
    %reshape3A_196 = vector.shape_cast %dot_general3A_195 : vector<8192x16xf32> to vector<16x512x16xf32>
    %iota3A_197 = tpu.iota {dimensions = array<i32: 0>} : vector<16x1x16xi32>
    %iota3A_198 = tpu.iota {dimensions = array<i32: 2>} : vector<16x1x16xi32>
    %eq3A = arith.cmpi eq, %iota3A_197, %iota3A_198 : vector<16x1x16xi32>
    %jit3A_199 = arith.constant 0.000000e+00 : f32
    %broadcast_in_dim3A_200 = vector.shape_cast %eq3A : vector<16x1x16xi1> to vector<16x1x16xi1>
    %broadcast_in_dim3A_201 = vector.broadcast %broadcast_in_dim3A_200 : vector<16x1x16xi1> to vector<16x512x16xi1>
    %broadcast_in_dim3A_202 = vector.broadcast %jit3A_199 : f32 to vector<16x512x16xf32>
    %select_n3A_203 = arith.select %broadcast_in_dim3A_201, %reshape3A_196, %broadcast_in_dim3A_202 : vector<16x512x16xi1>, vector<16x512x16xf32>
    %reduce_sum3A_204 = arith.constant dense<0.000000e+00> : vector<16x512xf32>
    %reduce_sum3A_205 = vector.multi_reduction <add>, %select_n3A_203, %reduce_sum3A_204 [2] : vector<16x512x16xf32> to vector<16x512xf32>
    %reduce_max3A = arith.constant dense<0xFF800000> : vector<16xf32>
    %reduce_max3A_206 = vector.multi_reduction <maximumf>, %reduce_sum3A_205, %reduce_max3A [1] : vector<16x512xf32> to vector<16xf32>
    %broadcast_in_dim3A_207 = vector.shape_cast %reduce_max3A_206 : vector<16xf32> to vector<16x1xf32>
    %sub3A_208 = vector.broadcast %broadcast_in_dim3A_207 : vector<16x1xf32> to vector<16x512xf32>
    %sub3A_209 = arith.subf %reduce_sum3A_205, %sub3A_208 : vector<16x512xf32>
    %exp3A = math.exp %sub3A_209 : vector<16x512xf32>
    %slice3A_210 = vector.extract_strided_slice %exp3A {offsets = [0, 0], sizes = [16, 128], strides = [1, 1]} : vector<16x512xf32> to vector<16x128xf32>
    %slice3A_211 = vector.extract_strided_slice %exp3A {offsets = [0, 128], sizes = [16, 128], strides = [1, 1]} : vector<16x512xf32> to vector<16x128xf32>
    %slice3A_212 = vector.extract_strided_slice %exp3A {offsets = [0, 256], sizes = [16, 128], strides = [1, 1]} : vector<16x512xf32> to vector<16x128xf32>
    %slice3A_213 = vector.extract_strided_slice %exp3A {offsets = [0, 384], sizes = [16, 128], strides = [1, 1]} : vector<16x512xf32> to vector<16x128xf32>
    %add3A_214 = arith.addf %slice3A_210, %slice3A_211 : vector<16x128xf32>
    %add3A_215 = arith.addf %slice3A_212, %slice3A_213 : vector<16x128xf32>
    %add3A_216 = arith.addf %add3A_214, %add3A_215 : vector<16x128xf32>
    %slice3A_217 = vector.extract_strided_slice %add3A_216 {offsets = [0, 0], sizes = [16, 64], strides = [1, 1]} : vector<16x128xf32> to vector<16x64xf32>
    %slice3A_218 = vector.extract_strided_slice %add3A_216 {offsets = [0, 64], sizes = [16, 64], strides = [1, 1]} : vector<16x128xf32> to vector<16x64xf32>
    %add3A_219 = arith.addf %slice3A_217, %slice3A_218 : vector<16x64xf32>
    %slice3A_220 = vector.extract_strided_slice %add3A_219 {offsets = [0, 0], sizes = [16, 32], strides = [1, 1]} : vector<16x64xf32> to vector<16x32xf32>
    %slice3A_221 = vector.extract_strided_slice %add3A_219 {offsets = [0, 32], sizes = [16, 32], strides = [1, 1]} : vector<16x64xf32> to vector<16x32xf32>
    %add3A_222 = arith.addf %slice3A_220, %slice3A_221 : vector<16x32xf32>
    %slice3A_223 = vector.extract_strided_slice %add3A_222 {offsets = [0, 0], sizes = [16, 16], strides = [1, 1]} : vector<16x32xf32> to vector<16x16xf32>
    %slice3A_224 = vector.extract_strided_slice %add3A_222 {offsets = [0, 16], sizes = [16, 16], strides = [1, 1]} : vector<16x32xf32> to vector<16x16xf32>
    %add3A_225 = arith.addf %slice3A_223, %slice3A_224 : vector<16x16xf32>
    %slice3A_226 = vector.extract_strided_slice %add3A_225 {offsets = [0, 0], sizes = [16, 8], strides = [1, 1]} : vector<16x16xf32> to vector<16x8xf32>
    %slice3A_227 = vector.extract_strided_slice %add3A_225 {offsets = [0, 8], sizes = [16, 8], strides = [1, 1]} : vector<16x16xf32> to vector<16x8xf32>
    %add3A_228 = arith.addf %slice3A_226, %slice3A_227 : vector<16x8xf32>
    %slice3A_229 = vector.extract_strided_slice %add3A_228 {offsets = [0, 0], sizes = [16, 4], strides = [1, 1]} : vector<16x8xf32> to vector<16x4xf32>
    %slice3A_230 = vector.extract_strided_slice %add3A_228 {offsets = [0, 4], sizes = [16, 4], strides = [1, 1]} : vector<16x8xf32> to vector<16x4xf32>
    %add3A_231 = arith.addf %slice3A_229, %slice3A_230 : vector<16x4xf32>
    %slice3A_232 = vector.extract_strided_slice %add3A_231 {offsets = [0, 0], sizes = [16, 2], strides = [1, 1]} : vector<16x4xf32> to vector<16x2xf32>
    %slice3A_233 = vector.extract_strided_slice %add3A_231 {offsets = [0, 2], sizes = [16, 2], strides = [1, 1]} : vector<16x4xf32> to vector<16x2xf32>
    %add3A_234 = arith.addf %slice3A_232, %slice3A_233 : vector<16x2xf32>
    %slice3A_235 = vector.extract_strided_slice %add3A_234 {offsets = [0, 0], sizes = [16, 1], strides = [1, 1]} : vector<16x2xf32> to vector<16x1xf32>
    %slice3A_236 = vector.extract_strided_slice %add3A_234 {offsets = [0, 1], sizes = [16, 1], strides = [1, 1]} : vector<16x2xf32> to vector<16x1xf32>
    %add3A_237 = arith.addf %slice3A_235, %slice3A_236 : vector<16x1xf32>
    %log3A = math.log %add3A_237 : vector<16x1xf32>
    %sub3A_238 = vector.broadcast %log3A : vector<16x1xf32> to vector<16x512xf32>
    %sub3A_239 = arith.subf %sub3A_209, %sub3A_238 : vector<16x512xf32>
    %exp3A_240 = math.exp %sub3A_239 : vector<16x512xf32>
    %get3A_241 = arith.constant 0 : index
    %get3A_242 = arith.constant 0 : index
    %get3A_243 = arith.constant 0 : index
    %get3A_244 = vector.load %arg7[%get3A_241, %get3A_242, %get3A_243] : memref<16x64x512xf32, #tpu.memory_space<vmem>>, vector<16x64x512xf32>
    %broadcast_in_dim3A_245 = vector.shape_cast %exp3A_240 : vector<16x512xf32> to vector<16x1x512xf32>
    %mul3A_246 = vector.broadcast %broadcast_in_dim3A_245 : vector<16x1x512xf32> to vector<16x64x512xf32>
    %mul3A_247 = arith.mulf %get3A_244, %mul3A_246 : vector<16x64x512xf32>
    %reduce_sum3A_248 = arith.constant dense<0.000000e+00> : vector<16x64xf32>
    %reduce_sum3A_249 = vector.multi_reduction <add>, %mul3A_247, %reduce_sum3A_248 [2] : vector<16x64x512xf32> to vector<16x64xf32>
    %convert_element_type3A_250 = arith.truncf %reduce_sum3A_249 : vector<16x64xf32> to vector<16x64xbf16>
    %swap3A_251 = arith.constant 0 : index
    %swap3A_252 = arith.constant 0 : index
    %swap3A_253 = vector.load %arg8[%swap3A_251, %swap3A_252] : memref<16x64xbf16, #tpu.memory_space<vmem>>, vector<16x64xbf16>
    tpu.vector_store %arg8[%swap3A_251, %swap3A_252], %convert_element_type3A_250 {strides = array<i32>} : memref<16x64xbf16, #tpu.memory_space<vmem>>, vector<16x64xbf16>,
    %swap3A_254 = arith.constant 0 : index
    %swap3A_255 = arith.constant 0 : index
    %swap3A_256 = vector.load %arg9[%swap3A_254, %swap3A_255] : memref<16x64xf32, #tpu.memory_space<vmem>>, vector<16x64xf32>
    tpu.vector_store %arg9[%swap3A_254, %swap3A_255], %tanh3A {strides = array<i32>} : memref<16x64xf32, #tpu.memory_space<vmem>>, vector<16x64xf32>,
    %swap3A_257 = arith.constant 0 : index
    %swap3A_258 = arith.constant 0 : index
    %swap3A_259 = arith.constant 0 : index
    %swap3A_260 = vector.load %arg5[%swap3A_257, %swap3A_258, %swap3A_259] : memref<512x16x512xf32, #tpu.memory_space<vmem>>, vector<1x16x512xf32>
    %swap3A_261 = vector.shape_cast %swap3A_260 : vector<1x16x512xf32> to vector<16x512xf32>
    %swap3A_262 = vector.shape_cast %sub3A_239 : vector<16x512xf32> to vector<1x16x512xf32>
    tpu.vector_store %arg5[%swap3A_257, %swap3A_258, %swap3A_259], %swap3A_262 {strides = array<i32>} : memref<512x16x512xf32, #tpu.memory_space<vmem>>, vector<1x16x512xf32>,
    %scan3A = arith.constant 1 : i32
    %get3A_263 = arith.constant 0 : index
    %get3A_264 = arith.constant 0 : index
    %get3A_265 = vector.load %arg8[%get3A_263, %get3A_264] : memref<16x64xbf16, #tpu.memory_space<vmem>>, vector<16x64xbf16>
    %convert_element_type3A_266 = arith.extf %get3A_265 : vector<16x64xbf16> to vector<16x64xf32>
    %get3A_267 = arith.constant 0 : index
    %get3A_268 = arith.constant 0 : index
    %get3A_269 = vector.load %arg9[%get3A_267, %get3A_268] : memref<16x64xf32, #tpu.memory_space<vmem>>, vector<16x64xf32>
    %get3A_270 = arith.constant 0 : index
    %get3A_271 = arith.constant 0 : index
    %get3A_272 = vector.load %arg1[%get3A_270, %get3A_271] : memref<64x64xf32, #tpu.memory_space<vmem>>, vector<64x64xf32>
    %dot_general3A_273 = arith.constant dense<0.000000e+00> : vector<16x64xf32>
    %dot_general3A_274 = tpu.matmul %convert_element_type3A_266, %get3A_272, %dot_general3A_273 {dimension_numbers = #tpu.dot_dimension_numbers<[1], [0], [0], [1], [0, 0, 1, 1], [], []>, transpose_lhs_hint = false} : vector<16x64xf32>, vector<64x64xf32>, vector<16x64xf32> -> vector<16x64xf32>
    %get3A_275 = arith.constant 0 : index
    %get3A_276 = arith.constant 0 : index
    %get3A_277 = vector.load %arg3[%get3A_275, %get3A_276] : memref<1x64xf32, #tpu.memory_space<vmem>>, vector<1x64xf32>
    %add3A_278 = vector.broadcast %get3A_277 : vector<1x64xf32> to vector<16x64xf32>
    %add3A_279 = arith.addf %dot_general3A_274, %add3A_278 : vector<16x64xf32>
    %get3A_280 = arith.constant 0 : index
    %get3A_281 = arith.constant 0 : index
    %get3A_282 = vector.load %arg2[%get3A_280, %get3A_281] : memref<64x64xf32, #tpu.memory_space<vmem>>, vector<64x64xf32>
    %dot_general3A_283 = arith.constant dense<0.000000e+00> : vector<16x64xf32>
    %dot_general3A_284 = tpu.matmul %get3A_269, %get3A_282, %dot_general3A_283 {dimension_numbers = #tpu.dot_dimension_numbers<[1], [0], [0], [1], [0, 0, 1, 1], [], []>, transpose_lhs_hint = false} : vector<16x64xf32>, vector<64x64xf32>, vector<16x64xf32> -> vector<16x64xf32>
    %add3A_285 = arith.addf %add3A_279, %dot_general3A_284 : vector<16x64xf32>
    %get3A_286 = arith.constant 0 : index
    %get3A_287 = arith.constant 0 : index
    %get3A_288 = vector.load %arg4[%get3A_286, %get3A_287] : memref<1x64xf32, #tpu.memory_space<vmem>>, vector<1x64xf32>
    %add3A_289 = vector.broadcast %get3A_288 : vector<1x64xf32> to vector<16x64xf32>
    %add3A_290 = arith.addf %add3A_285, %add3A_289 : vector<16x64xf32>
    %tanh3A_291 = math.tanh %add3A_290 : vector<16x64xf32>
    %get3A_292 = arith.constant 0 : index
    %get3A_293 = arith.constant 0 : index
    %get3A_294 = arith.constant 0 : index
    %get3A_295 = vector.load %arg6[%get3A_292, %get3A_293, %get3A_294] : memref<16x512x64xf32, #tpu.memory_space<vmem>>, vector<16x512x64xf32>
    %reshape3A_296 = vector.shape_cast %get3A_295 : vector<16x512x64xf32> to vector<8192x64xf32>
    %dot_general3A_297 = arith.constant dense<0.000000e+00> : vector<8192x16xf32>
    %dot_general3A_298 = tpu.matmul %reshape3A_296, %tanh3A_291, %dot_general3A_297 {dimension_numbers = #tpu.dot_dimension_numbers<[1], [1], [0], [0], [0, 0, 1, 0], [], []>, transpose_lhs_hint = false} : vector<8192x64xf32>, vector<16x64xf32>, vector<8192x16xf32> -> vector<8192x16xf32>
    %reshape3A_299 = vector.shape_cast %dot_general3A_298 : vector<8192x16xf32> to vector<16x512x16xf32>
    %iota3A_300 = tpu.iota {dimensions = array<i32: 0>} : vector<16x1x16xi32>
    %iota3A_301 = tpu.iota {dimensions = array<i32: 2>} : vector<16x1x16xi32>
    %eq3A_302 = arith.cmpi eq, %iota3A_300, %iota3A_301 : vector<16x1x16xi32>
    %jit3A_303 = arith.constant 0.000000e+00 : f32
    %broadcast_in_dim3A_304 = vector.shape_cast %eq3A_302 : vector<16x1x16xi1> to vector<16x1x16xi1>
    %broadcast_in_dim3A_305 = vector.broadcast %broadcast_in_dim3A_304 : vector<16x1x16xi1> to vector<16x512x16xi1>
    %broadcast_in_dim3A_306 = vector.broadcast %jit3A_303 : f32 to vector<16x512x16xf32>
    %select_n3A_307 = arith.select %broadcast_in_dim3A_305, %reshape3A_299, %broadcast_in_dim3A_306 : vector<16x512x16xi1>, vector<16x512x16xf32>
    %reduce_sum3A_308 = arith.constant dense<0.000000e+00> : vector<16x512xf32>
    %reduce_sum3A_309 = vector.multi_reduction <add>, %select_n3A_307, %reduce_sum3A_308 [2] : vector<16x512x16xf32> to vector<16x512xf32>
    %reduce_max3A_310 = arith.constant dense<0xFF800000> : vector<16xf32>
    %reduce_max3A_311 = vector.multi_reduction <maximumf>, %reduce_sum3A_309, %reduce_max3A_310 [1] : vector<16x512xf32> to vector<16xf32>
    %broadcast_in_dim3A_312 = vector.shape_cast %reduce_max3A_311 : vector<16xf32> to vector<16x1xf32>
    %sub3A_313 = vector.broadcast %broadcast_in_dim3A_312 : vector<16x1xf32> to vector<16x512xf32>
    %sub3A_314 = arith.subf %reduce_sum3A_309, %sub3A_313 : vector<16x512xf32>
    %exp3A_315 = math.exp %sub3A_314 : vector<16x512xf32>
    %slice3A_316 = vector.extract_strided_slice %exp3A_315 {offsets = [0, 0], sizes = [16, 128], strides = [1, 1]} : vector<16x512xf32> to vector<16x128xf32>
    %slice3A_317 = vector.extract_strided_slice %exp3A_315 {offsets = [0, 128], sizes = [16, 128], strides = [1, 1]} : vector<16x512xf32> to vector<16x128xf32>
    %slice3A_318 = vector.extract_strided_slice %exp3A_315 {offsets = [0, 256], sizes = [16, 128], strides = [1, 1]} : vector<16x512xf32> to vector<16x128xf32>
    %slice3A_319 = vector.extract_strided_slice %exp3A_315 {offsets = [0, 384], sizes = [16, 128], strides = [1, 1]} : vector<16x512xf32> to vector<16x128xf32>
    %add3A_320 = arith.addf %slice3A_316, %slice3A_317 : vector<16x128xf32>
    %add3A_321 = arith.addf %slice3A_318, %slice3A_319 : vector<16x128xf32>
    %add3A_322 = arith.addf %add3A_320, %add3A_321 : vector<16x128xf32>
    %slice3A_323 = vector.extract_strided_slice %add3A_322 {offsets = [0, 0], sizes = [16, 64], strides = [1, 1]} : vector<16x128xf32> to vector<16x64xf32>
    %slice3A_324 = vector.extract_strided_slice %add3A_322 {offsets = [0, 64], sizes = [16, 64], strides = [1, 1]} : vector<16x128xf32> to vector<16x64xf32>
    %add3A_325 = arith.addf %slice3A_323, %slice3A_324 : vector<16x64xf32>
    %slice3A_326 = vector.extract_strided_slice %add3A_325 {offsets = [0, 0], sizes = [16, 32], strides = [1, 1]} : vector<16x64xf32> to vector<16x32xf32>
    %slice3A_327 = vector.extract_strided_slice %add3A_325 {offsets = [0, 32], sizes = [16, 32], strides = [1, 1]} : vector<16x64xf32> to vector<16x32xf32>
    %add3A_328 = arith.addf %slice3A_326, %slice3A_327 : vector<16x32xf32>
    %slice3A_329 = vector.extract_strided_slice %add3A_328 {offsets = [0, 0], sizes = [16, 16], strides = [1, 1]} : vector<16x32xf32> to vector<16x16xf32>
    %slice3A_330 = vector.extract_strided_slice %add3A_328 {offsets = [0, 16], sizes = [16, 16], strides = [1, 1]} : vector<16x32xf32> to vector<16x16xf32>
    %add3A_331 = arith.addf %slice3A_329, %slice3A_330 : vector<16x16xf32>
    %slice3A_332 = vector.extract_strided_slice %add3A_331 {offsets = [0, 0], sizes = [16, 8], strides = [1, 1]} : vector<16x16xf32> to vector<16x8xf32>
    %slice3A_333 = vector.extract_strided_slice %add3A_331 {offsets = [0, 8], sizes = [16, 8], strides = [1, 1]} : vector<16x16xf32> to vector<16x8xf32>
    %add3A_334 = arith.addf %slice3A_332, %slice3A_333 : vector<16x8xf32>
    %slice3A_335 = vector.extract_strided_slice %add3A_334 {offsets = [0, 0], sizes = [16, 4], strides = [1, 1]} : vector<16x8xf32> to vector<16x4xf32>
    %slice3A_336 = vector.extract_strided_slice %add3A_334 {offsets = [0, 4], sizes = [16, 4], strides = [1, 1]} : vector<16x8xf32> to vector<16x4xf32>
    %add3A_337 = arith.addf %slice3A_335, %slice3A_336 : vector<16x4xf32>
    %slice3A_338 = vector.extract_strided_slice %add3A_337 {offsets = [0, 0], sizes = [16, 2], strides = [1, 1]} : vector<16x4xf32> to vector<16x2xf32>
    %slice3A_339 = vector.extract_strided_slice %add3A_337 {offsets = [0, 2], sizes = [16, 2], strides = [1, 1]} : vector<16x4xf32> to vector<16x2xf32>
    %add3A_340 = arith.addf %slice3A_338, %slice3A_339 : vector<16x2xf32>
    %slice3A_341 = vector.extract_strided_slice %add3A_340 {offsets = [0, 0], sizes = [16, 1], strides = [1, 1]} : vector<16x2xf32> to vector<16x1xf32>
    %slice3A_342 = vector.extract_strided_slice %add3A_340 {offsets = [0, 1], sizes = [16, 1], strides = [1, 1]} : vector<16x2xf32> to vector<16x1xf32>
    %add3A_343 = arith.addf %slice3A_341, %slice3A_342 : vector<16x1xf32>
    %log3A_344 = math.log %add3A_343 : vector<16x1xf32>
    %sub3A_345 = vector.broadcast %log3A_344 : vector<16x1xf32> to vector<16x512xf32>
    %sub3A_346 = arith.subf %sub3A_314, %sub3A_345 : vector<16x512xf32>
    %exp3A_347 = math.exp %sub3A_346 : vector<16x512xf32>
    %get3A_348 = arith.constant 0 : index
    %get3A_349 = arith.constant 0 : index
    %get3A_350 = arith.constant 0 : index
    %get3A_351 = vector.load %arg7[%get3A_348, %get3A_349, %get3A_350] : memref<16x64x512xf32, #tpu.memory_space<vmem>>, vector<16x64x512xf32>
    %broadcast_in_dim3A_352 = vector.shape_cast %exp3A_347 : vector<16x512xf32> to vector<16x1x512xf32>
    %mul3A_353 = vector.broadcast %broadcast_in_dim3A_352 : vector<16x1x512xf32> to vector<16x64x512xf32>
    %mul3A_354 = arith.mulf %get3A_351, %mul3A_353 : vector<16x64x512xf32>
    %reduce_sum3A_355 = arith.constant dense<0.000000e+00> : vector<16x64xf32>
    %reduce_sum3A_356 = vector.multi_reduction <add>, %mul3A_354, %reduce_sum3A_355 [2] : vector<16x64x512xf32> to vector<16x64xf32>
    %convert_element_type3A_357 = arith.truncf %reduce_sum3A_356 : vector<16x64xf32> to vector<16x64xbf16>
    %swap3A_358 = arith.constant 0 : index
    %swap3A_359 = arith.constant 0 : index
    %swap3A_360 = vector.load %arg8[%swap3A_358, %swap3A_359] : memref<16x64xbf16, #tpu.memory_space<vmem>>, vector<16x64xbf16>
    tpu.vector_store %arg8[%swap3A_358, %swap3A_359], %convert_element_type3A_357 {strides = array<i32>} : memref<16x64xbf16, #tpu.memory_space<vmem>>, vector<16x64xbf16>,
    %swap3A_361 = arith.constant 0 : index
    %swap3A_362 = arith.constant 0 : index
    %swap3A_363 = vector.load %arg9[%swap3A_361, %swap3A_362] : memref<16x64xf32, #tpu.memory_space<vmem>>, vector<16x64xf32>
    tpu.vector_store %arg9[%swap3A_361, %swap3A_362], %tanh3A_291 {strides = array<i32>} : memref<16x64xf32, #tpu.memory_space<vmem>>, vector<16x64xf32>,
    %swap3A_364 = arith.index_cast %scan3A : i32 to index
    %swap3A_365 = arith.constant 0 : index
    %swap3A_366 = arith.constant 0 : index
    %swap3A_367 = vector.load %arg5[%swap3A_364, %swap3A_365, %swap3A_366] : memref<512x16x512xf32, #tpu.memory_space<vmem>>, vector<1x16x512xf32>
    %swap3A_368 = vector.shape_cast %swap3A_367 : vector<1x16x512xf32> to vector<16x512xf32>
    %swap3A_369 = vector.shape_cast %sub3A_346 : vector<16x512xf32> to vector<1x16x512xf32>
    tpu.vector_store %arg5[%swap3A_364, %swap3A_365, %swap3A_366], %swap3A_369 {strides = array<i32>} : memref<512x16x512xf32, #tpu.memory_space<vmem>>, vector<1x16x512xf32>,
    %scan3A_370 = arith.constant 1 : i32
    %scan3A_371 = arith.constant 2 : i32
    %scan3A_372 = arith.constant 34 : i32
    %scan3A_373 = arith.addi %scan3A_371, %scan3A_372 : i32
    %scan3A_374 = arith.constant 1 : i32
    scf.for %scan3A_446 = %scan3A_371 to %scan3A_373 step %scan3A_374  : i32 {
      %get3A_447 = arith.constant 0 : index
      %get3A_448 = arith.constant 0 : index
      %get3A_449 = vector.load %arg8[%get3A_447, %get3A_448] : memref<16x64xbf16, #tpu.memory_space<vmem>>, vector<15x64xbf16>
      %convert_element_type3A_450 = arith.extf %get3A_449 : vector<15x64xbf16> to vector<15x64xf32>
      %get3A_451 = arith.constant 0 : index
      %get3A_452 = arith.constant 0 : index
      %get3A_453 = vector.load %arg9[%get3A_451, %get3A_452] : memref<16x64xf32, #tpu.memory_space<vmem>>, vector<15x64xf32>
      %get3A_454 = arith.constant 0 : index
      %get3A_455 = arith.constant 0 : index
      %get3A_456 = vector.load %arg1[%get3A_454, %get3A_455] : memref<64x64xf32, #tpu.memory_space<vmem>>, vector<64x64xf32>
      %dot_general3A_457 = arith.constant dense<0.000000e+00> : vector<15x64xf32>
      %dot_general3A_458 = tpu.matmul %convert_element_type3A_450, %get3A_456, %dot_general3A_457 {dimension_numbers = #tpu.dot_dimension_numbers<[1], [0], [0], [1], [0, 0, 1, 1], [], []>, transpose_lhs_hint = false} : vector<15x64xf32>, vector<64x64xf32>, vector<15x64xf32> -> vector<15x64xf32>
      %get3A_459 = arith.constant 0 : index
      %get3A_460 = arith.constant 0 : index
      %get3A_461 = vector.load %arg3[%get3A_459, %get3A_460] : memref<1x64xf32, #tpu.memory_space<vmem>>, vector<1x64xf32>
      %add3A_462 = vector.broadcast %get3A_461 : vector<1x64xf32> to vector<15x64xf32>
      %add3A_463 = arith.addf %dot_general3A_458, %add3A_462 : vector<15x64xf32>
      %get3A_464 = arith.constant 0 : index
      %get3A_465 = arith.constant 0 : index
      %get3A_466 = vector.load %arg2[%get3A_464, %get3A_465] : memref<64x64xf32, #tpu.memory_space<vmem>>, vector<64x64xf32>
      %dot_general3A_467 = arith.constant dense<0.000000e+00> : vector<15x64xf32>
      %dot_general3A_468 = tpu.matmul %get3A_453, %get3A_466, %dot_general3A_467 {dimension_numbers = #tpu.dot_dimension_numbers<[1], [0], [0], [1], [0, 0, 1, 1], [], []>, transpose_lhs_hint = false} : vector<15x64xf32>, vector<64x64xf32>, vector<15x64xf32> -> vector<15x64xf32>
      %add3A_469 = arith.addf %add3A_463, %dot_general3A_468 : vector<15x64xf32>
      %get3A_470 = arith.constant 0 : index
      %get3A_471 = arith.constant 0 : index
      %get3A_472 = vector.load %arg4[%get3A_470, %get3A_471] : memref<1x64xf32, #tpu.memory_space<vmem>>, vector<1x64xf32>
      %add3A_473 = vector.broadcast %get3A_472 : vector<1x64xf32> to vector<15x64xf32>
      %add3A_474 = arith.addf %add3A_469, %add3A_473 : vector<15x64xf32>
      %tanh3A_475 = math.tanh %add3A_474 : vector<15x64xf32>
      %get3A_476 = arith.constant 0 : index
      %get3A_477 = arith.constant 0 : index
      %get3A_478 = arith.constant 0 : index
      %get3A_479 = vector.load %arg6[%get3A_476, %get3A_477, %get3A_478] : memref<16x512x64xf32, #tpu.memory_space<vmem>>, vector<15x512x64xf32>
      %reshape3A_480 = vector.shape_cast %get3A_479 : vector<15x512x64xf32> to vector<7680x64xf32>
      %dot_general3A_481 = arith.constant dense<0.000000e+00> : vector<7680x15xf32>
      %dot_general3A_482 = tpu.matmul %reshape3A_480, %tanh3A_475, %dot_general3A_481 {dimension_numbers = #tpu.dot_dimension_numbers<[1], [1], [0], [0], [0, 0, 1, 0], [], []>, transpose_lhs_hint = false} : vector<7680x64xf32>, vector<15x64xf32>, vector<7680x15xf32> -> vector<7680x15xf32>
      %reshape3A_483 = vector.shape_cast %dot_general3A_482 : vector<7680x15xf32> to vector<15x512x15xf32>
      %iota3A_484 = tpu.iota {dimensions = array<i32: 0>} : vector<15x1x15xi32>
      %iota3A_485 = tpu.iota {dimensions = array<i32: 2>} : vector<15x1x15xi32>
      %eq3A_486 = arith.cmpi eq, %iota3A_484, %iota3A_485 : vector<15x1x15xi32>
      %jit3A_487 = arith.constant 0.000000e+00 : f32
      %broadcast_in_dim3A_488 = vector.shape_cast %eq3A_486 : vector<15x1x15xi1> to vector<15x1x15xi1>
      %broadcast_in_dim3A_489 = vector.broadcast %broadcast_in_dim3A_488 : vector<15x1x15xi1> to vector<15x512x15xi1>
      %broadcast_in_dim3A_490 = vector.broadcast %jit3A_487 : f32 to vector<15x512x15xf32>
      %select_n3A_491 = arith.select %broadcast_in_dim3A_489, %reshape3A_483, %broadcast_in_dim3A_490 : vector<15x512x15xi1>, vector<15x512x15xf32>
      %reduce_sum3A_492 = arith.constant dense<0.000000e+00> : vector<15x512xf32>
      %reduce_sum3A_493 = vector.multi_reduction <add>, %select_n3A_491, %reduce_sum3A_492 [2] : vector<15x512x15xf32> to vector<15x512xf32>
      %reduce_max3A_494 = arith.constant dense<0xFF800000> : vector<15xf32>
      %reduce_max3A_495 = vector.multi_reduction <maximumf>, %reduce_sum3A_493, %reduce_max3A_494 [1] : vector<15x512xf32> to vector<15xf32>
      %broadcast_in_dim3A_496 = vector.shape_cast %reduce_max3A_495 : vector<15xf32> to vector<15x1xf32>
      %sub3A_497 = vector.broadcast %broadcast_in_dim3A_496 : vector<15x1xf32> to vector<15x512xf32>
      %sub3A_498 = arith.subf %reduce_sum3A_493, %sub3A_497 : vector<15x512xf32>
      %exp3A_499 = math.exp %sub3A_498 : vector<15x512xf32>
      %slice3A_500 = vector.extract_strided_slice %exp3A_499 {offsets = [0, 0], sizes = [15, 128], strides = [1, 1]} : vector<15x512xf32> to vector<15x128xf32>
      %slice3A_501 = vector.extract_strided_slice %exp3A_499 {offsets = [0, 128], sizes = [15, 128], strides = [1, 1]} : vector<15x512xf32> to vector<15x128xf32>
      %slice3A_502 = vector.extract_strided_slice %exp3A_499 {offsets = [0, 256], sizes = [15, 128], strides = [1, 1]} : vector<15x512xf32> to vector<15x128xf32>
      %slice3A_503 = vector.extract_strided_slice %exp3A_499 {offsets = [0, 384], sizes = [15, 128], strides = [1, 1]} : vector<15x512xf32> to vector<15x128xf32>
      %add3A_504 = arith.addf %slice3A_500, %slice3A_501 : vector<15x128xf32>
      %add3A_505 = arith.addf %slice3A_502, %slice3A_503 : vector<15x128xf32>
      %add3A_506 = arith.addf %add3A_504, %add3A_505 : vector<15x128xf32>
      %slice3A_507 = vector.extract_strided_slice %add3A_506 {offsets = [0, 0], sizes = [15, 64], strides = [1, 1]} : vector<15x128xf32> to vector<15x64xf32>
      %slice3A_508 = vector.extract_strided_slice %add3A_506 {offsets = [0, 64], sizes = [15, 64], strides = [1, 1]} : vector<15x128xf32> to vector<15x64xf32>
      %add3A_509 = arith.addf %slice3A_507, %slice3A_508 : vector<15x64xf32>
      %slice3A_510 = vector.extract_strided_slice %add3A_509 {offsets = [0, 0], sizes = [15, 32], strides = [1, 1]} : vector<15x64xf32> to vector<15x32xf32>
      %slice3A_511 = vector.extract_strided_slice %add3A_509 {offsets = [0, 32], sizes = [15, 32], strides = [1, 1]} : vector<15x64xf32> to vector<15x32xf32>
      %add3A_512 = arith.addf %slice3A_510, %slice3A_511 : vector<15x32xf32>
      %slice3A_513 = vector.extract_strided_slice %add3A_512 {offsets = [0, 0], sizes = [15, 16], strides = [1, 1]} : vector<15x32xf32> to vector<15x16xf32>
      %slice3A_514 = vector.extract_strided_slice %add3A_512 {offsets = [0, 16], sizes = [15, 16], strides = [1, 1]} : vector<15x32xf32> to vector<15x16xf32>
      %add3A_515 = arith.addf %slice3A_513, %slice3A_514 : vector<15x16xf32>
      %slice3A_516 = vector.extract_strided_slice %add3A_515 {offsets = [0, 0], sizes = [15, 8], strides = [1, 1]} : vector<15x16xf32> to vector<15x8xf32>
      %slice3A_517 = vector.extract_strided_slice %add3A_515 {offsets = [0, 8], sizes = [15, 8], strides = [1, 1]} : vector<15x16xf32> to vector<15x8xf32>
      %add3A_518 = arith.addf %slice3A_516, %slice3A_517 : vector<15x8xf32>
      %slice3A_519 = vector.extract_strided_slice %add3A_518 {offsets = [0, 0], sizes = [15, 4], strides = [1, 1]} : vector<15x8xf32> to vector<15x4xf32>
      %slice3A_520 = vector.extract_strided_slice %add3A_518 {offsets = [0, 4], sizes = [15, 4], strides = [1, 1]} : vector<15x8xf32> to vector<15x4xf32>
      %add3A_521 = arith.addf %slice3A_519, %slice3A_520 : vector<15x4xf32>
      %slice3A_522 = vector.extract_strided_slice %add3A_521 {offsets = [0, 0], sizes = [15, 2], strides = [1, 1]} : vector<15x4xf32> to vector<15x2xf32>
      %slice3A_523 = vector.extract_strided_slice %add3A_521 {offsets = [0, 2], sizes = [15, 2], strides = [1, 1]} : vector<15x4xf32> to vector<15x2xf32>
      %add3A_524 = arith.addf %slice3A_522, %slice3A_523 : vector<15x2xf32>
      %slice3A_525 = vector.extract_strided_slice %add3A_524 {offsets = [0, 0], sizes = [15, 1], strides = [1, 1]} : vector<15x2xf32> to vector<15x1xf32>
      %slice3A_526 = vector.extract_strided_slice %add3A_524 {offsets = [0, 1], sizes = [15, 1], strides = [1, 1]} : vector<15x2xf32> to vector<15x1xf32>
      %add3A_527 = arith.addf %slice3A_525, %slice3A_526 : vector<15x1xf32>
      %log3A_528 = math.log %add3A_527 : vector<15x1xf32>
      %sub3A_529 = vector.broadcast %log3A_528 : vector<15x1xf32> to vector<15x512xf32>
      %sub3A_530 = arith.subf %sub3A_498, %sub3A_529 : vector<15x512xf32>
      %exp3A_531 = math.exp %sub3A_530 : vector<15x512xf32>
      %get3A_532 = arith.constant 0 : index
      %get3A_533 = arith.constant 0 : index
      %get3A_534 = arith.constant 0 : index
      %get3A_535 = vector.load %arg7[%get3A_532, %get3A_533, %get3A_534] : memref<16x64x512xf32, #tpu.memory_space<vmem>>, vector<15x64x512xf32>
      %broadcast_in_dim3A_536 = vector.shape_cast %exp3A_531 : vector<15x512xf32> to vector<15x1x512xf32>
      %mul3A_537 = vector.broadcast %broadcast_in_dim3A_536 : vector<15x1x512xf32> to vector<15x64x512xf32>
      %mul3A_538 = arith.mulf %get3A_535, %mul3A_537 : vector<15x64x512xf32>
      %reduce_sum3A_539 = arith.constant dense<0.000000e+00> : vector<15x64xf32>
      %reduce_sum3A_540 = vector.multi_reduction <add>, %mul3A_538, %reduce_sum3A_539 [2] : vector<15x64x512xf32> to vector<15x64xf32>
      %convert_element_type3A_541 = arith.truncf %reduce_sum3A_540 : vector<15x64xf32> to vector<15x64xbf16>
      %swap3A_542 = arith.constant 0 : index
      %swap3A_543 = arith.constant 0 : index
      %swap3A_544 = vector.load %arg8[%swap3A_542, %swap3A_543] : memref<16x64xbf16, #tpu.memory_space<vmem>>, vector<15x64xbf16>
      tpu.vector_store %arg8[%swap3A_542, %swap3A_543], %convert_element_type3A_541 {strides = array<i32>} : memref<16x64xbf16, #tpu.memory_space<vmem>>, vector<15x64xbf16>,
      %swap3A_545 = arith.constant 0 : index
      %swap3A_546 = arith.constant 0 : index
      %swap3A_547 = vector.load %arg9[%swap3A_545, %swap3A_546] : memref<16x64xf32, #tpu.memory_space<vmem>>, vector<15x64xf32>
      tpu.vector_store %arg9[%swap3A_545, %swap3A_546], %tanh3A_475 {strides = array<i32>} : memref<16x64xf32, #tpu.memory_space<vmem>>, vector<15x64xf32>,
      %swap3A_548 = arith.index_cast %scan3A_446 : i32 to index
      %swap3A_549 = arith.constant 0 : index
      %swap3A_550 = arith.constant 0 : index
      %swap3A_551 = vector.load %arg5[%swap3A_548, %swap3A_549, %swap3A_550] : memref<512x16x512xf32, #tpu.memory_space<vmem>>, vector<1x15x512xf32>
      %swap3A_552 = vector.shape_cast %swap3A_551 : vector<1x15x512xf32> to vector<15x512xf32>
      %swap3A_553 = vector.shape_cast %sub3A_530 : vector<15x512xf32> to vector<1x15x512xf32>
      tpu.vector_store %arg5[%swap3A_548, %swap3A_549, %swap3A_550], %swap3A_553 {strides = array<i32>} : memref<512x16x512xf32, #tpu.memory_space<vmem>>, vector<1x15x512xf32>,
    }
    %scan3A_375 = arith.constant 34 : i32
    %scan3A_376 = arith.constant 36 : i32
    %scan3A_377 = arith.constant 34 : i32
    %scan3A_378 = arith.addi %scan3A_376, %scan3A_377 : i32
    %scan3A_379 = arith.constant 1 : i32
    scf.for %scan3A_446 = %scan3A_376 to %scan3A_378 step %scan3A_379  : i32 {
      %get3A_447 = arith.constant 0 : index
      %get3A_448 = arith.constant 0 : index
      %get3A_449 = vector.load %arg8[%get3A_447, %get3A_448] : memref<16x64xbf16, #tpu.memory_space<vmem>>, vector<14x64xbf16>
      %convert_element_type3A_450 = arith.extf %get3A_449 : vector<14x64xbf16> to vector<14x64xf32>
      %get3A_451 = arith.constant 0 : index
      %get3A_452 = arith.constant 0 : index
      %get3A_453 = vector.load %arg9[%get3A_451, %get3A_452] : memref<16x64xf32, #tpu.memory_space<vmem>>, vector<14x64xf32>
      %get3A_454 = arith.constant 0 : index
      %get3A_455 = arith.constant 0 : index
      %get3A_456 = vector.load %arg1[%get3A_454, %get3A_455] : memref<64x64xf32, #tpu.memory_space<vmem>>, vector<64x64xf32>
      %dot_general3A_457 = arith.constant dense<0.000000e+00> : vector<14x64xf32>
      %dot_general3A_458 = tpu.matmul %convert_element_type3A_450, %get3A_456, %dot_general3A_457 {dimension_numbers = #tpu.dot_dimension_numbers<[1], [0], [0], [1], [0, 0, 1, 1], [], []>, transpose_lhs_hint = false} : vector<14x64xf32>, vector<64x64xf32>, vector<14x64xf32> -> vector<14x64xf32>
      %get3A_459 = arith.constant 0 : index
      %get3A_460 = arith.constant 0 : index
      %get3A_461 = vector.load %arg3[%get3A_459, %get3A_460] : memref<1x64xf32, #tpu.memory_space<vmem>>, vector<1x64xf32>
      %add3A_462 = vector.broadcast %get3A_461 : vector<1x64xf32> to vector<14x64xf32>
      %add3A_463 = arith.addf %dot_general3A_458, %add3A_462 : vector<14x64xf32>
      %get3A_464 = arith.constant 0 : index
      %get3A_465 = arith.constant 0 : index
      %get3A_466 = vector.load %arg2[%get3A_464, %get3A_465] : memref<64x64xf32, #tpu.memory_space<vmem>>, vector<64x64xf32>
      %dot_general3A_467 = arith.constant dense<0.000000e+00> : vector<14x64xf32>
      %dot_general3A_468 = tpu.matmul %get3A_453, %get3A_466, %dot_general3A_467 {dimension_numbers = #tpu.dot_dimension_numbers<[1], [0], [0], [1], [0, 0, 1, 1], [], []>, transpose_lhs_hint = false} : vector<14x64xf32>, vector<64x64xf32>, vector<14x64xf32> -> vector<14x64xf32>
      %add3A_469 = arith.addf %add3A_463, %dot_general3A_468 : vector<14x64xf32>
      %get3A_470 = arith.constant 0 : index
      %get3A_471 = arith.constant 0 : index
      %get3A_472 = vector.load %arg4[%get3A_470, %get3A_471] : memref<1x64xf32, #tpu.memory_space<vmem>>, vector<1x64xf32>
      %add3A_473 = vector.broadcast %get3A_472 : vector<1x64xf32> to vector<14x64xf32>
      %add3A_474 = arith.addf %add3A_469, %add3A_473 : vector<14x64xf32>
      %tanh3A_475 = math.tanh %add3A_474 : vector<14x64xf32>
      %get3A_476 = arith.constant 0 : index
      %get3A_477 = arith.constant 0 : index
      %get3A_478 = arith.constant 0 : index
      %get3A_479 = vector.load %arg6[%get3A_476, %get3A_477, %get3A_478] : memref<16x512x64xf32, #tpu.memory_space<vmem>>, vector<14x512x64xf32>
      %reshape3A_480 = vector.shape_cast %get3A_479 : vector<14x512x64xf32> to vector<7168x64xf32>
      %dot_general3A_481 = arith.constant dense<0.000000e+00> : vector<7168x14xf32>
      %dot_general3A_482 = tpu.matmul %reshape3A_480, %tanh3A_475, %dot_general3A_481 {dimension_numbers = #tpu.dot_dimension_numbers<[1], [1], [0], [0], [0, 0, 1, 0], [], []>, transpose_lhs_hint = false} : vector<7168x64xf32>, vector<14x64xf32>, vector<7168x14xf32> -> vector<7168x14xf32>
      %reshape3A_483 = vector.shape_cast %dot_general3A_482 : vector<7168x14xf32> to vector<14x512x14xf32>
      %iota3A_484 = tpu.iota {dimensions = array<i32: 0>} : vector<14x1x14xi32>
      %iota3A_485 = tpu.iota {dimensions = array<i32: 2>} : vector<14x1x14xi32>
      %eq3A_486 = arith.cmpi eq, %iota3A_484, %iota3A_485 : vector<14x1x14xi32>
      %jit3A_487 = arith.constant 0.000000e+00 : f32
      %broadcast_in_dim3A_488 = vector.shape_cast %eq3A_486 : vector<14x1x14xi1> to vector<14x1x14xi1>
      %broadcast_in_dim3A_489 = vector.broadcast %broadcast_in_dim3A_488 : vector<14x1x14xi1> to vector<14x512x14xi1>
      %broadcast_in_dim3A_490 = vector.broadcast %jit3A_487 : f32 to vector<14x512x14xf32>
      %select_n3A_491 = arith.select %broadcast_in_dim3A_489, %reshape3A_483, %broadcast_in_dim3A_490 : vector<14x512x14xi1>, vector<14x512x14xf32>
      %reduce_sum3A_492 = arith.constant dense<0.000000e+00> : vector<14x512xf32>
      %reduce_sum3A_493 = vector.multi_reduction <add>, %select_n3A_491, %reduce_sum3A_492 [2] : vector<14x512x14xf32> to vector<14x512xf32>
      %reduce_max3A_494 = arith.constant dense<0xFF800000> : vector<14xf32>
      %reduce_max3A_495 = vector.multi_reduction <maximumf>, %reduce_sum3A_493, %reduce_max3A_494 [1] : vector<14x512xf32> to vector<14xf32>
      %broadcast_in_dim3A_496 = vector.shape_cast %reduce_max3A_495 : vector<14xf32> to vector<14x1xf32>
      %sub3A_497 = vector.broadcast %broadcast_in_dim3A_496 : vector<14x1xf32> to vector<14x512xf32>
      %sub3A_498 = arith.subf %reduce_sum3A_493, %sub3A_497 : vector<14x512xf32>
      %exp3A_499 = math.exp %sub3A_498 : vector<14x512xf32>
      %slice3A_500 = vector.extract_strided_slice %exp3A_499 {offsets = [0, 0], sizes = [14, 128], strides = [1, 1]} : vector<14x512xf32> to vector<14x128xf32>
      %slice3A_501 = vector.extract_strided_slice %exp3A_499 {offsets = [0, 128], sizes = [14, 128], strides = [1, 1]} : vector<14x512xf32> to vector<14x128xf32>
      %slice3A_502 = vector.extract_strided_slice %exp3A_499 {offsets = [0, 256], sizes = [14, 128], strides = [1, 1]} : vector<14x512xf32> to vector<14x128xf32>
      %slice3A_503 = vector.extract_strided_slice %exp3A_499 {offsets = [0, 384], sizes = [14, 128], strides = [1, 1]} : vector<14x512xf32> to vector<14x128xf32>
      %add3A_504 = arith.addf %slice3A_500, %slice3A_501 : vector<14x128xf32>
      %add3A_505 = arith.addf %slice3A_502, %slice3A_503 : vector<14x128xf32>
      %add3A_506 = arith.addf %add3A_504, %add3A_505 : vector<14x128xf32>
      %slice3A_507 = vector.extract_strided_slice %add3A_506 {offsets = [0, 0], sizes = [14, 64], strides = [1, 1]} : vector<14x128xf32> to vector<14x64xf32>
      %slice3A_508 = vector.extract_strided_slice %add3A_506 {offsets = [0, 64], sizes = [14, 64], strides = [1, 1]} : vector<14x128xf32> to vector<14x64xf32>
      %add3A_509 = arith.addf %slice3A_507, %slice3A_508 : vector<14x64xf32>
      %slice3A_510 = vector.extract_strided_slice %add3A_509 {offsets = [0, 0], sizes = [14, 32], strides = [1, 1]} : vector<14x64xf32> to vector<14x32xf32>
      %slice3A_511 = vector.extract_strided_slice %add3A_509 {offsets = [0, 32], sizes = [14, 32], strides = [1, 1]} : vector<14x64xf32> to vector<14x32xf32>
      %add3A_512 = arith.addf %slice3A_510, %slice3A_511 : vector<14x32xf32>
      %slice3A_513 = vector.extract_strided_slice %add3A_512 {offsets = [0, 0], sizes = [14, 16], strides = [1, 1]} : vector<14x32xf32> to vector<14x16xf32>
      %slice3A_514 = vector.extract_strided_slice %add3A_512 {offsets = [0, 16], sizes = [14, 16], strides = [1, 1]} : vector<14x32xf32> to vector<14x16xf32>
      %add3A_515 = arith.addf %slice3A_513, %slice3A_514 : vector<14x16xf32>
      %slice3A_516 = vector.extract_strided_slice %add3A_515 {offsets = [0, 0], sizes = [14, 8], strides = [1, 1]} : vector<14x16xf32> to vector<14x8xf32>
      %slice3A_517 = vector.extract_strided_slice %add3A_515 {offsets = [0, 8], sizes = [14, 8], strides = [1, 1]} : vector<14x16xf32> to vector<14x8xf32>
      %add3A_518 = arith.addf %slice3A_516, %slice3A_517 : vector<14x8xf32>
      %slice3A_519 = vector.extract_strided_slice %add3A_518 {offsets = [0, 0], sizes = [14, 4], strides = [1, 1]} : vector<14x8xf32> to vector<14x4xf32>
      %slice3A_520 = vector.extract_strided_slice %add3A_518 {offsets = [0, 4], sizes = [14, 4], strides = [1, 1]} : vector<14x8xf32> to vector<14x4xf32>
      %add3A_521 = arith.addf %slice3A_519, %slice3A_520 : vector<14x4xf32>
      %slice3A_522 = vector.extract_strided_slice %add3A_521 {offsets = [0, 0], sizes = [14, 2], strides = [1, 1]} : vector<14x4xf32> to vector<14x2xf32>
      %slice3A_523 = vector.extract_strided_slice %add3A_521 {offsets = [0, 2], sizes = [14, 2], strides = [1, 1]} : vector<14x4xf32> to vector<14x2xf32>
      %add3A_524 = arith.addf %slice3A_522, %slice3A_523 : vector<14x2xf32>
      %slice3A_525 = vector.extract_strided_slice %add3A_524 {offsets = [0, 0], sizes = [14, 1], strides = [1, 1]} : vector<14x2xf32> to vector<14x1xf32>
      %slice3A_526 = vector.extract_strided_slice %add3A_524 {offsets = [0, 1], sizes = [14, 1], strides = [1, 1]} : vector<14x2xf32> to vector<14x1xf32>
      %add3A_527 = arith.addf %slice3A_525, %slice3A_526 : vector<14x1xf32>
      %log3A_528 = math.log %add3A_527 : vector<14x1xf32>
      %sub3A_529 = vector.broadcast %log3A_528 : vector<14x1xf32> to vector<14x512xf32>
      %sub3A_530 = arith.subf %sub3A_498, %sub3A_529 : vector<14x512xf32>
      %exp3A_531 = math.exp %sub3A_530 : vector<14x512xf32>
      %get3A_532 = arith.constant 0 : index
      %get3A_533 = arith.constant 0 : index
      %get3A_534 = arith.constant 0 : index
      %get3A_535 = vector.load %arg7[%get3A_532, %get3A_533, %get3A_534] : memref<16x64x512xf32, #tpu.memory_space<vmem>>, vector<14x64x512xf32>
      %broadcast_in_dim3A_536 = vector.shape_cast %exp3A_531 : vector<14x512xf32> to vector<14x1x512xf32>
      %mul3A_537 = vector.broadcast %broadcast_in_dim3A_536 : vector<14x1x512xf32> to vector<14x64x512xf32>
      %mul3A_538 = arith.mulf %get3A_535, %mul3A_537 : vector<14x64x512xf32>
      %reduce_sum3A_539 = arith.constant dense<0.000000e+00> : vector<14x64xf32>
      %reduce_sum3A_540 = vector.multi_reduction <add>, %mul3A_538, %reduce_sum3A_539 [2] : vector<14x64x512xf32> to vector<14x64xf32>
      %convert_element_type3A_541 = arith.truncf %reduce_sum3A_540 : vector<14x64xf32> to vector<14x64xbf16>
      %swap3A_542 = arith.constant 0 : index
      %swap3A_543 = arith.constant 0 : index
      %swap3A_544 = vector.load %arg8[%swap3A_542, %swap3A_543] : memref<16x64xbf16, #tpu.memory_space<vmem>>, vector<14x64xbf16>
      tpu.vector_store %arg8[%swap3A_542, %swap3A_543], %convert_element_type3A_541 {strides = array<i32>} : memref<16x64xbf16, #tpu.memory_space<vmem>>, vector<14x64xbf16>,
      %swap3A_545 = arith.constant 0 : index
      %swap3A_546 = arith.constant 0 : index
      %swap3A_547 = vector.load %arg9[%swap3A_545, %swap3A_546] : memref<16x64xf32, #tpu.memory_space<vmem>>, vector<14x64xf32>
      tpu.vector_store %arg9[%swap3A_545, %swap3A_546], %tanh3A_475 {strides = array<i32>} : memref<16x64xf32, #tpu.memory_space<vmem>>, vector<14x64xf32>,
      %swap3A_548 = arith.index_cast %scan3A_446 : i32 to index
      %swap3A_549 = arith.constant 0 : index
      %swap3A_550 = arith.constant 0 : index
      %swap3A_551 = vector.load %arg5[%swap3A_548, %swap3A_549, %swap3A_550] : memref<512x16x512xf32, #tpu.memory_space<vmem>>, vector<1x14x512xf32>
      %swap3A_552 = vector.shape_cast %swap3A_551 : vector<1x14x512xf32> to vector<14x512xf32>
      %swap3A_553 = vector.shape_cast %sub3A_530 : vector<14x512xf32> to vector<1x14x512xf32>
      tpu.vector_store %arg5[%swap3A_548, %swap3A_549, %swap3A_550], %swap3A_553 {strides = array<i32>} : memref<512x16x512xf32, #tpu.memory_space<vmem>>, vector<1x14x512xf32>,
    }
    %scan3A_380 = arith.constant 34 : i32
    %scan3A_381 = arith.constant 70 : i32
    %scan3A_382 = arith.constant 34 : i32
    %scan3A_383 = arith.addi %scan3A_381, %scan3A_382 : i32
    %scan3A_384 = arith.constant 1 : i32
    scf.for %scan3A_446 = %scan3A_381 to %scan3A_383 step %scan3A_384  : i32 {
      %get3A_447 = arith.constant 0 : index
      %get3A_448 = arith.constant 0 : index
      %get3A_449 = vector.load %arg8[%get3A_447, %get3A_448] : memref<16x64xbf16, #tpu.memory_space<vmem>>, vector<13x64xbf16>
      %convert_element_type3A_450 = arith.extf %get3A_449 : vector<13x64xbf16> to vector<13x64xf32>
      %get3A_451 = arith.constant 0 : index
      %get3A_452 = arith.constant 0 : index
      %get3A_453 = vector.load %arg9[%get3A_451, %get3A_452] : memref<16x64xf32, #tpu.memory_space<vmem>>, vector<13x64xf32>
      %get3A_454 = arith.constant 0 : index
      %get3A_455 = arith.constant 0 : index
      %get3A_456 = vector.load %arg1[%get3A_454, %get3A_455] : memref<64x64xf32, #tpu.memory_space<vmem>>, vector<64x64xf32>
      %dot_general3A_457 = arith.constant dense<0.000000e+00> : vector<13x64xf32>
      %dot_general3A_458 = tpu.matmul %convert_element_type3A_450, %get3A_456, %dot_general3A_457 {dimension_numbers = #tpu.dot_dimension_numbers<[1], [0], [0], [1], [0, 0, 1, 1], [], []>, transpose_lhs_hint = false} : vector<13x64xf32>, vector<64x64xf32>, vector<13x64xf32> -> vector<13x64xf32>
      %get3A_459 = arith.constant 0 : index
      %get3A_460 = arith.constant 0 : index
      %get3A_461 = vector.load %arg3[%get3A_459, %get3A_460] : memref<1x64xf32, #tpu.memory_space<vmem>>, vector<1x64xf32>
      %add3A_462 = vector.broadcast %get3A_461 : vector<1x64xf32> to vector<13x64xf32>
      %add3A_463 = arith.addf %dot_general3A_458, %add3A_462 : vector<13x64xf32>
      %get3A_464 = arith.constant 0 : index
      %get3A_465 = arith.constant 0 : index
      %get3A_466 = vector.load %arg2[%get3A_464, %get3A_465] : memref<64x64xf32, #tpu.memory_space<vmem>>, vector<64x64xf32>
      %dot_general3A_467 = arith.constant dense<0.000000e+00> : vector<13x64xf32>
      %dot_general3A_468 = tpu.matmul %get3A_453, %get3A_466, %dot_general3A_467 {dimension_numbers = #tpu.dot_dimension_numbers<[1], [0], [0], [1], [0, 0, 1, 1], [], []>, transpose_lhs_hint = false} : vector<13x64xf32>, vector<64x64xf32>, vector<13x64xf32> -> vector<13x64xf32>
      %add3A_469 = arith.addf %add3A_463, %dot_general3A_468 : vector<13x64xf32>
      %get3A_470 = arith.constant 0 : index
      %get3A_471 = arith.constant 0 : index
      %get3A_472 = vector.load %arg4[%get3A_470, %get3A_471] : memref<1x64xf32, #tpu.memory_space<vmem>>, vector<1x64xf32>
      %add3A_473 = vector.broadcast %get3A_472 : vector<1x64xf32> to vector<13x64xf32>
      %add3A_474 = arith.addf %add3A_469, %add3A_473 : vector<13x64xf32>
      %tanh3A_475 = math.tanh %add3A_474 : vector<13x64xf32>
      %get3A_476 = arith.constant 0 : index
      %get3A_477 = arith.constant 0 : index
      %get3A_478 = arith.constant 0 : index
      %get3A_479 = vector.load %arg6[%get3A_476, %get3A_477, %get3A_478] : memref<16x512x64xf32, #tpu.memory_space<vmem>>, vector<13x512x64xf32>
      %reshape3A_480 = vector.shape_cast %get3A_479 : vector<13x512x64xf32> to vector<6656x64xf32>
      %dot_general3A_481 = arith.constant dense<0.000000e+00> : vector<6656x13xf32>
      %dot_general3A_482 = tpu.matmul %reshape3A_480, %tanh3A_475, %dot_general3A_481 {dimension_numbers = #tpu.dot_dimension_numbers<[1], [1], [0], [0], [0, 0, 1, 0], [], []>, transpose_lhs_hint = false} : vector<6656x64xf32>, vector<13x64xf32>, vector<6656x13xf32> -> vector<6656x13xf32>
      %reshape3A_483 = vector.shape_cast %dot_general3A_482 : vector<6656x13xf32> to vector<13x512x13xf32>
      %iota3A_484 = tpu.iota {dimensions = array<i32: 0>} : vector<13x1x13xi32>
      %iota3A_485 = tpu.iota {dimensions = array<i32: 2>} : vector<13x1x13xi32>
      %eq3A_486 = arith.cmpi eq, %iota3A_484, %iota3A_485 : vector<13x1x13xi32>
      %jit3A_487 = arith.constant 0.000000e+00 : f32
      %broadcast_in_dim3A_488 = vector.shape_cast %eq3A_486 : vector<13x1x13xi1> to vector<13x1x13xi1>
      %broadcast_in_dim3A_489 = vector.broadcast %broadcast_in_dim3A_488 : vector<13x1x13xi1> to vector<13x512x13xi1>
      %broadcast_in_dim3A_490 = vector.broadcast %jit3A_487 : f32 to vector<13x512x13xf32>
      %select_n3A_491 = arith.select %broadcast_in_dim3A_489, %reshape3A_483, %broadcast_in_dim3A_490 : vector<13x512x13xi1>, vector<13x512x13xf32>
      %reduce_sum3A_492 = arith.constant dense<0.000000e+00> : vector<13x512xf32>
      %reduce_sum3A_493 = vector.multi_reduction <add>, %select_n3A_491, %reduce_sum3A_492 [2] : vector<13x512x13xf32> to vector<13x512xf32>
      %reduce_max3A_494 = arith.constant dense<0xFF800000> : vector<13xf32>
      %reduce_max3A_495 = vector.multi_reduction <maximumf>, %reduce_sum3A_493, %reduce_max3A_494 [1] : vector<13x512xf32> to vector<13xf32>
      %broadcast_in_dim3A_496 = vector.shape_cast %reduce_max3A_495 : vector<13xf32> to vector<13x1xf32>
      %sub3A_497 = vector.broadcast %broadcast_in_dim3A_496 : vector<13x1xf32> to vector<13x512xf32>
      %sub3A_498 = arith.subf %reduce_sum3A_493, %sub3A_497 : vector<13x512xf32>
      %exp3A_499 = math.exp %sub3A_498 : vector<13x512xf32>
      %slice3A_500 = vector.extract_strided_slice %exp3A_499 {offsets = [0, 0], sizes = [13, 128], strides = [1, 1]} : vector<13x512xf32> to vector<13x128xf32>
      %slice3A_501 = vector.extract_strided_slice %exp3A_499 {offsets = [0, 128], sizes = [13, 128], strides = [1, 1]} : vector<13x512xf32> to vector<13x128xf32>
      %slice3A_502 = vector.extract_strided_slice %exp3A_499 {offsets = [0, 256], sizes = [13, 128], strides = [1, 1]} : vector<13x512xf32> to vector<13x128xf32>
      %slice3A_503 = vector.extract_strided_slice %exp3A_499 {offsets = [0, 384], sizes = [13, 128], strides = [1, 1]} : vector<13x512xf32> to vector<13x128xf32>
      %add3A_504 = arith.addf %slice3A_500, %slice3A_501 : vector<13x128xf32>
      %add3A_505 = arith.addf %slice3A_502, %slice3A_503 : vector<13x128xf32>
      %add3A_506 = arith.addf %add3A_504, %add3A_505 : vector<13x128xf32>
      %slice3A_507 = vector.extract_strided_slice %add3A_506 {offsets = [0, 0], sizes = [13, 64], strides = [1, 1]} : vector<13x128xf32> to vector<13x64xf32>
      %slice3A_508 = vector.extract_strided_slice %add3A_506 {offsets = [0, 64], sizes = [13, 64], strides = [1, 1]} : vector<13x128xf32> to vector<13x64xf32>
      %add3A_509 = arith.addf %slice3A_507, %slice3A_508 : vector<13x64xf32>
      %slice3A_510 = vector.extract_strided_slice %add3A_509 {offsets = [0, 0], sizes = [13, 32], strides = [1, 1]} : vector<13x64xf32> to vector<13x32xf32>
      %slice3A_511 = vector.extract_strided_slice %add3A_509 {offsets = [0, 32], sizes = [13, 32], strides = [1, 1]} : vector<13x64xf32> to vector<13x32xf32>
      %add3A_512 = arith.addf %slice3A_510, %slice3A_511 : vector<13x32xf32>
      %slice3A_513 = vector.extract_strided_slice %add3A_512 {offsets = [0, 0], sizes = [13, 16], strides = [1, 1]} : vector<13x32xf32> to vector<13x16xf32>
      %slice3A_514 = vector.extract_strided_slice %add3A_512 {offsets = [0, 16], sizes = [13, 16], strides = [1, 1]} : vector<13x32xf32> to vector<13x16xf32>
      %add3A_515 = arith.addf %slice3A_513, %slice3A_514 : vector<13x16xf32>
      %slice3A_516 = vector.extract_strided_slice %add3A_515 {offsets = [0, 0], sizes = [13, 8], strides = [1, 1]} : vector<13x16xf32> to vector<13x8xf32>
      %slice3A_517 = vector.extract_strided_slice %add3A_515 {offsets = [0, 8], sizes = [13, 8], strides = [1, 1]} : vector<13x16xf32> to vector<13x8xf32>
      %add3A_518 = arith.addf %slice3A_516, %slice3A_517 : vector<13x8xf32>
      %slice3A_519 = vector.extract_strided_slice %add3A_518 {offsets = [0, 0], sizes = [13, 4], strides = [1, 1]} : vector<13x8xf32> to vector<13x4xf32>
      %slice3A_520 = vector.extract_strided_slice %add3A_518 {offsets = [0, 4], sizes = [13, 4], strides = [1, 1]} : vector<13x8xf32> to vector<13x4xf32>
      %add3A_521 = arith.addf %slice3A_519, %slice3A_520 : vector<13x4xf32>
      %slice3A_522 = vector.extract_strided_slice %add3A_521 {offsets = [0, 0], sizes = [13, 2], strides = [1, 1]} : vector<13x4xf32> to vector<13x2xf32>
      %slice3A_523 = vector.extract_strided_slice %add3A_521 {offsets = [0, 2], sizes = [13, 2], strides = [1, 1]} : vector<13x4xf32> to vector<13x2xf32>
      %add3A_524 = arith.addf %slice3A_522, %slice3A_523 : vector<13x2xf32>
      %slice3A_525 = vector.extract_strided_slice %add3A_524 {offsets = [0, 0], sizes = [13, 1], strides = [1, 1]} : vector<13x2xf32> to vector<13x1xf32>
      %slice3A_526 = vector.extract_strided_slice %add3A_524 {offsets = [0, 1], sizes = [13, 1], strides = [1, 1]} : vector<13x2xf32> to vector<13x1xf32>
      %add3A_527 = arith.addf %slice3A_525, %slice3A_526 : vector<13x1xf32>
      %log3A_528 = math.log %add3A_527 : vector<13x1xf32>
      %sub3A_529 = vector.broadcast %log3A_528 : vector<13x1xf32> to vector<13x512xf32>
      %sub3A_530 = arith.subf %sub3A_498, %sub3A_529 : vector<13x512xf32>
      %exp3A_531 = math.exp %sub3A_530 : vector<13x512xf32>
      %get3A_532 = arith.constant 0 : index
      %get3A_533 = arith.constant 0 : index
      %get3A_534 = arith.constant 0 : index
      %get3A_535 = vector.load %arg7[%get3A_532, %get3A_533, %get3A_534] : memref<16x64x512xf32, #tpu.memory_space<vmem>>, vector<13x64x512xf32>
      %broadcast_in_dim3A_536 = vector.shape_cast %exp3A_531 : vector<13x512xf32> to vector<13x1x512xf32>
      %mul3A_537 = vector.broadcast %broadcast_in_dim3A_536 : vector<13x1x512xf32> to vector<13x64x512xf32>
      %mul3A_538 = arith.mulf %get3A_535, %mul3A_537 : vector<13x64x512xf32>
      %reduce_sum3A_539 = arith.constant dense<0.000000e+00> : vector<13x64xf32>
      %reduce_sum3A_540 = vector.multi_reduction <add>, %mul3A_538, %reduce_sum3A_539 [2] : vector<13x64x512xf32> to vector<13x64xf32>
      %convert_element_type3A_541 = arith.truncf %reduce_sum3A_540 : vector<13x64xf32> to vector<13x64xbf16>
      %swap3A_542 = arith.constant 0 : index
      %swap3A_543 = arith.constant 0 : index
      %swap3A_544 = vector.load %arg8[%swap3A_542, %swap3A_543] : memref<16x64xbf16, #tpu.memory_space<vmem>>, vector<13x64xbf16>
      tpu.vector_store %arg8[%swap3A_542, %swap3A_543], %convert_element_type3A_541 {strides = array<i32>} : memref<16x64xbf16, #tpu.memory_space<vmem>>, vector<13x64xbf16>,
      %swap3A_545 = arith.constant 0 : index
      %swap3A_546 = arith.constant 0 : index
      %swap3A_547 = vector.load %arg9[%swap3A_545, %swap3A_546] : memref<16x64xf32, #tpu.memory_space<vmem>>, vector<13x64xf32>
      tpu.vector_store %arg9[%swap3A_545, %swap3A_546], %tanh3A_475 {strides = array<i32>} : memref<16x64xf32, #tpu.memory_space<vmem>>, vector<13x64xf32>,
      %swap3A_548 = arith.index_cast %scan3A_446 : i32 to index
      %swap3A_549 = arith.constant 0 : index
      %swap3A_550 = arith.constant 0 : index
      %swap3A_551 = vector.load %arg5[%swap3A_548, %swap3A_549, %swap3A_550] : memref<512x16x512xf32, #tpu.memory_space<vmem>>, vector<1x13x512xf32>
      %swap3A_552 = vector.shape_cast %swap3A_551 : vector<1x13x512xf32> to vector<13x512xf32>
      %swap3A_553 = vector.shape_cast %sub3A_530 : vector<13x512xf32> to vector<1x13x512xf32>
      tpu.vector_store %arg5[%swap3A_548, %swap3A_549, %swap3A_550], %swap3A_553 {strides = array<i32>} : memref<512x16x512xf32, #tpu.memory_space<vmem>>, vector<1x13x512xf32>,
    }
    %scan3A_385 = arith.constant 34 : i32
    %scan3A_386 = arith.constant 104 : i32
    %scan3A_387 = arith.constant 34 : i32
    %scan3A_388 = arith.addi %scan3A_386, %scan3A_387 : i32
    %scan3A_389 = arith.constant 1 : i32
    scf.for %scan3A_446 = %scan3A_386 to %scan3A_388 step %scan3A_389  : i32 {
      %get3A_447 = arith.constant 0 : index
      %get3A_448 = arith.constant 0 : index
      %get3A_449 = vector.load %arg8[%get3A_447, %get3A_448] : memref<16x64xbf16, #tpu.memory_space<vmem>>, vector<12x64xbf16>
      %convert_element_type3A_450 = arith.extf %get3A_449 : vector<12x64xbf16> to vector<12x64xf32>
      %get3A_451 = arith.constant 0 : index
      %get3A_452 = arith.constant 0 : index
      %get3A_453 = vector.load %arg9[%get3A_451, %get3A_452] : memref<16x64xf32, #tpu.memory_space<vmem>>, vector<12x64xf32>
      %get3A_454 = arith.constant 0 : index
      %get3A_455 = arith.constant 0 : index
      %get3A_456 = vector.load %arg1[%get3A_454, %get3A_455] : memref<64x64xf32, #tpu.memory_space<vmem>>, vector<64x64xf32>
      %dot_general3A_457 = arith.constant dense<0.000000e+00> : vector<12x64xf32>
      %dot_general3A_458 = tpu.matmul %convert_element_type3A_450, %get3A_456, %dot_general3A_457 {dimension_numbers = #tpu.dot_dimension_numbers<[1], [0], [0], [1], [0, 0, 1, 1], [], []>, transpose_lhs_hint = false} : vector<12x64xf32>, vector<64x64xf32>, vector<12x64xf32> -> vector<12x64xf32>
      %get3A_459 = arith.constant 0 : index
      %get3A_460 = arith.constant 0 : index
      %get3A_461 = vector.load %arg3[%get3A_459, %get3A_460] : memref<1x64xf32, #tpu.memory_space<vmem>>, vector<1x64xf32>
      %add3A_462 = vector.broadcast %get3A_461 : vector<1x64xf32> to vector<12x64xf32>
      %add3A_463 = arith.addf %dot_general3A_458, %add3A_462 : vector<12x64xf32>
      %get3A_464 = arith.constant 0 : index
      %get3A_465 = arith.constant 0 : index
      %get3A_466 = vector.load %arg2[%get3A_464, %get3A_465] : memref<64x64xf32, #tpu.memory_space<vmem>>, vector<64x64xf32>
      %dot_general3A_467 = arith.constant dense<0.000000e+00> : vector<12x64xf32>
      %dot_general3A_468 = tpu.matmul %get3A_453, %get3A_466, %dot_general3A_467 {dimension_numbers = #tpu.dot_dimension_numbers<[1], [0], [0], [1], [0, 0, 1, 1], [], []>, transpose_lhs_hint = false} : vector<12x64xf32>, vector<64x64xf32>, vector<12x64xf32> -> vector<12x64xf32>
      %add3A_469 = arith.addf %add3A_463, %dot_general3A_468 : vector<12x64xf32>
      %get3A_470 = arith.constant 0 : index
      %get3A_471 = arith.constant 0 : index
      %get3A_472 = vector.load %arg4[%get3A_470, %get3A_471] : memref<1x64xf32, #tpu.memory_space<vmem>>, vector<1x64xf32>
      %add3A_473 = vector.broadcast %get3A_472 : vector<1x64xf32> to vector<12x64xf32>
      %add3A_474 = arith.addf %add3A_469, %add3A_473 : vector<12x64xf32>
      %tanh3A_475 = math.tanh %add3A_474 : vector<12x64xf32>
      %get3A_476 = arith.constant 0 : index
      %get3A_477 = arith.constant 0 : index
      %get3A_478 = arith.constant 0 : index
      %get3A_479 = vector.load %arg6[%get3A_476, %get3A_477, %get3A_478] : memref<16x512x64xf32, #tpu.memory_space<vmem>>, vector<12x512x64xf32>
      %reshape3A_480 = vector.shape_cast %get3A_479 : vector<12x512x64xf32> to vector<6144x64xf32>
      %dot_general3A_481 = arith.constant dense<0.000000e+00> : vector<6144x12xf32>
      %dot_general3A_482 = tpu.matmul %reshape3A_480, %tanh3A_475, %dot_general3A_481 {dimension_numbers = #tpu.dot_dimension_numbers<[1], [1], [0], [0], [0, 0, 1, 0], [], []>, transpose_lhs_hint = false} : vector<6144x64xf32>, vector<12x64xf32>, vector<6144x12xf32> -> vector<6144x12xf32>
      %reshape3A_483 = vector.shape_cast %dot_general3A_482 : vector<6144x12xf32> to vector<12x512x12xf32>
      %iota3A_484 = tpu.iota {dimensions = array<i32: 0>} : vector<12x1x12xi32>
      %iota3A_485 = tpu.iota {dimensions = array<i32: 2>} : vector<12x1x12xi32>
      %eq3A_486 = arith.cmpi eq, %iota3A_484, %iota3A_485 : vector<12x1x12xi32>
      %jit3A_487 = arith.constant 0.000000e+00 : f32
      %broadcast_in_dim3A_488 = vector.shape_cast %eq3A_486 : vector<12x1x12xi1> to vector<12x1x12xi1>
      %broadcast_in_dim3A_489 = vector.broadcast %broadcast_in_dim3A_488 : vector<12x1x12xi1> to vector<12x512x12xi1>
      %broadcast_in_dim3A_490 = vector.broadcast %jit3A_487 : f32 to vector<12x512x12xf32>
      %select_n3A_491 = arith.select %broadcast_in_dim3A_489, %reshape3A_483, %broadcast_in_dim3A_490 : vector<12x512x12xi1>, vector<12x512x12xf32>
      %reduce_sum3A_492 = arith.constant dense<0.000000e+00> : vector<12x512xf32>
      %reduce_sum3A_493 = vector.multi_reduction <add>, %select_n3A_491, %reduce_sum3A_492 [2] : vector<12x512x12xf32> to vector<12x512xf32>
      %reduce_max3A_494 = arith.constant dense<0xFF800000> : vector<12xf32>
      %reduce_max3A_495 = vector.multi_reduction <maximumf>, %reduce_sum3A_493, %reduce_max3A_494 [1] : vector<12x512xf32> to vector<12xf32>
      %broadcast_in_dim3A_496 = vector.shape_cast %reduce_max3A_495 : vector<12xf32> to vector<12x1xf32>
      %sub3A_497 = vector.broadcast %broadcast_in_dim3A_496 : vector<12x1xf32> to vector<12x512xf32>
      %sub3A_498 = arith.subf %reduce_sum3A_493, %sub3A_497 : vector<12x512xf32>
      %exp3A_499 = math.exp %sub3A_498 : vector<12x512xf32>
      %slice3A_500 = vector.extract_strided_slice %exp3A_499 {offsets = [0, 0], sizes = [12, 128], strides = [1, 1]} : vector<12x512xf32> to vector<12x128xf32>
      %slice3A_501 = vector.extract_strided_slice %exp3A_499 {offsets = [0, 128], sizes = [12, 128], strides = [1, 1]} : vector<12x512xf32> to vector<12x128xf32>
      %slice3A_502 = vector.extract_strided_slice %exp3A_499 {offsets = [0, 256], sizes = [12, 128], strides = [1, 1]} : vector<12x512xf32> to vector<12x128xf32>
      %slice3A_503 = vector.extract_strided_slice %exp3A_499 {offsets = [0, 384], sizes = [12, 128], strides = [1, 1]} : vector<12x512xf32> to vector<12x128xf32>
      %add3A_504 = arith.addf %slice3A_500, %slice3A_501 : vector<12x128xf32>
      %add3A_505 = arith.addf %slice3A_502, %slice3A_503 : vector<12x128xf32>
      %add3A_506 = arith.addf %add3A_504, %add3A_505 : vector<12x128xf32>
      %slice3A_507 = vector.extract_strided_slice %add3A_506 {offsets = [0, 0], sizes = [12, 64], strides = [1, 1]} : vector<12x128xf32> to vector<12x64xf32>
      %slice3A_508 = vector.extract_strided_slice %add3A_506 {offsets = [0, 64], sizes = [12, 64], strides = [1, 1]} : vector<12x128xf32> to vector<12x64xf32>
      %add3A_509 = arith.addf %slice3A_507, %slice3A_508 : vector<12x64xf32>
      %slice3A_510 = vector.extract_strided_slice %add3A_509 {offsets = [0, 0], sizes = [12, 32], strides = [1, 1]} : vector<12x64xf32> to vector<12x32xf32>
      %slice3A_511 = vector.extract_strided_slice %add3A_509 {offsets = [0, 32], sizes = [12, 32], strides = [1, 1]} : vector<12x64xf32> to vector<12x32xf32>
      %add3A_512 = arith.addf %slice3A_510, %slice3A_511 : vector<12x32xf32>
      %slice3A_513 = vector.extract_strided_slice %add3A_512 {offsets = [0, 0], sizes = [12, 16], strides = [1, 1]} : vector<12x32xf32> to vector<12x16xf32>
      %slice3A_514 = vector.extract_strided_slice %add3A_512 {offsets = [0, 16], sizes = [12, 16], strides = [1, 1]} : vector<12x32xf32> to vector<12x16xf32>
      %add3A_515 = arith.addf %slice3A_513, %slice3A_514 : vector<12x16xf32>
      %slice3A_516 = vector.extract_strided_slice %add3A_515 {offsets = [0, 0], sizes = [12, 8], strides = [1, 1]} : vector<12x16xf32> to vector<12x8xf32>
      %slice3A_517 = vector.extract_strided_slice %add3A_515 {offsets = [0, 8], sizes = [12, 8], strides = [1, 1]} : vector<12x16xf32> to vector<12x8xf32>
      %add3A_518 = arith.addf %slice3A_516, %slice3A_517 : vector<12x8xf32>
      %slice3A_519 = vector.extract_strided_slice %add3A_518 {offsets = [0, 0], sizes = [12, 4], strides = [1, 1]} : vector<12x8xf32> to vector<12x4xf32>
      %slice3A_520 = vector.extract_strided_slice %add3A_518 {offsets = [0, 4], sizes = [12, 4], strides = [1, 1]} : vector<12x8xf32> to vector<12x4xf32>
      %add3A_521 = arith.addf %slice3A_519, %slice3A_520 : vector<12x4xf32>
      %slice3A_522 = vector.extract_strided_slice %add3A_521 {offsets = [0, 0], sizes = [12, 2], strides = [1, 1]} : vector<12x4xf32> to vector<12x2xf32>
      %slice3A_523 = vector.extract_strided_slice %add3A_521 {offsets = [0, 2], sizes = [12, 2], strides = [1, 1]} : vector<12x4xf32> to vector<12x2xf32>
      %add3A_524 = arith.addf %slice3A_522, %slice3A_523 : vector<12x2xf32>
      %slice3A_525 = vector.extract_strided_slice %add3A_524 {offsets = [0, 0], sizes = [12, 1], strides = [1, 1]} : vector<12x2xf32> to vector<12x1xf32>
      %slice3A_526 = vector.extract_strided_slice %add3A_524 {offsets = [0, 1], sizes = [12, 1], strides = [1, 1]} : vector<12x2xf32> to vector<12x1xf32>
      %add3A_527 = arith.addf %slice3A_525, %slice3A_526 : vector<12x1xf32>
      %log3A_528 = math.log %add3A_527 : vector<12x1xf32>
      %sub3A_529 = vector.broadcast %log3A_528 : vector<12x1xf32> to vector<12x512xf32>
      %sub3A_530 = arith.subf %sub3A_498, %sub3A_529 : vector<12x512xf32>
      %exp3A_531 = math.exp %sub3A_530 : vector<12x512xf32>
      %get3A_532 = arith.constant 0 : index
      %get3A_533 = arith.constant 0 : index
      %get3A_534 = arith.constant 0 : index
      %get3A_535 = vector.load %arg7[%get3A_532, %get3A_533, %get3A_534] : memref<16x64x512xf32, #tpu.memory_space<vmem>>, vector<12x64x512xf32>
      %broadcast_in_dim3A_536 = vector.shape_cast %exp3A_531 : vector<12x512xf32> to vector<12x1x512xf32>
      %mul3A_537 = vector.broadcast %broadcast_in_dim3A_536 : vector<12x1x512xf32> to vector<12x64x512xf32>
      %mul3A_538 = arith.mulf %get3A_535, %mul3A_537 : vector<12x64x512xf32>
      %reduce_sum3A_539 = arith.constant dense<0.000000e+00> : vector<12x64xf32>
      %reduce_sum3A_540 = vector.multi_reduction <add>, %mul3A_538, %reduce_sum3A_539 [2] : vector<12x64x512xf32> to vector<12x64xf32>
      %convert_element_type3A_541 = arith.truncf %reduce_sum3A_540 : vector<12x64xf32> to vector<12x64xbf16>
      %swap3A_542 = arith.constant 0 : index
      %swap3A_543 = arith.constant 0 : index
      %swap3A_544 = vector.load %arg8[%swap3A_542, %swap3A_543] : memref<16x64xbf16, #tpu.memory_space<vmem>>, vector<12x64xbf16>
      tpu.vector_store %arg8[%swap3A_542, %swap3A_543], %convert_element_type3A_541 {strides = array<i32>} : memref<16x64xbf16, #tpu.memory_space<vmem>>, vector<12x64xbf16>,
      %swap3A_545 = arith.constant 0 : index
      %swap3A_546 = arith.constant 0 : index
      %swap3A_547 = vector.load %arg9[%swap3A_545, %swap3A_546] : memref<16x64xf32, #tpu.memory_space<vmem>>, vector<12x64xf32>
      tpu.vector_store %arg9[%swap3A_545, %swap3A_546], %tanh3A_475 {strides = array<i32>} : memref<16x64xf32, #tpu.memory_space<vmem>>, vector<12x64xf32>,
      %swap3A_548 = arith.index_cast %scan3A_446 : i32 to index
      %swap3A_549 = arith.constant 0 : index
      %swap3A_550 = arith.constant 0 : index
      %swap3A_551 = vector.load %arg5[%swap3A_548, %swap3A_549, %swap3A_550] : memref<512x16x512xf32, #tpu.memory_space<vmem>>, vector<1x12x512xf32>
      %swap3A_552 = vector.shape_cast %swap3A_551 : vector<1x12x512xf32> to vector<12x512xf32>
      %swap3A_553 = vector.shape_cast %sub3A_530 : vector<12x512xf32> to vector<1x12x512xf32>
      tpu.vector_store %arg5[%swap3A_548, %swap3A_549, %swap3A_550], %swap3A_553 {strides = array<i32>} : memref<512x16x512xf32, #tpu.memory_space<vmem>>, vector<1x12x512xf32>,
    }
    %scan3A_390 = arith.constant 34 : i32
    %scan3A_391 = arith.constant 138 : i32
    %scan3A_392 = arith.constant 34 : i32
    %scan3A_393 = arith.addi %scan3A_391, %scan3A_392 : i32
    %scan3A_394 = arith.constant 1 : i32
    scf.for %scan3A_446 = %scan3A_391 to %scan3A_393 step %scan3A_394  : i32 {
      %get3A_447 = arith.constant 0 : index
      %get3A_448 = arith.constant 0 : index
      %get3A_449 = vector.load %arg8[%get3A_447, %get3A_448] : memref<16x64xbf16, #tpu.memory_space<vmem>>, vector<11x64xbf16>
      %convert_element_type3A_450 = arith.extf %get3A_449 : vector<11x64xbf16> to vector<11x64xf32>
      %get3A_451 = arith.constant 0 : index
      %get3A_452 = arith.constant 0 : index
      %get3A_453 = vector.load %arg9[%get3A_451, %get3A_452] : memref<16x64xf32, #tpu.memory_space<vmem>>, vector<11x64xf32>
      %get3A_454 = arith.constant 0 : index
      %get3A_455 = arith.constant 0 : index
      %get3A_456 = vector.load %arg1[%get3A_454, %get3A_455] : memref<64x64xf32, #tpu.memory_space<vmem>>, vector<64x64xf32>
      %dot_general3A_457 = arith.constant dense<0.000000e+00> : vector<11x64xf32>
      %dot_general3A_458 = tpu.matmul %convert_element_type3A_450, %get3A_456, %dot_general3A_457 {dimension_numbers = #tpu.dot_dimension_numbers<[1], [0], [0], [1], [0, 0, 1, 1], [], []>, transpose_lhs_hint = false} : vector<11x64xf32>, vector<64x64xf32>, vector<11x64xf32> -> vector<11x64xf32>
      %get3A_459 = arith.constant 0 : index
      %get3A_460 = arith.constant 0 : index
      %get3A_461 = vector.load %arg3[%get3A_459, %get3A_460] : memref<1x64xf32, #tpu.memory_space<vmem>>, vector<1x64xf32>
      %add3A_462 = vector.broadcast %get3A_461 : vector<1x64xf32> to vector<11x64xf32>
      %add3A_463 = arith.addf %dot_general3A_458, %add3A_462 : vector<11x64xf32>
      %get3A_464 = arith.constant 0 : index
      %get3A_465 = arith.constant 0 : index
      %get3A_466 = vector.load %arg2[%get3A_464, %get3A_465] : memref<64x64xf32, #tpu.memory_space<vmem>>, vector<64x64xf32>
      %dot_general3A_467 = arith.constant dense<0.000000e+00> : vector<11x64xf32>
      %dot_general3A_468 = tpu.matmul %get3A_453, %get3A_466, %dot_general3A_467 {dimension_numbers = #tpu.dot_dimension_numbers<[1], [0], [0], [1], [0, 0, 1, 1], [], []>, transpose_lhs_hint = false} : vector<11x64xf32>, vector<64x64xf32>, vector<11x64xf32> -> vector<11x64xf32>
      %add3A_469 = arith.addf %add3A_463, %dot_general3A_468 : vector<11x64xf32>
      %get3A_470 = arith.constant 0 : index
      %get3A_471 = arith.constant 0 : index
      %get3A_472 = vector.load %arg4[%get3A_470, %get3A_471] : memref<1x64xf32, #tpu.memory_space<vmem>>, vector<1x64xf32>
      %add3A_473 = vector.broadcast %get3A_472 : vector<1x64xf32> to vector<11x64xf32>
      %add3A_474 = arith.addf %add3A_469, %add3A_473 : vector<11x64xf32>
      %tanh3A_475 = math.tanh %add3A_474 : vector<11x64xf32>
      %get3A_476 = arith.constant 0 : index
      %get3A_477 = arith.constant 0 : index
      %get3A_478 = arith.constant 0 : index
      %get3A_479 = vector.load %arg6[%get3A_476, %get3A_477, %get3A_478] : memref<16x512x64xf32, #tpu.memory_space<vmem>>, vector<11x512x64xf32>
      %reshape3A_480 = vector.shape_cast %get3A_479 : vector<11x512x64xf32> to vector<5632x64xf32>
      %dot_general3A_481 = arith.constant dense<0.000000e+00> : vector<5632x11xf32>
      %dot_general3A_482 = tpu.matmul %reshape3A_480, %tanh3A_475, %dot_general3A_481 {dimension_numbers = #tpu.dot_dimension_numbers<[1], [1], [0], [0], [0, 0, 1, 0], [], []>, transpose_lhs_hint = false} : vector<5632x64xf32>, vector<11x64xf32>, vector<5632x11xf32> -> vector<5632x11xf32>
      %reshape3A_483 = vector.shape_cast %dot_general3A_482 : vector<5632x11xf32> to vector<11x512x11xf32>
      %iota3A_484 = tpu.iota {dimensions = array<i32: 0>} : vector<11x1x11xi32>
      %iota3A_485 = tpu.iota {dimensions = array<i32: 2>} : vector<11x1x11xi32>
      %eq3A_486 = arith.cmpi eq, %iota3A_484, %iota3A_485 : vector<11x1x11xi32>
      %jit3A_487 = arith.constant 0.000000e+00 : f32
      %broadcast_in_dim3A_488 = vector.shape_cast %eq3A_486 : vector<11x1x11xi1> to vector<11x1x11xi1>
      %broadcast_in_dim3A_489 = vector.broadcast %broadcast_in_dim3A_488 : vector<11x1x11xi1> to vector<11x512x11xi1>
      %broadcast_in_dim3A_490 = vector.broadcast %jit3A_487 : f32 to vector<11x512x11xf32>
      %select_n3A_491 = arith.select %broadcast_in_dim3A_489, %reshape3A_483, %broadcast_in_dim3A_490 : vector<11x512x11xi1>, vector<11x512x11xf32>
      %reduce_sum3A_492 = arith.constant dense<0.000000e+00> : vector<11x512xf32>
      %reduce_sum3A_493 = vector.multi_reduction <add>, %select_n3A_491, %reduce_sum3A_492 [2] : vector<11x512x11xf32> to vector<11x512xf32>
      %reduce_max3A_494 = arith.constant dense<0xFF800000> : vector<11xf32>
      %reduce_max3A_495 = vector.multi_reduction <maximumf>, %reduce_sum3A_493, %reduce_max3A_494 [1] : vector<11x512xf32> to vector<11xf32>
      %broadcast_in_dim3A_496 = vector.shape_cast %reduce_max3A_495 : vector<11xf32> to vector<11x1xf32>
      %sub3A_497 = vector.broadcast %broadcast_in_dim3A_496 : vector<11x1xf32> to vector<11x512xf32>
      %sub3A_498 = arith.subf %reduce_sum3A_493, %sub3A_497 : vector<11x512xf32>
      %exp3A_499 = math.exp %sub3A_498 : vector<11x512xf32>
      %slice3A_500 = vector.extract_strided_slice %exp3A_499 {offsets = [0, 0], sizes = [11, 128], strides = [1, 1]} : vector<11x512xf32> to vector<11x128xf32>
      %slice3A_501 = vector.extract_strided_slice %exp3A_499 {offsets = [0, 128], sizes = [11, 128], strides = [1, 1]} : vector<11x512xf32> to vector<11x128xf32>
      %slice3A_502 = vector.extract_strided_slice %exp3A_499 {offsets = [0, 256], sizes = [11, 128], strides = [1, 1]} : vector<11x512xf32> to vector<11x128xf32>
      %slice3A_503 = vector.extract_strided_slice %exp3A_499 {offsets = [0, 384], sizes = [11, 128], strides = [1, 1]} : vector<11x512xf32> to vector<11x128xf32>
      %add3A_504 = arith.addf %slice3A_500, %slice3A_501 : vector<11x128xf32>
      %add3A_505 = arith.addf %slice3A_502, %slice3A_503 : vector<11x128xf32>
      %add3A_506 = arith.addf %add3A_504, %add3A_505 : vector<11x128xf32>
      %slice3A_507 = vector.extract_strided_slice %add3A_506 {offsets = [0, 0], sizes = [11, 64], strides = [1, 1]} : vector<11x128xf32> to vector<11x64xf32>
      %slice3A_508 = vector.extract_strided_slice %add3A_506 {offsets = [0, 64], sizes = [11, 64], strides = [1, 1]} : vector<11x128xf32> to vector<11x64xf32>
      %add3A_509 = arith.addf %slice3A_507, %slice3A_508 : vector<11x64xf32>
      %slice3A_510 = vector.extract_strided_slice %add3A_509 {offsets = [0, 0], sizes = [11, 32], strides = [1, 1]} : vector<11x64xf32> to vector<11x32xf32>
      %slice3A_511 = vector.extract_strided_slice %add3A_509 {offsets = [0, 32], sizes = [11, 32], strides = [1, 1]} : vector<11x64xf32> to vector<11x32xf32>
      %add3A_512 = arith.addf %slice3A_510, %slice3A_511 : vector<11x32xf32>
      %slice3A_513 = vector.extract_strided_slice %add3A_512 {offsets = [0, 0], sizes = [11, 16], strides = [1, 1]} : vector<11x32xf32> to vector<11x16xf32>
      %slice3A_514 = vector.extract_strided_slice %add3A_512 {offsets = [0, 16], sizes = [11, 16], strides = [1, 1]} : vector<11x32xf32> to vector<11x16xf32>
      %add3A_515 = arith.addf %slice3A_513, %slice3A_514 : vector<11x16xf32>
      %slice3A_516 = vector.extract_strided_slice %add3A_515 {offsets = [0, 0], sizes = [11, 8], strides = [1, 1]} : vector<11x16xf32> to vector<11x8xf32>
      %slice3A_517 = vector.extract_strided_slice %add3A_515 {offsets = [0, 8], sizes = [11, 8], strides = [1, 1]} : vector<11x16xf32> to vector<11x8xf32>
      %add3A_518 = arith.addf %slice3A_516, %slice3A_517 : vector<11x8xf32>
      %slice3A_519 = vector.extract_strided_slice %add3A_518 {offsets = [0, 0], sizes = [11, 4], strides = [1, 1]} : vector<11x8xf32> to vector<11x4xf32>
      %slice3A_520 = vector.extract_strided_slice %add3A_518 {offsets = [0, 4], sizes = [11, 4], strides = [1, 1]} : vector<11x8xf32> to vector<11x4xf32>
      %add3A_521 = arith.addf %slice3A_519, %slice3A_520 : vector<11x4xf32>
      %slice3A_522 = vector.extract_strided_slice %add3A_521 {offsets = [0, 0], sizes = [11, 2], strides = [1, 1]} : vector<11x4xf32> to vector<11x2xf32>
      %slice3A_523 = vector.extract_strided_slice %add3A_521 {offsets = [0, 2], sizes = [11, 2], strides = [1, 1]} : vector<11x4xf32> to vector<11x2xf32>
      %add3A_524 = arith.addf %slice3A_522, %slice3A_523 : vector<11x2xf32>
      %slice3A_525 = vector.extract_strided_slice %add3A_524 {offsets = [0, 0], sizes = [11, 1], strides = [1, 1]} : vector<11x2xf32> to vector<11x1xf32>
      %slice3A_526 = vector.extract_strided_slice %add3A_524 {offsets = [0, 1], sizes = [11, 1], strides = [1, 1]} : vector<11x2xf32> to vector<11x1xf32>
      %add3A_527 = arith.addf %slice3A_525, %slice3A_526 : vector<11x1xf32>
      %log3A_528 = math.log %add3A_527 : vector<11x1xf32>
      %sub3A_529 = vector.broadcast %log3A_528 : vector<11x1xf32> to vector<11x512xf32>
      %sub3A_530 = arith.subf %sub3A_498, %sub3A_529 : vector<11x512xf32>
      %exp3A_531 = math.exp %sub3A_530 : vector<11x512xf32>
      %get3A_532 = arith.constant 0 : index
      %get3A_533 = arith.constant 0 : index
      %get3A_534 = arith.constant 0 : index
      %get3A_535 = vector.load %arg7[%get3A_532, %get3A_533, %get3A_534] : memref<16x64x512xf32, #tpu.memory_space<vmem>>, vector<11x64x512xf32>
      %broadcast_in_dim3A_536 = vector.shape_cast %exp3A_531 : vector<11x512xf32> to vector<11x1x512xf32>
      %mul3A_537 = vector.broadcast %broadcast_in_dim3A_536 : vector<11x1x512xf32> to vector<11x64x512xf32>
      %mul3A_538 = arith.mulf %get3A_535, %mul3A_537 : vector<11x64x512xf32>
      %reduce_sum3A_539 = arith.constant dense<0.000000e+00> : vector<11x64xf32>
      %reduce_sum3A_540 = vector.multi_reduction <add>, %mul3A_538, %reduce_sum3A_539 [2] : vector<11x64x512xf32> to vector<11x64xf32>
      %convert_element_type3A_541 = arith.truncf %reduce_sum3A_540 : vector<11x64xf32> to vector<11x64xbf16>
      %swap3A_542 = arith.constant 0 : index
      %swap3A_543 = arith.constant 0 : index
      %swap3A_544 = vector.load %arg8[%swap3A_542, %swap3A_543] : memref<16x64xbf16, #tpu.memory_space<vmem>>, vector<11x64xbf16>
      tpu.vector_store %arg8[%swap3A_542, %swap3A_543], %convert_element_type3A_541 {strides = array<i32>} : memref<16x64xbf16, #tpu.memory_space<vmem>>, vector<11x64xbf16>,
      %swap3A_545 = arith.constant 0 : index
      %swap3A_546 = arith.constant 0 : index
      %swap3A_547 = vector.load %arg9[%swap3A_545, %swap3A_546] : memref<16x64xf32, #tpu.memory_space<vmem>>, vector<11x64xf32>
      tpu.vector_store %arg9[%swap3A_545, %swap3A_546], %tanh3A_475 {strides = array<i32>} : memref<16x64xf32, #tpu.memory_space<vmem>>, vector<11x64xf32>,
      %swap3A_548 = arith.index_cast %scan3A_446 : i32 to index
      %swap3A_549 = arith.constant 0 : index
      %swap3A_550 = arith.constant 0 : index
      %swap3A_551 = vector.load %arg5[%swap3A_548, %swap3A_549, %swap3A_550] : memref<512x16x512xf32, #tpu.memory_space<vmem>>, vector<1x11x512xf32>
      %swap3A_552 = vector.shape_cast %swap3A_551 : vector<1x11x512xf32> to vector<11x512xf32>
      %swap3A_553 = vector.shape_cast %sub3A_530 : vector<11x512xf32> to vector<1x11x512xf32>
      tpu.vector_store %arg5[%swap3A_548, %swap3A_549, %swap3A_550], %swap3A_553 {strides = array<i32>} : memref<512x16x512xf32, #tpu.memory_space<vmem>>, vector<1x11x512xf32>,
    }
    %scan3A_395 = arith.constant 34 : i32
    %scan3A_396 = arith.constant 172 : i32
    %scan3A_397 = arith.constant 34 : i32
    %scan3A_398 = arith.addi %scan3A_396, %scan3A_397 : i32
    %scan3A_399 = arith.constant 1 : i32
    scf.for %scan3A_446 = %scan3A_396 to %scan3A_398 step %scan3A_399  : i32 {
      %get3A_447 = arith.constant 0 : index
      %get3A_448 = arith.constant 0 : index
      %get3A_449 = vector.load %arg8[%get3A_447, %get3A_448] : memref<16x64xbf16, #tpu.memory_space<vmem>>, vector<10x64xbf16>
      %convert_element_type3A_450 = arith.extf %get3A_449 : vector<10x64xbf16> to vector<10x64xf32>
      %get3A_451 = arith.constant 0 : index
      %get3A_452 = arith.constant 0 : index
      %get3A_453 = vector.load %arg9[%get3A_451, %get3A_452] : memref<16x64xf32, #tpu.memory_space<vmem>>, vector<10x64xf32>
      %get3A_454 = arith.constant 0 : index
      %get3A_455 = arith.constant 0 : index
      %get3A_456 = vector.load %arg1[%get3A_454, %get3A_455] : memref<64x64xf32, #tpu.memory_space<vmem>>, vector<64x64xf32>
      %dot_general3A_457 = arith.constant dense<0.000000e+00> : vector<10x64xf32>
      %dot_general3A_458 = tpu.matmul %convert_element_type3A_450, %get3A_456, %dot_general3A_457 {dimension_numbers = #tpu.dot_dimension_numbers<[1], [0], [0], [1], [0, 0, 1, 1], [], []>, transpose_lhs_hint = false} : vector<10x64xf32>, vector<64x64xf32>, vector<10x64xf32> -> vector<10x64xf32>
      %get3A_459 = arith.constant 0 : index
      %get3A_460 = arith.constant 0 : index
      %get3A_461 = vector.load %arg3[%get3A_459, %get3A_460] : memref<1x64xf32, #tpu.memory_space<vmem>>, vector<1x64xf32>
      %add3A_462 = vector.broadcast %get3A_461 : vector<1x64xf32> to vector<10x64xf32>
      %add3A_463 = arith.addf %dot_general3A_458, %add3A_462 : vector<10x64xf32>
      %get3A_464 = arith.constant 0 : index
      %get3A_465 = arith.constant 0 : index
      %get3A_466 = vector.load %arg2[%get3A_464, %get3A_465] : memref<64x64xf32, #tpu.memory_space<vmem>>, vector<64x64xf32>
      %dot_general3A_467 = arith.constant dense<0.000000e+00> : vector<10x64xf32>
      %dot_general3A_468 = tpu.matmul %get3A_453, %get3A_466, %dot_general3A_467 {dimension_numbers = #tpu.dot_dimension_numbers<[1], [0], [0], [1], [0, 0, 1, 1], [], []>, transpose_lhs_hint = false} : vector<10x64xf32>, vector<64x64xf32>, vector<10x64xf32> -> vector<10x64xf32>
      %add3A_469 = arith.addf %add3A_463, %dot_general3A_468 : vector<10x64xf32>
      %get3A_470 = arith.constant 0 : index
      %get3A_471 = arith.constant 0 : index
      %get3A_472 = vector.load %arg4[%get3A_470, %get3A_471] : memref<1x64xf32, #tpu.memory_space<vmem>>, vector<1x64xf32>
      %add3A_473 = vector.broadcast %get3A_472 : vector<1x64xf32> to vector<10x64xf32>
      %add3A_474 = arith.addf %add3A_469, %add3A_473 : vector<10x64xf32>
      %tanh3A_475 = math.tanh %add3A_474 : vector<10x64xf32>
      %get3A_476 = arith.constant 0 : index
      %get3A_477 = arith.constant 0 : index
      %get3A_478 = arith.constant 0 : index
      %get3A_479 = vector.load %arg6[%get3A_476, %get3A_477, %get3A_478] : memref<16x512x64xf32, #tpu.memory_space<vmem>>, vector<10x512x64xf32>
      %reshape3A_480 = vector.shape_cast %get3A_479 : vector<10x512x64xf32> to vector<5120x64xf32>
      %dot_general3A_481 = arith.constant dense<0.000000e+00> : vector<5120x10xf32>
      %dot_general3A_482 = tpu.matmul %reshape3A_480, %tanh3A_475, %dot_general3A_481 {dimension_numbers = #tpu.dot_dimension_numbers<[1], [1], [0], [0], [0, 0, 1, 0], [], []>, transpose_lhs_hint = false} : vector<5120x64xf32>, vector<10x64xf32>, vector<5120x10xf32> -> vector<5120x10xf32>
      %reshape3A_483 = vector.shape_cast %dot_general3A_482 : vector<5120x10xf32> to vector<10x512x10xf32>
      %iota3A_484 = tpu.iota {dimensions = array<i32: 0>} : vector<10x1x10xi32>
      %iota3A_485 = tpu.iota {dimensions = array<i32: 2>} : vector<10x1x10xi32>
      %eq3A_486 = arith.cmpi eq, %iota3A_484, %iota3A_485 : vector<10x1x10xi32>
      %jit3A_487 = arith.constant 0.000000e+00 : f32
      %broadcast_in_dim3A_488 = vector.shape_cast %eq3A_486 : vector<10x1x10xi1> to vector<10x1x10xi1>
      %broadcast_in_dim3A_489 = vector.broadcast %broadcast_in_dim3A_488 : vector<10x1x10xi1> to vector<10x512x10xi1>
      %broadcast_in_dim3A_490 = vector.broadcast %jit3A_487 : f32 to vector<10x512x10xf32>
      %select_n3A_491 = arith.select %broadcast_in_dim3A_489, %reshape3A_483, %broadcast_in_dim3A_490 : vector<10x512x10xi1>, vector<10x512x10xf32>
      %reduce_sum3A_492 = arith.constant dense<0.000000e+00> : vector<10x512xf32>
      %reduce_sum3A_493 = vector.multi_reduction <add>, %select_n3A_491, %reduce_sum3A_492 [2] : vector<10x512x10xf32> to vector<10x512xf32>
      %reduce_max3A_494 = arith.constant dense<0xFF800000> : vector<10xf32>
      %reduce_max3A_495 = vector.multi_reduction <maximumf>, %reduce_sum3A_493, %reduce_max3A_494 [1] : vector<10x512xf32> to vector<10xf32>
      %broadcast_in_dim3A_496 = vector.shape_cast %reduce_max3A_495 : vector<10xf32> to vector<10x1xf32>
      %sub3A_497 = vector.broadcast %broadcast_in_dim3A_496 : vector<10x1xf32> to vector<10x512xf32>
      %sub3A_498 = arith.subf %reduce_sum3A_493, %sub3A_497 : vector<10x512xf32>
      %exp3A_499 = math.exp %sub3A_498 : vector<10x512xf32>
      %slice3A_500 = vector.extract_strided_slice %exp3A_499 {offsets = [0, 0], sizes = [10, 128], strides = [1, 1]} : vector<10x512xf32> to vector<10x128xf32>
      %slice3A_501 = vector.extract_strided_slice %exp3A_499 {offsets = [0, 128], sizes = [10, 128], strides = [1, 1]} : vector<10x512xf32> to vector<10x128xf32>
      %slice3A_502 = vector.extract_strided_slice %exp3A_499 {offsets = [0, 256], sizes = [10, 128], strides = [1, 1]} : vector<10x512xf32> to vector<10x128xf32>
      %slice3A_503 = vector.extract_strided_slice %exp3A_499 {offsets = [0, 384], sizes = [10, 128], strides = [1, 1]} : vector<10x512xf32> to vector<10x128xf32>
      %add3A_504 = arith.addf %slice3A_500, %slice3A_501 : vector<10x128xf32>
      %add3A_505 = arith.addf %slice3A_502, %slice3A_503 : vector<10x128xf32>
      %add3A_506 = arith.addf %add3A_504, %add3A_505 : vector<10x128xf32>
      %slice3A_507 = vector.extract_strided_slice %add3A_506 {offsets = [0, 0], sizes = [10, 64], strides = [1, 1]} : vector<10x128xf32> to vector<10x64xf32>
      %slice3A_508 = vector.extract_strided_slice %add3A_506 {offsets = [0, 64], sizes = [10, 64], strides = [1, 1]} : vector<10x128xf32> to vector<10x64xf32>
      %add3A_509 = arith.addf %slice3A_507, %slice3A_508 : vector<10x64xf32>
      %slice3A_510 = vector.extract_strided_slice %add3A_509 {offsets = [0, 0], sizes = [10, 32], strides = [1, 1]} : vector<10x64xf32> to vector<10x32xf32>
      %slice3A_511 = vector.extract_strided_slice %add3A_509 {offsets = [0, 32], sizes = [10, 32], strides = [1, 1]} : vector<10x64xf32> to vector<10x32xf32>
      %add3A_512 = arith.addf %slice3A_510, %slice3A_511 : vector<10x32xf32>
      %slice3A_513 = vector.extract_strided_slice %add3A_512 {offsets = [0, 0], sizes = [10, 16], strides = [1, 1]} : vector<10x32xf32> to vector<10x16xf32>
      %slice3A_514 = vector.extract_strided_slice %add3A_512 {offsets = [0, 16], sizes = [10, 16], strides = [1, 1]} : vector<10x32xf32> to vector<10x16xf32>
      %add3A_515 = arith.addf %slice3A_513, %slice3A_514 : vector<10x16xf32>
      %slice3A_516 = vector.extract_strided_slice %add3A_515 {offsets = [0, 0], sizes = [10, 8], strides = [1, 1]} : vector<10x16xf32> to vector<10x8xf32>
      %slice3A_517 = vector.extract_strided_slice %add3A_515 {offsets = [0, 8], sizes = [10, 8], strides = [1, 1]} : vector<10x16xf32> to vector<10x8xf32>
      %add3A_518 = arith.addf %slice3A_516, %slice3A_517 : vector<10x8xf32>
      %slice3A_519 = vector.extract_strided_slice %add3A_518 {offsets = [0, 0], sizes = [10, 4], strides = [1, 1]} : vector<10x8xf32> to vector<10x4xf32>
      %slice3A_520 = vector.extract_strided_slice %add3A_518 {offsets = [0, 4], sizes = [10, 4], strides = [1, 1]} : vector<10x8xf32> to vector<10x4xf32>
      %add3A_521 = arith.addf %slice3A_519, %slice3A_520 : vector<10x4xf32>
      %slice3A_522 = vector.extract_strided_slice %add3A_521 {offsets = [0, 0], sizes = [10, 2], strides = [1, 1]} : vector<10x4xf32> to vector<10x2xf32>
      %slice3A_523 = vector.extract_strided_slice %add3A_521 {offsets = [0, 2], sizes = [10, 2], strides = [1, 1]} : vector<10x4xf32> to vector<10x2xf32>
      %add3A_524 = arith.addf %slice3A_522, %slice3A_523 : vector<10x2xf32>
      %slice3A_525 = vector.extract_strided_slice %add3A_524 {offsets = [0, 0], sizes = [10, 1], strides = [1, 1]} : vector<10x2xf32> to vector<10x1xf32>
      %slice3A_526 = vector.extract_strided_slice %add3A_524 {offsets = [0, 1], sizes = [10, 1], strides = [1, 1]} : vector<10x2xf32> to vector<10x1xf32>
      %add3A_527 = arith.addf %slice3A_525, %slice3A_526 : vector<10x1xf32>
      %log3A_528 = math.log %add3A_527 : vector<10x1xf32>
      %sub3A_529 = vector.broadcast %log3A_528 : vector<10x1xf32> to vector<10x512xf32>
      %sub3A_530 = arith.subf %sub3A_498, %sub3A_529 : vector<10x512xf32>
      %exp3A_531 = math.exp %sub3A_530 : vector<10x512xf32>
      %get3A_532 = arith.constant 0 : index
      %get3A_533 = arith.constant 0 : index
      %get3A_534 = arith.constant 0 : index
      %get3A_535 = vector.load %arg7[%get3A_532, %get3A_533, %get3A_534] : memref<16x64x512xf32, #tpu.memory_space<vmem>>, vector<10x64x512xf32>
      %broadcast_in_dim3A_536 = vector.shape_cast %exp3A_531 : vector<10x512xf32> to vector<10x1x512xf32>
      %mul3A_537 = vector.broadcast %broadcast_in_dim3A_536 : vector<10x1x512xf32> to vector<10x64x512xf32>
      %mul3A_538 = arith.mulf %get3A_535, %mul3A_537 : vector<10x64x512xf32>
      %reduce_sum3A_539 = arith.constant dense<0.000000e+00> : vector<10x64xf32>
      %reduce_sum3A_540 = vector.multi_reduction <add>, %mul3A_538, %reduce_sum3A_539 [2] : vector<10x64x512xf32> to vector<10x64xf32>
      %convert_element_type3A_541 = arith.truncf %reduce_sum3A_540 : vector<10x64xf32> to vector<10x64xbf16>
      %swap3A_542 = arith.constant 0 : index
      %swap3A_543 = arith.constant 0 : index
      %swap3A_544 = vector.load %arg8[%swap3A_542, %swap3A_543] : memref<16x64xbf16, #tpu.memory_space<vmem>>, vector<10x64xbf16>
      tpu.vector_store %arg8[%swap3A_542, %swap3A_543], %convert_element_type3A_541 {strides = array<i32>} : memref<16x64xbf16, #tpu.memory_space<vmem>>, vector<10x64xbf16>,
      %swap3A_545 = arith.constant 0 : index
      %swap3A_546 = arith.constant 0 : index
      %swap3A_547 = vector.load %arg9[%swap3A_545, %swap3A_546] : memref<16x64xf32, #tpu.memory_space<vmem>>, vector<10x64xf32>
      tpu.vector_store %arg9[%swap3A_545, %swap3A_546], %tanh3A_475 {strides = array<i32>} : memref<16x64xf32, #tpu.memory_space<vmem>>, vector<10x64xf32>,
      %swap3A_548 = arith.index_cast %scan3A_446 : i32 to index
      %swap3A_549 = arith.constant 0 : index
      %swap3A_550 = arith.constant 0 : index
      %swap3A_551 = vector.load %arg5[%swap3A_548, %swap3A_549, %swap3A_550] : memref<512x16x512xf32, #tpu.memory_space<vmem>>, vector<1x10x512xf32>
      %swap3A_552 = vector.shape_cast %swap3A_551 : vector<1x10x512xf32> to vector<10x512xf32>
      %swap3A_553 = vector.shape_cast %sub3A_530 : vector<10x512xf32> to vector<1x10x512xf32>
      tpu.vector_store %arg5[%swap3A_548, %swap3A_549, %swap3A_550], %swap3A_553 {strides = array<i32>} : memref<512x16x512xf32, #tpu.memory_space<vmem>>, vector<1x10x512xf32>,
    }
    %scan3A_400 = arith.constant 34 : i32
    %scan3A_401 = arith.constant 206 : i32
    %scan3A_402 = arith.constant 34 : i32
    %scan3A_403 = arith.addi %scan3A_401, %scan3A_402 : i32
    %scan3A_404 = arith.constant 1 : i32
    scf.for %scan3A_446 = %scan3A_401 to %scan3A_403 step %scan3A_404  : i32 {
      %get3A_447 = arith.constant 0 : index
      %get3A_448 = arith.constant 0 : index
      %get3A_449 = vector.load %arg8[%get3A_447, %get3A_448] : memref<16x64xbf16, #tpu.memory_space<vmem>>, vector<9x64xbf16>
      %convert_element_type3A_450 = arith.extf %get3A_449 : vector<9x64xbf16> to vector<9x64xf32>
      %get3A_451 = arith.constant 0 : index
      %get3A_452 = arith.constant 0 : index
      %get3A_453 = vector.load %arg9[%get3A_451, %get3A_452] : memref<16x64xf32, #tpu.memory_space<vmem>>, vector<9x64xf32>
      %get3A_454 = arith.constant 0 : index
      %get3A_455 = arith.constant 0 : index
      %get3A_456 = vector.load %arg1[%get3A_454, %get3A_455] : memref<64x64xf32, #tpu.memory_space<vmem>>, vector<64x64xf32>
      %dot_general3A_457 = arith.constant dense<0.000000e+00> : vector<9x64xf32>
      %dot_general3A_458 = tpu.matmul %convert_element_type3A_450, %get3A_456, %dot_general3A_457 {dimension_numbers = #tpu.dot_dimension_numbers<[1], [0], [0], [1], [0, 0, 1, 1], [], []>, transpose_lhs_hint = false} : vector<9x64xf32>, vector<64x64xf32>, vector<9x64xf32> -> vector<9x64xf32>
      %get3A_459 = arith.constant 0 : index
      %get3A_460 = arith.constant 0 : index
      %get3A_461 = vector.load %arg3[%get3A_459, %get3A_460] : memref<1x64xf32, #tpu.memory_space<vmem>>, vector<1x64xf32>
      %add3A_462 = vector.broadcast %get3A_461 : vector<1x64xf32> to vector<9x64xf32>
      %add3A_463 = arith.addf %dot_general3A_458, %add3A_462 : vector<9x64xf32>
      %get3A_464 = arith.constant 0 : index
      %get3A_465 = arith.constant 0 : index
      %get3A_466 = vector.load %arg2[%get3A_464, %get3A_465] : memref<64x64xf32, #tpu.memory_space<vmem>>, vector<64x64xf32>
      %dot_general3A_467 = arith.constant dense<0.000000e+00> : vector<9x64xf32>
      %dot_general3A_468 = tpu.matmul %get3A_453, %get3A_466, %dot_general3A_467 {dimension_numbers = #tpu.dot_dimension_numbers<[1], [0], [0], [1], [0, 0, 1, 1], [], []>, transpose_lhs_hint = false} : vector<9x64xf32>, vector<64x64xf32>, vector<9x64xf32> -> vector<9x64xf32>
      %add3A_469 = arith.addf %add3A_463, %dot_general3A_468 : vector<9x64xf32>
      %get3A_470 = arith.constant 0 : index
      %get3A_471 = arith.constant 0 : index
      %get3A_472 = vector.load %arg4[%get3A_470, %get3A_471] : memref<1x64xf32, #tpu.memory_space<vmem>>, vector<1x64xf32>
      %add3A_473 = vector.broadcast %get3A_472 : vector<1x64xf32> to vector<9x64xf32>
      %add3A_474 = arith.addf %add3A_469, %add3A_473 : vector<9x64xf32>
      %tanh3A_475 = math.tanh %add3A_474 : vector<9x64xf32>
      %get3A_476 = arith.constant 0 : index
      %get3A_477 = arith.constant 0 : index
      %get3A_478 = arith.constant 0 : index
      %get3A_479 = vector.load %arg6[%get3A_476, %get3A_477, %get3A_478] : memref<16x512x64xf32, #tpu.memory_space<vmem>>, vector<9x512x64xf32>
      %reshape3A_480 = vector.shape_cast %get3A_479 : vector<9x512x64xf32> to vector<4608x64xf32>
      %dot_general3A_481 = arith.constant dense<0.000000e+00> : vector<4608x9xf32>
      %dot_general3A_482 = tpu.matmul %reshape3A_480, %tanh3A_475, %dot_general3A_481 {dimension_numbers = #tpu.dot_dimension_numbers<[1], [1], [0], [0], [0, 0, 1, 0], [], []>, transpose_lhs_hint = false} : vector<4608x64xf32>, vector<9x64xf32>, vector<4608x9xf32> -> vector<4608x9xf32>
      %reshape3A_483 = vector.shape_cast %dot_general3A_482 : vector<4608x9xf32> to vector<9x512x9xf32>
      %iota3A_484 = tpu.iota {dimensions = array<i32: 0>} : vector<9x1x9xi32>
      %iota3A_485 = tpu.iota {dimensions = array<i32: 2>} : vector<9x1x9xi32>
      %eq3A_486 = arith.cmpi eq, %iota3A_484, %iota3A_485 : vector<9x1x9xi32>
      %jit3A_487 = arith.constant 0.000000e+00 : f32
      %broadcast_in_dim3A_488 = vector.shape_cast %eq3A_486 : vector<9x1x9xi1> to vector<9x1x9xi1>
      %broadcast_in_dim3A_489 = vector.broadcast %broadcast_in_dim3A_488 : vector<9x1x9xi1> to vector<9x512x9xi1>
      %broadcast_in_dim3A_490 = vector.broadcast %jit3A_487 : f32 to vector<9x512x9xf32>
      %select_n3A_491 = arith.select %broadcast_in_dim3A_489, %reshape3A_483, %broadcast_in_dim3A_490 : vector<9x512x9xi1>, vector<9x512x9xf32>
      %reduce_sum3A_492 = arith.constant dense<0.000000e+00> : vector<9x512xf32>
      %reduce_sum3A_493 = vector.multi_reduction <add>, %select_n3A_491, %reduce_sum3A_492 [2] : vector<9x512x9xf32> to vector<9x512xf32>
      %reduce_max3A_494 = arith.constant dense<0xFF800000> : vector<9xf32>
      %reduce_max3A_495 = vector.multi_reduction <maximumf>, %reduce_sum3A_493, %reduce_max3A_494 [1] : vector<9x512xf32> to vector<9xf32>
      %broadcast_in_dim3A_496 = vector.shape_cast %reduce_max3A_495 : vector<9xf32> to vector<9x1xf32>
      %sub3A_497 = vector.broadcast %broadcast_in_dim3A_496 : vector<9x1xf32> to vector<9x512xf32>
      %sub3A_498 = arith.subf %reduce_sum3A_493, %sub3A_497 : vector<9x512xf32>
      %exp3A_499 = math.exp %sub3A_498 : vector<9x512xf32>
      %slice3A_500 = vector.extract_strided_slice %exp3A_499 {offsets = [0, 0], sizes = [9, 128], strides = [1, 1]} : vector<9x512xf32> to vector<9x128xf32>
      %slice3A_501 = vector.extract_strided_slice %exp3A_499 {offsets = [0, 128], sizes = [9, 128], strides = [1, 1]} : vector<9x512xf32> to vector<9x128xf32>
      %slice3A_502 = vector.extract_strided_slice %exp3A_499 {offsets = [0, 256], sizes = [9, 128], strides = [1, 1]} : vector<9x512xf32> to vector<9x128xf32>
      %slice3A_503 = vector.extract_strided_slice %exp3A_499 {offsets = [0, 384], sizes = [9, 128], strides = [1, 1]} : vector<9x512xf32> to vector<9x128xf32>
      %add3A_504 = arith.addf %slice3A_500, %slice3A_501 : vector<9x128xf32>
      %add3A_505 = arith.addf %slice3A_502, %slice3A_503 : vector<9x128xf32>
      %add3A_506 = arith.addf %add3A_504, %add3A_505 : vector<9x128xf32>
      %slice3A_507 = vector.extract_strided_slice %add3A_506 {offsets = [0, 0], sizes = [9, 64], strides = [1, 1]} : vector<9x128xf32> to vector<9x64xf32>
      %slice3A_508 = vector.extract_strided_slice %add3A_506 {offsets = [0, 64], sizes = [9, 64], strides = [1, 1]} : vector<9x128xf32> to vector<9x64xf32>
      %add3A_509 = arith.addf %slice3A_507, %slice3A_508 : vector<9x64xf32>
      %slice3A_510 = vector.extract_strided_slice %add3A_509 {offsets = [0, 0], sizes = [9, 32], strides = [1, 1]} : vector<9x64xf32> to vector<9x32xf32>
      %slice3A_511 = vector.extract_strided_slice %add3A_509 {offsets = [0, 32], sizes = [9, 32], strides = [1, 1]} : vector<9x64xf32> to vector<9x32xf32>
      %add3A_512 = arith.addf %slice3A_510, %slice3A_511 : vector<9x32xf32>
      %slice3A_513 = vector.extract_strided_slice %add3A_512 {offsets = [0, 0], sizes = [9, 16], strides = [1, 1]} : vector<9x32xf32> to vector<9x16xf32>
      %slice3A_514 = vector.extract_strided_slice %add3A_512 {offsets = [0, 16], sizes = [9, 16], strides = [1, 1]} : vector<9x32xf32> to vector<9x16xf32>
      %add3A_515 = arith.addf %slice3A_513, %slice3A_514 : vector<9x16xf32>
      %slice3A_516 = vector.extract_strided_slice %add3A_515 {offsets = [0, 0], sizes = [9, 8], strides = [1, 1]} : vector<9x16xf32> to vector<9x8xf32>
      %slice3A_517 = vector.extract_strided_slice %add3A_515 {offsets = [0, 8], sizes = [9, 8], strides = [1, 1]} : vector<9x16xf32> to vector<9x8xf32>
      %add3A_518 = arith.addf %slice3A_516, %slice3A_517 : vector<9x8xf32>
      %slice3A_519 = vector.extract_strided_slice %add3A_518 {offsets = [0, 0], sizes = [9, 4], strides = [1, 1]} : vector<9x8xf32> to vector<9x4xf32>
      %slice3A_520 = vector.extract_strided_slice %add3A_518 {offsets = [0, 4], sizes = [9, 4], strides = [1, 1]} : vector<9x8xf32> to vector<9x4xf32>
      %add3A_521 = arith.addf %slice3A_519, %slice3A_520 : vector<9x4xf32>
      %slice3A_522 = vector.extract_strided_slice %add3A_521 {offsets = [0, 0], sizes = [9, 2], strides = [1, 1]} : vector<9x4xf32> to vector<9x2xf32>
      %slice3A_523 = vector.extract_strided_slice %add3A_521 {offsets = [0, 2], sizes = [9, 2], strides = [1, 1]} : vector<9x4xf32> to vector<9x2xf32>
      %add3A_524 = arith.addf %slice3A_522, %slice3A_523 : vector<9x2xf32>
      %slice3A_525 = vector.extract_strided_slice %add3A_524 {offsets = [0, 0], sizes = [9, 1], strides = [1, 1]} : vector<9x2xf32> to vector<9x1xf32>
      %slice3A_526 = vector.extract_strided_slice %add3A_524 {offsets = [0, 1], sizes = [9, 1], strides = [1, 1]} : vector<9x2xf32> to vector<9x1xf32>
      %add3A_527 = arith.addf %slice3A_525, %slice3A_526 : vector<9x1xf32>
      %log3A_528 = math.log %add3A_527 : vector<9x1xf32>
      %sub3A_529 = vector.broadcast %log3A_528 : vector<9x1xf32> to vector<9x512xf32>
      %sub3A_530 = arith.subf %sub3A_498, %sub3A_529 : vector<9x512xf32>
      %exp3A_531 = math.exp %sub3A_530 : vector<9x512xf32>
      %get3A_532 = arith.constant 0 : index
      %get3A_533 = arith.constant 0 : index
      %get3A_534 = arith.constant 0 : index
      %get3A_535 = vector.load %arg7[%get3A_532, %get3A_533, %get3A_534] : memref<16x64x512xf32, #tpu.memory_space<vmem>>, vector<9x64x512xf32>
      %broadcast_in_dim3A_536 = vector.shape_cast %exp3A_531 : vector<9x512xf32> to vector<9x1x512xf32>
      %mul3A_537 = vector.broadcast %broadcast_in_dim3A_536 : vector<9x1x512xf32> to vector<9x64x512xf32>
      %mul3A_538 = arith.mulf %get3A_535, %mul3A_537 : vector<9x64x512xf32>
      %reduce_sum3A_539 = arith.constant dense<0.000000e+00> : vector<9x64xf32>
      %reduce_sum3A_540 = vector.multi_reduction <add>, %mul3A_538, %reduce_sum3A_539 [2] : vector<9x64x512xf32> to vector<9x64xf32>
      %convert_element_type3A_541 = arith.truncf %reduce_sum3A_540 : vector<9x64xf32> to vector<9x64xbf16>
      %swap3A_542 = arith.constant 0 : index
      %swap3A_543 = arith.constant 0 : index
      %swap3A_544 = vector.load %arg8[%swap3A_542, %swap3A_543] : memref<16x64xbf16, #tpu.memory_space<vmem>>, vector<9x64xbf16>
      tpu.vector_store %arg8[%swap3A_542, %swap3A_543], %convert_element_type3A_541 {strides = array<i32>} : memref<16x64xbf16, #tpu.memory_space<vmem>>, vector<9x64xbf16>,
      %swap3A_545 = arith.constant 0 : index
      %swap3A_546 = arith.constant 0 : index
      %swap3A_547 = vector.load %arg9[%swap3A_545, %swap3A_546] : memref<16x64xf32, #tpu.memory_space<vmem>>, vector<9x64xf32>
      tpu.vector_store %arg9[%swap3A_545, %swap3A_546], %tanh3A_475 {strides = array<i32>} : memref<16x64xf32, #tpu.memory_space<vmem>>, vector<9x64xf32>,
      %swap3A_548 = arith.index_cast %scan3A_446 : i32 to index
      %swap3A_549 = arith.constant 0 : index
      %swap3A_550 = arith.constant 0 : index
      %swap3A_551 = vector.load %arg5[%swap3A_548, %swap3A_549, %swap3A_550] : memref<512x16x512xf32, #tpu.memory_space<vmem>>, vector<1x9x512xf32>
      %swap3A_552 = vector.shape_cast %swap3A_551 : vector<1x9x512xf32> to vector<9x512xf32>
      %swap3A_553 = vector.shape_cast %sub3A_530 : vector<9x512xf32> to vector<1x9x512xf32>
      tpu.vector_store %arg5[%swap3A_548, %swap3A_549, %swap3A_550], %swap3A_553 {strides = array<i32>} : memref<512x16x512xf32, #tpu.memory_space<vmem>>, vector<1x9x512xf32>,
    }
    %scan3A_405 = arith.constant 34 : i32
    %scan3A_406 = arith.constant 240 : i32
    %scan3A_407 = arith.constant 34 : i32
    %scan3A_408 = arith.addi %scan3A_406, %scan3A_407 : i32
    %scan3A_409 = arith.constant 1 : i32
    scf.for %scan3A_446 = %scan3A_406 to %scan3A_408 step %scan3A_409  : i32 {
      %get3A_447 = arith.constant 0 : index
      %get3A_448 = arith.constant 0 : index
      %get3A_449 = vector.load %arg8[%get3A_447, %get3A_448] : memref<16x64xbf16, #tpu.memory_space<vmem>>, vector<8x64xbf16>
      %convert_element_type3A_450 = arith.extf %get3A_449 : vector<8x64xbf16> to vector<8x64xf32>
      %get3A_451 = arith.constant 0 : index
      %get3A_452 = arith.constant 0 : index
      %get3A_453 = vector.load %arg9[%get3A_451, %get3A_452] : memref<16x64xf32, #tpu.memory_space<vmem>>, vector<8x64xf32>
      %get3A_454 = arith.constant 0 : index
      %get3A_455 = arith.constant 0 : index
      %get3A_456 = vector.load %arg1[%get3A_454, %get3A_455] : memref<64x64xf32, #tpu.memory_space<vmem>>, vector<64x64xf32>
      %dot_general3A_457 = arith.constant dense<0.000000e+00> : vector<8x64xf32>
      %dot_general3A_458 = tpu.matmul %convert_element_type3A_450, %get3A_456, %dot_general3A_457 {dimension_numbers = #tpu.dot_dimension_numbers<[1], [0], [0], [1], [0, 0, 1, 1], [], []>, transpose_lhs_hint = false} : vector<8x64xf32>, vector<64x64xf32>, vector<8x64xf32> -> vector<8x64xf32>
      %get3A_459 = arith.constant 0 : index
      %get3A_460 = arith.constant 0 : index
      %get3A_461 = vector.load %arg3[%get3A_459, %get3A_460] : memref<1x64xf32, #tpu.memory_space<vmem>>, vector<1x64xf32>
      %add3A_462 = vector.broadcast %get3A_461 : vector<1x64xf32> to vector<8x64xf32>
      %add3A_463 = arith.addf %dot_general3A_458, %add3A_462 : vector<8x64xf32>
      %get3A_464 = arith.constant 0 : index
      %get3A_465 = arith.constant 0 : index
      %get3A_466 = vector.load %arg2[%get3A_464, %get3A_465] : memref<64x64xf32, #tpu.memory_space<vmem>>, vector<64x64xf32>
      %dot_general3A_467 = arith.constant dense<0.000000e+00> : vector<8x64xf32>
      %dot_general3A_468 = tpu.matmul %get3A_453, %get3A_466, %dot_general3A_467 {dimension_numbers = #tpu.dot_dimension_numbers<[1], [0], [0], [1], [0, 0, 1, 1], [], []>, transpose_lhs_hint = false} : vector<8x64xf32>, vector<64x64xf32>, vector<8x64xf32> -> vector<8x64xf32>
      %add3A_469 = arith.addf %add3A_463, %dot_general3A_468 : vector<8x64xf32>
      %get3A_470 = arith.constant 0 : index
      %get3A_471 = arith.constant 0 : index
      %get3A_472 = vector.load %arg4[%get3A_470, %get3A_471] : memref<1x64xf32, #tpu.memory_space<vmem>>, vector<1x64xf32>
      %add3A_473 = vector.broadcast %get3A_472 : vector<1x64xf32> to vector<8x64xf32>
      %add3A_474 = arith.addf %add3A_469, %add3A_473 : vector<8x64xf32>
      %tanh3A_475 = math.tanh %add3A_474 : vector<8x64xf32>
      %get3A_476 = arith.constant 0 : index
      %get3A_477 = arith.constant 0 : index
      %get3A_478 = arith.constant 0 : index
      %get3A_479 = vector.load %arg6[%get3A_476, %get3A_477, %get3A_478] : memref<16x512x64xf32, #tpu.memory_space<vmem>>, vector<8x512x64xf32>
      %reshape3A_480 = vector.shape_cast %get3A_479 : vector<8x512x64xf32> to vector<4096x64xf32>
      %dot_general3A_481 = arith.constant dense<0.000000e+00> : vector<4096x8xf32>
      %dot_general3A_482 = tpu.matmul %reshape3A_480, %tanh3A_475, %dot_general3A_481 {dimension_numbers = #tpu.dot_dimension_numbers<[1], [1], [0], [0], [0, 0, 1, 0], [], []>, transpose_lhs_hint = false} : vector<4096x64xf32>, vector<8x64xf32>, vector<4096x8xf32> -> vector<4096x8xf32>
      %reshape3A_483 = vector.shape_cast %dot_general3A_482 : vector<4096x8xf32> to vector<8x512x8xf32>
      %iota3A_484 = tpu.iota {dimensions = array<i32: 0>} : vector<8x1x8xi32>
      %iota3A_485 = tpu.iota {dimensions = array<i32: 2>} : vector<8x1x8xi32>
      %eq3A_486 = arith.cmpi eq, %iota3A_484, %iota3A_485 : vector<8x1x8xi32>
      %jit3A_487 = arith.constant 0.000000e+00 : f32
      %broadcast_in_dim3A_488 = vector.shape_cast %eq3A_486 : vector<8x1x8xi1> to vector<8x1x8xi1>
      %broadcast_in_dim3A_489 = vector.broadcast %broadcast_in_dim3A_488 : vector<8x1x8xi1> to vector<8x512x8xi1>
      %broadcast_in_dim3A_490 = vector.broadcast %jit3A_487 : f32 to vector<8x512x8xf32>
      %select_n3A_491 = arith.select %broadcast_in_dim3A_489, %reshape3A_483, %broadcast_in_dim3A_490 : vector<8x512x8xi1>, vector<8x512x8xf32>
      %reduce_sum3A_492 = arith.constant dense<0.000000e+00> : vector<8x512xf32>
      %reduce_sum3A_493 = vector.multi_reduction <add>, %select_n3A_491, %reduce_sum3A_492 [2] : vector<8x512x8xf32> to vector<8x512xf32>
      %reduce_max3A_494 = arith.constant dense<0xFF800000> : vector<8xf32>
      %reduce_max3A_495 = vector.multi_reduction <maximumf>, %reduce_sum3A_493, %reduce_max3A_494 [1] : vector<8x512xf32> to vector<8xf32>
      %broadcast_in_dim3A_496 = vector.shape_cast %reduce_max3A_495 : vector<8xf32> to vector<8x1xf32>
      %sub3A_497 = vector.broadcast %broadcast_in_dim3A_496 : vector<8x1xf32> to vector<8x512xf32>
      %sub3A_498 = arith.subf %reduce_sum3A_493, %sub3A_497 : vector<8x512xf32>
      %exp3A_499 = math.exp %sub3A_498 : vector<8x512xf32>
      %slice3A_500 = vector.extract_strided_slice %exp3A_499 {offsets = [0, 0], sizes = [8, 128], strides = [1, 1]} : vector<8x512xf32> to vector<8x128xf32>
      %slice3A_501 = vector.extract_strided_slice %exp3A_499 {offsets = [0, 128], sizes = [8, 128], strides = [1, 1]} : vector<8x512xf32> to vector<8x128xf32>
      %slice3A_502 = vector.extract_strided_slice %exp3A_499 {offsets = [0, 256], sizes = [8, 128], strides = [1, 1]} : vector<8x512xf32> to vector<8x128xf32>
      %slice3A_503 = vector.extract_strided_slice %exp3A_499 {offsets = [0, 384], sizes = [8, 128], strides = [1, 1]} : vector<8x512xf32> to vector<8x128xf32>
      %add3A_504 = arith.addf %slice3A_500, %slice3A_501 : vector<8x128xf32>
      %add3A_505 = arith.addf %slice3A_502, %slice3A_503 : vector<8x128xf32>
      %add3A_506 = arith.addf %add3A_504, %add3A_505 : vector<8x128xf32>
      %slice3A_507 = vector.extract_strided_slice %add3A_506 {offsets = [0, 0], sizes = [8, 64], strides = [1, 1]} : vector<8x128xf32> to vector<8x64xf32>
      %slice3A_508 = vector.extract_strided_slice %add3A_506 {offsets = [0, 64], sizes = [8, 64], strides = [1, 1]} : vector<8x128xf32> to vector<8x64xf32>
      %add3A_509 = arith.addf %slice3A_507, %slice3A_508 : vector<8x64xf32>
      %slice3A_510 = vector.extract_strided_slice %add3A_509 {offsets = [0, 0], sizes = [8, 32], strides = [1, 1]} : vector<8x64xf32> to vector<8x32xf32>
      %slice3A_511 = vector.extract_strided_slice %add3A_509 {offsets = [0, 32], sizes = [8, 32], strides = [1, 1]} : vector<8x64xf32> to vector<8x32xf32>
      %add3A_512 = arith.addf %slice3A_510, %slice3A_511 : vector<8x32xf32>
      %slice3A_513 = vector.extract_strided_slice %add3A_512 {offsets = [0, 0], sizes = [8, 16], strides = [1, 1]} : vector<8x32xf32> to vector<8x16xf32>
      %slice3A_514 = vector.extract_strided_slice %add3A_512 {offsets = [0, 16], sizes = [8, 16], strides = [1, 1]} : vector<8x32xf32> to vector<8x16xf32>
      %add3A_515 = arith.addf %slice3A_513, %slice3A_514 : vector<8x16xf32>
      %slice3A_516 = vector.extract_strided_slice %add3A_515 {offsets = [0, 0], sizes = [8, 8], strides = [1, 1]} : vector<8x16xf32> to vector<8x8xf32>
      %slice3A_517 = vector.extract_strided_slice %add3A_515 {offsets = [0, 8], sizes = [8, 8], strides = [1, 1]} : vector<8x16xf32> to vector<8x8xf32>
      %add3A_518 = arith.addf %slice3A_516, %slice3A_517 : vector<8x8xf32>
      %slice3A_519 = vector.extract_strided_slice %add3A_518 {offsets = [0, 0], sizes = [8, 4], strides = [1, 1]} : vector<8x8xf32> to vector<8x4xf32>
      %slice3A_520 = vector.extract_strided_slice %add3A_518 {offsets = [0, 4], sizes = [8, 4], strides = [1, 1]} : vector<8x8xf32> to vector<8x4xf32>
      %add3A_521 = arith.addf %slice3A_519, %slice3A_520 : vector<8x4xf32>
      %slice3A_522 = vector.extract_strided_slice %add3A_521 {offsets = [0, 0], sizes = [8, 2], strides = [1, 1]} : vector<8x4xf32> to vector<8x2xf32>
      %slice3A_523 = vector.extract_strided_slice %add3A_521 {offsets = [0, 2], sizes = [8, 2], strides = [1, 1]} : vector<8x4xf32> to vector<8x2xf32>
      %add3A_524 = arith.addf %slice3A_522, %slice3A_523 : vector<8x2xf32>
      %slice3A_525 = vector.extract_strided_slice %add3A_524 {offsets = [0, 0], sizes = [8, 1], strides = [1, 1]} : vector<8x2xf32> to vector<8x1xf32>
      %slice3A_526 = vector.extract_strided_slice %add3A_524 {offsets = [0, 1], sizes = [8, 1], strides = [1, 1]} : vector<8x2xf32> to vector<8x1xf32>
      %add3A_527 = arith.addf %slice3A_525, %slice3A_526 : vector<8x1xf32>
      %log3A_528 = math.log %add3A_527 : vector<8x1xf32>
      %sub3A_529 = vector.broadcast %log3A_528 : vector<8x1xf32> to vector<8x512xf32>
      %sub3A_530 = arith.subf %sub3A_498, %sub3A_529 : vector<8x512xf32>
      %exp3A_531 = math.exp %sub3A_530 : vector<8x512xf32>
      %get3A_532 = arith.constant 0 : index
      %get3A_533 = arith.constant 0 : index
      %get3A_534 = arith.constant 0 : index
      %get3A_535 = vector.load %arg7[%get3A_532, %get3A_533, %get3A_534] : memref<16x64x512xf32, #tpu.memory_space<vmem>>, vector<8x64x512xf32>
      %broadcast_in_dim3A_536 = vector.shape_cast %exp3A_531 : vector<8x512xf32> to vector<8x1x512xf32>
      %mul3A_537 = vector.broadcast %broadcast_in_dim3A_536 : vector<8x1x512xf32> to vector<8x64x512xf32>
      %mul3A_538 = arith.mulf %get3A_535, %mul3A_537 : vector<8x64x512xf32>
      %reduce_sum3A_539 = arith.constant dense<0.000000e+00> : vector<8x64xf32>
      %reduce_sum3A_540 = vector.multi_reduction <add>, %mul3A_538, %reduce_sum3A_539 [2] : vector<8x64x512xf32> to vector<8x64xf32>
      %convert_element_type3A_541 = arith.truncf %reduce_sum3A_540 : vector<8x64xf32> to vector<8x64xbf16>
      %swap3A_542 = arith.constant 0 : index
      %swap3A_543 = arith.constant 0 : index
      %swap3A_544 = vector.load %arg8[%swap3A_542, %swap3A_543] : memref<16x64xbf16, #tpu.memory_space<vmem>>, vector<8x64xbf16>
      tpu.vector_store %arg8[%swap3A_542, %swap3A_543], %convert_element_type3A_541 {strides = array<i32>} : memref<16x64xbf16, #tpu.memory_space<vmem>>, vector<8x64xbf16>,
      %swap3A_545 = arith.constant 0 : index
      %swap3A_546 = arith.constant 0 : index
      %swap3A_547 = vector.load %arg9[%swap3A_545, %swap3A_546] : memref<16x64xf32, #tpu.memory_space<vmem>>, vector<8x64xf32>
      tpu.vector_store %arg9[%swap3A_545, %swap3A_546], %tanh3A_475 {strides = array<i32>} : memref<16x64xf32, #tpu.memory_space<vmem>>, vector<8x64xf32>,
      %swap3A_548 = arith.index_cast %scan3A_446 : i32 to index
      %swap3A_549 = arith.constant 0 : index
      %swap3A_550 = arith.constant 0 : index
      %swap3A_551 = vector.load %arg5[%swap3A_548, %swap3A_549, %swap3A_550] : memref<512x16x512xf32, #tpu.memory_space<vmem>>, vector<1x8x512xf32>
      %swap3A_552 = vector.shape_cast %swap3A_551 : vector<1x8x512xf32> to vector<8x512xf32>
      %swap3A_553 = vector.shape_cast %sub3A_530 : vector<8x512xf32> to vector<1x8x512xf32>
      tpu.vector_store %arg5[%swap3A_548, %swap3A_549, %swap3A_550], %swap3A_553 {strides = array<i32>} : memref<512x16x512xf32, #tpu.memory_space<vmem>>, vector<1x8x512xf32>,
    }
    %scan3A_410 = arith.constant 34 : i32
    %scan3A_411 = arith.constant 274 : i32
    %scan3A_412 = arith.constant 34 : i32
    %scan3A_413 = arith.addi %scan3A_411, %scan3A_412 : i32
    %scan3A_414 = arith.constant 1 : i32
    scf.for %scan3A_446 = %scan3A_411 to %scan3A_413 step %scan3A_414  : i32 {
      %get3A_447 = arith.constant 0 : index
      %get3A_448 = arith.constant 0 : index
      %get3A_449 = vector.load %arg8[%get3A_447, %get3A_448] : memref<16x64xbf16, #tpu.memory_space<vmem>>, vector<7x64xbf16>
      %convert_element_type3A_450 = arith.extf %get3A_449 : vector<7x64xbf16> to vector<7x64xf32>
      %get3A_451 = arith.constant 0 : index
      %get3A_452 = arith.constant 0 : index
      %get3A_453 = vector.load %arg9[%get3A_451, %get3A_452] : memref<16x64xf32, #tpu.memory_space<vmem>>, vector<7x64xf32>
      %get3A_454 = arith.constant 0 : index
      %get3A_455 = arith.constant 0 : index
      %get3A_456 = vector.load %arg1[%get3A_454, %get3A_455] : memref<64x64xf32, #tpu.memory_space<vmem>>, vector<64x64xf32>
      %dot_general3A_457 = arith.constant dense<0.000000e+00> : vector<7x64xf32>
      %dot_general3A_458 = tpu.matmul %convert_element_type3A_450, %get3A_456, %dot_general3A_457 {dimension_numbers = #tpu.dot_dimension_numbers<[1], [0], [0], [1], [0, 0, 1, 1], [], []>, transpose_lhs_hint = false} : vector<7x64xf32>, vector<64x64xf32>, vector<7x64xf32> -> vector<7x64xf32>
      %get3A_459 = arith.constant 0 : index
      %get3A_460 = arith.constant 0 : index
      %get3A_461 = vector.load %arg3[%get3A_459, %get3A_460] : memref<1x64xf32, #tpu.memory_space<vmem>>, vector<1x64xf32>
      %add3A_462 = vector.broadcast %get3A_461 : vector<1x64xf32> to vector<7x64xf32>
      %add3A_463 = arith.addf %dot_general3A_458, %add3A_462 : vector<7x64xf32>
      %get3A_464 = arith.constant 0 : index
      %get3A_465 = arith.constant 0 : index
      %get3A_466 = vector.load %arg2[%get3A_464, %get3A_465] : memref<64x64xf32, #tpu.memory_space<vmem>>, vector<64x64xf32>
      %dot_general3A_467 = arith.constant dense<0.000000e+00> : vector<7x64xf32>
      %dot_general3A_468 = tpu.matmul %get3A_453, %get3A_466, %dot_general3A_467 {dimension_numbers = #tpu.dot_dimension_numbers<[1], [0], [0], [1], [0, 0, 1, 1], [], []>, transpose_lhs_hint = false} : vector<7x64xf32>, vector<64x64xf32>, vector<7x64xf32> -> vector<7x64xf32>
      %add3A_469 = arith.addf %add3A_463, %dot_general3A_468 : vector<7x64xf32>
      %get3A_470 = arith.constant 0 : index
      %get3A_471 = arith.constant 0 : index
      %get3A_472 = vector.load %arg4[%get3A_470, %get3A_471] : memref<1x64xf32, #tpu.memory_space<vmem>>, vector<1x64xf32>
      %add3A_473 = vector.broadcast %get3A_472 : vector<1x64xf32> to vector<7x64xf32>
      %add3A_474 = arith.addf %add3A_469, %add3A_473 : vector<7x64xf32>
      %tanh3A_475 = math.tanh %add3A_474 : vector<7x64xf32>
      %get3A_476 = arith.constant 0 : index
      %get3A_477 = arith.constant 0 : index
      %get3A_478 = arith.constant 0 : index
      %get3A_479 = vector.load %arg6[%get3A_476, %get3A_477, %get3A_478] : memref<16x512x64xf32, #tpu.memory_space<vmem>>, vector<7x512x64xf32>
      %reshape3A_480 = vector.shape_cast %get3A_479 : vector<7x512x64xf32> to vector<3584x64xf32>
      %dot_general3A_481 = arith.constant dense<0.000000e+00> : vector<3584x7xf32>
      %dot_general3A_482 = tpu.matmul %reshape3A_480, %tanh3A_475, %dot_general3A_481 {dimension_numbers = #tpu.dot_dimension_numbers<[1], [1], [0], [0], [0, 0, 1, 0], [], []>, transpose_lhs_hint = false} : vector<3584x64xf32>, vector<7x64xf32>, vector<3584x7xf32> -> vector<3584x7xf32>
      %reshape3A_483 = vector.shape_cast %dot_general3A_482 : vector<3584x7xf32> to vector<7x512x7xf32>
      %iota3A_484 = tpu.iota {dimensions = array<i32: 0>} : vector<7x1x7xi32>
      %iota3A_485 = tpu.iota {dimensions = array<i32: 2>} : vector<7x1x7xi32>
      %eq3A_486 = arith.cmpi eq, %iota3A_484, %iota3A_485 : vector<7x1x7xi32>
      %jit3A_487 = arith.constant 0.000000e+00 : f32
      %broadcast_in_dim3A_488 = vector.shape_cast %eq3A_486 : vector<7x1x7xi1> to vector<7x1x7xi1>
      %broadcast_in_dim3A_489 = vector.broadcast %broadcast_in_dim3A_488 : vector<7x1x7xi1> to vector<7x512x7xi1>
      %broadcast_in_dim3A_490 = vector.broadcast %jit3A_487 : f32 to vector<7x512x7xf32>
      %select_n3A_491 = arith.select %broadcast_in_dim3A_489, %reshape3A_483, %broadcast_in_dim3A_490 : vector<7x512x7xi1>, vector<7x512x7xf32>
      %reduce_sum3A_492 = arith.constant dense<0.000000e+00> : vector<7x512xf32>
      %reduce_sum3A_493 = vector.multi_reduction <add>, %select_n3A_491, %reduce_sum3A_492 [2] : vector<7x512x7xf32> to vector<7x512xf32>
      %reduce_max3A_494 = arith.constant dense<0xFF800000> : vector<7xf32>
      %reduce_max3A_495 = vector.multi_reduction <maximumf>, %reduce_sum3A_493, %reduce_max3A_494 [1] : vector<7x512xf32> to vector<7xf32>
      %broadcast_in_dim3A_496 = vector.shape_cast %reduce_max3A_495 : vector<7xf32> to vector<7x1xf32>
      %sub3A_497 = vector.broadcast %broadcast_in_dim3A_496 : vector<7x1xf32> to vector<7x512xf32>
      %sub3A_498 = arith.subf %reduce_sum3A_493, %sub3A_497 : vector<7x512xf32>
      %exp3A_499 = math.exp %sub3A_498 : vector<7x512xf32>
      %slice3A_500 = vector.extract_strided_slice %exp3A_499 {offsets = [0, 0], sizes = [7, 128], strides = [1, 1]} : vector<7x512xf32> to vector<7x128xf32>
      %slice3A_501 = vector.extract_strided_slice %exp3A_499 {offsets = [0, 128], sizes = [7, 128], strides = [1, 1]} : vector<7x512xf32> to vector<7x128xf32>
      %slice3A_502 = vector.extract_strided_slice %exp3A_499 {offsets = [0, 256], sizes = [7, 128], strides = [1, 1]} : vector<7x512xf32> to vector<7x128xf32>
      %slice3A_503 = vector.extract_strided_slice %exp3A_499 {offsets = [0, 384], sizes = [7, 128], strides = [1, 1]} : vector<7x512xf32> to vector<7x128xf32>
      %add3A_504 = arith.addf %slice3A_500, %slice3A_501 : vector<7x128xf32>
      %add3A_505 = arith.addf %slice3A_502, %slice3A_503 : vector<7x128xf32>
      %add3A_506 = arith.addf %add3A_504, %add3A_505 : vector<7x128xf32>
      %slice3A_507 = vector.extract_strided_slice %add3A_506 {offsets = [0, 0], sizes = [7, 64], strides = [1, 1]} : vector<7x128xf32> to vector<7x64xf32>
      %slice3A_508 = vector.extract_strided_slice %add3A_506 {offsets = [0, 64], sizes = [7, 64], strides = [1, 1]} : vector<7x128xf32> to vector<7x64xf32>
      %add3A_509 = arith.addf %slice3A_507, %slice3A_508 : vector<7x64xf32>
      %slice3A_510 = vector.extract_strided_slice %add3A_509 {offsets = [0, 0], sizes = [7, 32], strides = [1, 1]} : vector<7x64xf32> to vector<7x32xf32>
      %slice3A_511 = vector.extract_strided_slice %add3A_509 {offsets = [0, 32], sizes = [7, 32], strides = [1, 1]} : vector<7x64xf32> to vector<7x32xf32>
      %add3A_512 = arith.addf %slice3A_510, %slice3A_511 : vector<7x32xf32>
      %slice3A_513 = vector.extract_strided_slice %add3A_512 {offsets = [0, 0], sizes = [7, 16], strides = [1, 1]} : vector<7x32xf32> to vector<7x16xf32>
      %slice3A_514 = vector.extract_strided_slice %add3A_512 {offsets = [0, 16], sizes = [7, 16], strides = [1, 1]} : vector<7x32xf32> to vector<7x16xf32>
      %add3A_515 = arith.addf %slice3A_513, %slice3A_514 : vector<7x16xf32>
      %slice3A_516 = vector.extract_strided_slice %add3A_515 {offsets = [0, 0], sizes = [7, 8], strides = [1, 1]} : vector<7x16xf32> to vector<7x8xf32>
      %slice3A_517 = vector.extract_strided_slice %add3A_515 {offsets = [0, 8], sizes = [7, 8], strides = [1, 1]} : vector<7x16xf32> to vector<7x8xf32>
      %add3A_518 = arith.addf %slice3A_516, %slice3A_517 : vector<7x8xf32>
      %slice3A_519 = vector.extract_strided_slice %add3A_518 {offsets = [0, 0], sizes = [7, 4], strides = [1, 1]} : vector<7x8xf32> to vector<7x4xf32>
      %slice3A_520 = vector.extract_strided_slice %add3A_518 {offsets = [0, 4], sizes = [7, 4], strides = [1, 1]} : vector<7x8xf32> to vector<7x4xf32>
      %add3A_521 = arith.addf %slice3A_519, %slice3A_520 : vector<7x4xf32>
      %slice3A_522 = vector.extract_strided_slice %add3A_521 {offsets = [0, 0], sizes = [7, 2], strides = [1, 1]} : vector<7x4xf32> to vector<7x2xf32>
      %slice3A_523 = vector.extract_strided_slice %add3A_521 {offsets = [0, 2], sizes = [7, 2], strides = [1, 1]} : vector<7x4xf32> to vector<7x2xf32>
      %add3A_524 = arith.addf %slice3A_522, %slice3A_523 : vector<7x2xf32>
      %slice3A_525 = vector.extract_strided_slice %add3A_524 {offsets = [0, 0], sizes = [7, 1], strides = [1, 1]} : vector<7x2xf32> to vector<7x1xf32>
      %slice3A_526 = vector.extract_strided_slice %add3A_524 {offsets = [0, 1], sizes = [7, 1], strides = [1, 1]} : vector<7x2xf32> to vector<7x1xf32>
      %add3A_527 = arith.addf %slice3A_525, %slice3A_526 : vector<7x1xf32>
      %log3A_528 = math.log %add3A_527 : vector<7x1xf32>
      %sub3A_529 = vector.broadcast %log3A_528 : vector<7x1xf32> to vector<7x512xf32>
      %sub3A_530 = arith.subf %sub3A_498, %sub3A_529 : vector<7x512xf32>
      %exp3A_531 = math.exp %sub3A_530 : vector<7x512xf32>
      %get3A_532 = arith.constant 0 : index
      %get3A_533 = arith.constant 0 : index
      %get3A_534 = arith.constant 0 : index
      %get3A_535 = vector.load %arg7[%get3A_532, %get3A_533, %get3A_534] : memref<16x64x512xf32, #tpu.memory_space<vmem>>, vector<7x64x512xf32>
      %broadcast_in_dim3A_536 = vector.shape_cast %exp3A_531 : vector<7x512xf32> to vector<7x1x512xf32>
      %mul3A_537 = vector.broadcast %broadcast_in_dim3A_536 : vector<7x1x512xf32> to vector<7x64x512xf32>
      %mul3A_538 = arith.mulf %get3A_535, %mul3A_537 : vector<7x64x512xf32>
      %reduce_sum3A_539 = arith.constant dense<0.000000e+00> : vector<7x64xf32>
      %reduce_sum3A_540 = vector.multi_reduction <add>, %mul3A_538, %reduce_sum3A_539 [2] : vector<7x64x512xf32> to vector<7x64xf32>
      %convert_element_type3A_541 = arith.truncf %reduce_sum3A_540 : vector<7x64xf32> to vector<7x64xbf16>
      %swap3A_542 = arith.constant 0 : index
      %swap3A_543 = arith.constant 0 : index
      %swap3A_544 = vector.load %arg8[%swap3A_542, %swap3A_543] : memref<16x64xbf16, #tpu.memory_space<vmem>>, vector<7x64xbf16>
      tpu.vector_store %arg8[%swap3A_542, %swap3A_543], %convert_element_type3A_541 {strides = array<i32>} : memref<16x64xbf16, #tpu.memory_space<vmem>>, vector<7x64xbf16>,
      %swap3A_545 = arith.constant 0 : index
      %swap3A_546 = arith.constant 0 : index
      %swap3A_547 = vector.load %arg9[%swap3A_545, %swap3A_546] : memref<16x64xf32, #tpu.memory_space<vmem>>, vector<7x64xf32>
      tpu.vector_store %arg9[%swap3A_545, %swap3A_546], %tanh3A_475 {strides = array<i32>} : memref<16x64xf32, #tpu.memory_space<vmem>>, vector<7x64xf32>,
      %swap3A_548 = arith.index_cast %scan3A_446 : i32 to index
      %swap3A_549 = arith.constant 0 : index
      %swap3A_550 = arith.constant 0 : index
      %swap3A_551 = vector.load %arg5[%swap3A_548, %swap3A_549, %swap3A_550] : memref<512x16x512xf32, #tpu.memory_space<vmem>>, vector<1x7x512xf32>
      %swap3A_552 = vector.shape_cast %swap3A_551 : vector<1x7x512xf32> to vector<7x512xf32>
      %swap3A_553 = vector.shape_cast %sub3A_530 : vector<7x512xf32> to vector<1x7x512xf32>
      tpu.vector_store %arg5[%swap3A_548, %swap3A_549, %swap3A_550], %swap3A_553 {strides = array<i32>} : memref<512x16x512xf32, #tpu.memory_space<vmem>>, vector<1x7x512xf32>,
    }
    %scan3A_415 = arith.constant 34 : i32
    %scan3A_416 = arith.constant 308 : i32
    %scan3A_417 = arith.constant 34 : i32
    %scan3A_418 = arith.addi %scan3A_416, %scan3A_417 : i32
    %scan3A_419 = arith.constant 1 : i32
    scf.for %scan3A_446 = %scan3A_416 to %scan3A_418 step %scan3A_419  : i32 {
      %get3A_447 = arith.constant 0 : index
      %get3A_448 = arith.constant 0 : index
      %get3A_449 = vector.load %arg8[%get3A_447, %get3A_448] : memref<16x64xbf16, #tpu.memory_space<vmem>>, vector<6x64xbf16>
      %convert_element_type3A_450 = arith.extf %get3A_449 : vector<6x64xbf16> to vector<6x64xf32>
      %get3A_451 = arith.constant 0 : index
      %get3A_452 = arith.constant 0 : index
      %get3A_453 = vector.load %arg9[%get3A_451, %get3A_452] : memref<16x64xf32, #tpu.memory_space<vmem>>, vector<6x64xf32>
      %get3A_454 = arith.constant 0 : index
      %get3A_455 = arith.constant 0 : index
      %get3A_456 = vector.load %arg1[%get3A_454, %get3A_455] : memref<64x64xf32, #tpu.memory_space<vmem>>, vector<64x64xf32>
      %dot_general3A_457 = arith.constant dense<0.000000e+00> : vector<6x64xf32>
      %dot_general3A_458 = tpu.matmul %convert_element_type3A_450, %get3A_456, %dot_general3A_457 {dimension_numbers = #tpu.dot_dimension_numbers<[1], [0], [0], [1], [0, 0, 1, 1], [], []>, transpose_lhs_hint = false} : vector<6x64xf32>, vector<64x64xf32>, vector<6x64xf32> -> vector<6x64xf32>
      %get3A_459 = arith.constant 0 : index
      %get3A_460 = arith.constant 0 : index
      %get3A_461 = vector.load %arg3[%get3A_459, %get3A_460] : memref<1x64xf32, #tpu.memory_space<vmem>>, vector<1x64xf32>
      %add3A_462 = vector.broadcast %get3A_461 : vector<1x64xf32> to vector<6x64xf32>
      %add3A_463 = arith.addf %dot_general3A_458, %add3A_462 : vector<6x64xf32>
      %get3A_464 = arith.constant 0 : index
      %get3A_465 = arith.constant 0 : index
      %get3A_466 = vector.load %arg2[%get3A_464, %get3A_465] : memref<64x64xf32, #tpu.memory_space<vmem>>, vector<64x64xf32>
      %dot_general3A_467 = arith.constant dense<0.000000e+00> : vector<6x64xf32>
      %dot_general3A_468 = tpu.matmul %get3A_453, %get3A_466, %dot_general3A_467 {dimension_numbers = #tpu.dot_dimension_numbers<[1], [0], [0], [1], [0, 0, 1, 1], [], []>, transpose_lhs_hint = false} : vector<6x64xf32>, vector<64x64xf32>, vector<6x64xf32> -> vector<6x64xf32>
      %add3A_469 = arith.addf %add3A_463, %dot_general3A_468 : vector<6x64xf32>
      %get3A_470 = arith.constant 0 : index
      %get3A_471 = arith.constant 0 : index
      %get3A_472 = vector.load %arg4[%get3A_470, %get3A_471] : memref<1x64xf32, #tpu.memory_space<vmem>>, vector<1x64xf32>
      %add3A_473 = vector.broadcast %get3A_472 : vector<1x64xf32> to vector<6x64xf32>
      %add3A_474 = arith.addf %add3A_469, %add3A_473 : vector<6x64xf32>
      %tanh3A_475 = math.tanh %add3A_474 : vector<6x64xf32>
      %get3A_476 = arith.constant 0 : index
      %get3A_477 = arith.constant 0 : index
      %get3A_478 = arith.constant 0 : index
      %get3A_479 = vector.load %arg6[%get3A_476, %get3A_477, %get3A_478] : memref<16x512x64xf32, #tpu.memory_space<vmem>>, vector<6x512x64xf32>
      %reshape3A_480 = vector.shape_cast %get3A_479 : vector<6x512x64xf32> to vector<3072x64xf32>
      %dot_general3A_481 = arith.constant dense<0.000000e+00> : vector<3072x6xf32>
      %dot_general3A_482 = tpu.matmul %reshape3A_480, %tanh3A_475, %dot_general3A_481 {dimension_numbers = #tpu.dot_dimension_numbers<[1], [1], [0], [0], [0, 0, 1, 0], [], []>, transpose_lhs_hint = false} : vector<3072x64xf32>, vector<6x64xf32>, vector<3072x6xf32> -> vector<3072x6xf32>
      %reshape3A_483 = vector.shape_cast %dot_general3A_482 : vector<3072x6xf32> to vector<6x512x6xf32>
      %iota3A_484 = tpu.iota {dimensions = array<i32: 0>} : vector<6x1x6xi32>
      %iota3A_485 = tpu.iota {dimensions = array<i32: 2>} : vector<6x1x6xi32>
      %eq3A_486 = arith.cmpi eq, %iota3A_484, %iota3A_485 : vector<6x1x6xi32>
      %jit3A_487 = arith.constant 0.000000e+00 : f32
      %broadcast_in_dim3A_488 = vector.shape_cast %eq3A_486 : vector<6x1x6xi1> to vector<6x1x6xi1>
      %broadcast_in_dim3A_489 = vector.broadcast %broadcast_in_dim3A_488 : vector<6x1x6xi1> to vector<6x512x6xi1>
      %broadcast_in_dim3A_490 = vector.broadcast %jit3A_487 : f32 to vector<6x512x6xf32>
      %select_n3A_491 = arith.select %broadcast_in_dim3A_489, %reshape3A_483, %broadcast_in_dim3A_490 : vector<6x512x6xi1>, vector<6x512x6xf32>
      %reduce_sum3A_492 = arith.constant dense<0.000000e+00> : vector<6x512xf32>
      %reduce_sum3A_493 = vector.multi_reduction <add>, %select_n3A_491, %reduce_sum3A_492 [2] : vector<6x512x6xf32> to vector<6x512xf32>
      %reduce_max3A_494 = arith.constant dense<0xFF800000> : vector<6xf32>
      %reduce_max3A_495 = vector.multi_reduction <maximumf>, %reduce_sum3A_493, %reduce_max3A_494 [1] : vector<6x512xf32> to vector<6xf32>
      %broadcast_in_dim3A_496 = vector.shape_cast %reduce_max3A_495 : vector<6xf32> to vector<6x1xf32>
      %sub3A_497 = vector.broadcast %broadcast_in_dim3A_496 : vector<6x1xf32> to vector<6x512xf32>
      %sub3A_498 = arith.subf %reduce_sum3A_493, %sub3A_497 : vector<6x512xf32>
      %exp3A_499 = math.exp %sub3A_498 : vector<6x512xf32>
      %slice3A_500 = vector.extract_strided_slice %exp3A_499 {offsets = [0, 0], sizes = [6, 128], strides = [1, 1]} : vector<6x512xf32> to vector<6x128xf32>
      %slice3A_501 = vector.extract_strided_slice %exp3A_499 {offsets = [0, 128], sizes = [6, 128], strides = [1, 1]} : vector<6x512xf32> to vector<6x128xf32>
      %slice3A_502 = vector.extract_strided_slice %exp3A_499 {offsets = [0, 256], sizes = [6, 128], strides = [1, 1]} : vector<6x512xf32> to vector<6x128xf32>
      %slice3A_503 = vector.extract_strided_slice %exp3A_499 {offsets = [0, 384], sizes = [6, 128], strides = [1, 1]} : vector<6x512xf32> to vector<6x128xf32>
      %add3A_504 = arith.addf %slice3A_500, %slice3A_501 : vector<6x128xf32>
      %add3A_505 = arith.addf %slice3A_502, %slice3A_503 : vector<6x128xf32>
      %add3A_506 = arith.addf %add3A_504, %add3A_505 : vector<6x128xf32>
      %slice3A_507 = vector.extract_strided_slice %add3A_506 {offsets = [0, 0], sizes = [6, 64], strides = [1, 1]} : vector<6x128xf32> to vector<6x64xf32>
      %slice3A_508 = vector.extract_strided_slice %add3A_506 {offsets = [0, 64], sizes = [6, 64], strides = [1, 1]} : vector<6x128xf32> to vector<6x64xf32>
      %add3A_509 = arith.addf %slice3A_507, %slice3A_508 : vector<6x64xf32>
      %slice3A_510 = vector.extract_strided_slice %add3A_509 {offsets = [0, 0], sizes = [6, 32], strides = [1, 1]} : vector<6x64xf32> to vector<6x32xf32>
      %slice3A_511 = vector.extract_strided_slice %add3A_509 {offsets = [0, 32], sizes = [6, 32], strides = [1, 1]} : vector<6x64xf32> to vector<6x32xf32>
      %add3A_512 = arith.addf %slice3A_510, %slice3A_511 : vector<6x32xf32>
      %slice3A_513 = vector.extract_strided_slice %add3A_512 {offsets = [0, 0], sizes = [6, 16], strides = [1, 1]} : vector<6x32xf32> to vector<6x16xf32>
      %slice3A_514 = vector.extract_strided_slice %add3A_512 {offsets = [0, 16], sizes = [6, 16], strides = [1, 1]} : vector<6x32xf32> to vector<6x16xf32>
      %add3A_515 = arith.addf %slice3A_513, %slice3A_514 : vector<6x16xf32>
      %slice3A_516 = vector.extract_strided_slice %add3A_515 {offsets = [0, 0], sizes = [6, 8], strides = [1, 1]} : vector<6x16xf32> to vector<6x8xf32>
      %slice3A_517 = vector.extract_strided_slice %add3A_515 {offsets = [0, 8], sizes = [6, 8], strides = [1, 1]} : vector<6x16xf32> to vector<6x8xf32>
      %add3A_518 = arith.addf %slice3A_516, %slice3A_517 : vector<6x8xf32>
      %slice3A_519 = vector.extract_strided_slice %add3A_518 {offsets = [0, 0], sizes = [6, 4], strides = [1, 1]} : vector<6x8xf32> to vector<6x4xf32>
      %slice3A_520 = vector.extract_strided_slice %add3A_518 {offsets = [0, 4], sizes = [6, 4], strides = [1, 1]} : vector<6x8xf32> to vector<6x4xf32>
      %add3A_521 = arith.addf %slice3A_519, %slice3A_520 : vector<6x4xf32>
      %slice3A_522 = vector.extract_strided_slice %add3A_521 {offsets = [0, 0], sizes = [6, 2], strides = [1, 1]} : vector<6x4xf32> to vector<6x2xf32>
      %slice3A_523 = vector.extract_strided_slice %add3A_521 {offsets = [0, 2], sizes = [6, 2], strides = [1, 1]} : vector<6x4xf32> to vector<6x2xf32>
      %add3A_524 = arith.addf %slice3A_522, %slice3A_523 : vector<6x2xf32>
      %slice3A_525 = vector.extract_strided_slice %add3A_524 {offsets = [0, 0], sizes = [6, 1], strides = [1, 1]} : vector<6x2xf32> to vector<6x1xf32>
      %slice3A_526 = vector.extract_strided_slice %add3A_524 {offsets = [0, 1], sizes = [6, 1], strides = [1, 1]} : vector<6x2xf32> to vector<6x1xf32>
      %add3A_527 = arith.addf %slice3A_525, %slice3A_526 : vector<6x1xf32>
      %log3A_528 = math.log %add3A_527 : vector<6x1xf32>
      %sub3A_529 = vector.broadcast %log3A_528 : vector<6x1xf32> to vector<6x512xf32>
      %sub3A_530 = arith.subf %sub3A_498, %sub3A_529 : vector<6x512xf32>
      %exp3A_531 = math.exp %sub3A_530 : vector<6x512xf32>
      %get3A_532 = arith.constant 0 : index
      %get3A_533 = arith.constant 0 : index
      %get3A_534 = arith.constant 0 : index
      %get3A_535 = vector.load %arg7[%get3A_532, %get3A_533, %get3A_534] : memref<16x64x512xf32, #tpu.memory_space<vmem>>, vector<6x64x512xf32>
      %broadcast_in_dim3A_536 = vector.shape_cast %exp3A_531 : vector<6x512xf32> to vector<6x1x512xf32>
      %mul3A_537 = vector.broadcast %broadcast_in_dim3A_536 : vector<6x1x512xf32> to vector<6x64x512xf32>
      %mul3A_538 = arith.mulf %get3A_535, %mul3A_537 : vector<6x64x512xf32>
      %reduce_sum3A_539 = arith.constant dense<0.000000e+00> : vector<6x64xf32>
      %reduce_sum3A_540 = vector.multi_reduction <add>, %mul3A_538, %reduce_sum3A_539 [2] : vector<6x64x512xf32> to vector<6x64xf32>
      %convert_element_type3A_541 = arith.truncf %reduce_sum3A_540 : vector<6x64xf32> to vector<6x64xbf16>
      %swap3A_542 = arith.constant 0 : index
      %swap3A_543 = arith.constant 0 : index
      %swap3A_544 = vector.load %arg8[%swap3A_542, %swap3A_543] : memref<16x64xbf16, #tpu.memory_space<vmem>>, vector<6x64xbf16>
      tpu.vector_store %arg8[%swap3A_542, %swap3A_543], %convert_element_type3A_541 {strides = array<i32>} : memref<16x64xbf16, #tpu.memory_space<vmem>>, vector<6x64xbf16>,
      %swap3A_545 = arith.constant 0 : index
      %swap3A_546 = arith.constant 0 : index
      %swap3A_547 = vector.load %arg9[%swap3A_545, %swap3A_546] : memref<16x64xf32, #tpu.memory_space<vmem>>, vector<6x64xf32>
      tpu.vector_store %arg9[%swap3A_545, %swap3A_546], %tanh3A_475 {strides = array<i32>} : memref<16x64xf32, #tpu.memory_space<vmem>>, vector<6x64xf32>,
      %swap3A_548 = arith.index_cast %scan3A_446 : i32 to index
      %swap3A_549 = arith.constant 0 : index
      %swap3A_550 = arith.constant 0 : index
      %swap3A_551 = vector.load %arg5[%swap3A_548, %swap3A_549, %swap3A_550] : memref<512x16x512xf32, #tpu.memory_space<vmem>>, vector<1x6x512xf32>
      %swap3A_552 = vector.shape_cast %swap3A_551 : vector<1x6x512xf32> to vector<6x512xf32>
      %swap3A_553 = vector.shape_cast %sub3A_530 : vector<6x512xf32> to vector<1x6x512xf32>
      tpu.vector_store %arg5[%swap3A_548, %swap3A_549, %swap3A_550], %swap3A_553 {strides = array<i32>} : memref<512x16x512xf32, #tpu.memory_space<vmem>>, vector<1x6x512xf32>,
    }
    %scan3A_420 = arith.constant 34 : i32
    %scan3A_421 = arith.constant 342 : i32
    %scan3A_422 = arith.constant 34 : i32
    %scan3A_423 = arith.addi %scan3A_421, %scan3A_422 : i32
    %scan3A_424 = arith.constant 1 : i32
    scf.for %scan3A_446 = %scan3A_421 to %scan3A_423 step %scan3A_424  : i32 {
      %get3A_447 = arith.constant 0 : index
      %get3A_448 = arith.constant 0 : index
      %get3A_449 = vector.load %arg8[%get3A_447, %get3A_448] : memref<16x64xbf16, #tpu.memory_space<vmem>>, vector<5x64xbf16>
      %convert_element_type3A_450 = arith.extf %get3A_449 : vector<5x64xbf16> to vector<5x64xf32>
      %get3A_451 = arith.constant 0 : index
      %get3A_452 = arith.constant 0 : index
      %get3A_453 = vector.load %arg9[%get3A_451, %get3A_452] : memref<16x64xf32, #tpu.memory_space<vmem>>, vector<5x64xf32>
      %get3A_454 = arith.constant 0 : index
      %get3A_455 = arith.constant 0 : index
      %get3A_456 = vector.load %arg1[%get3A_454, %get3A_455] : memref<64x64xf32, #tpu.memory_space<vmem>>, vector<64x64xf32>
      %dot_general3A_457 = arith.constant dense<0.000000e+00> : vector<5x64xf32>
      %dot_general3A_458 = tpu.matmul %convert_element_type3A_450, %get3A_456, %dot_general3A_457 {dimension_numbers = #tpu.dot_dimension_numbers<[1], [0], [0], [1], [0, 0, 1, 1], [], []>, transpose_lhs_hint = false} : vector<5x64xf32>, vector<64x64xf32>, vector<5x64xf32> -> vector<5x64xf32>
      %get3A_459 = arith.constant 0 : index
      %get3A_460 = arith.constant 0 : index
      %get3A_461 = vector.load %arg3[%get3A_459, %get3A_460] : memref<1x64xf32, #tpu.memory_space<vmem>>, vector<1x64xf32>
      %add3A_462 = vector.broadcast %get3A_461 : vector<1x64xf32> to vector<5x64xf32>
      %add3A_463 = arith.addf %dot_general3A_458, %add3A_462 : vector<5x64xf32>
      %get3A_464 = arith.constant 0 : index
      %get3A_465 = arith.constant 0 : index
      %get3A_466 = vector.load %arg2[%get3A_464, %get3A_465] : memref<64x64xf32, #tpu.memory_space<vmem>>, vector<64x64xf32>
      %dot_general3A_467 = arith.constant dense<0.000000e+00> : vector<5x64xf32>
      %dot_general3A_468 = tpu.matmul %get3A_453, %get3A_466, %dot_general3A_467 {dimension_numbers = #tpu.dot_dimension_numbers<[1], [0], [0], [1], [0, 0, 1, 1], [], []>, transpose_lhs_hint = false} : vector<5x64xf32>, vector<64x64xf32>, vector<5x64xf32> -> vector<5x64xf32>
      %add3A_469 = arith.addf %add3A_463, %dot_general3A_468 : vector<5x64xf32>
      %get3A_470 = arith.constant 0 : index
      %get3A_471 = arith.constant 0 : index
      %get3A_472 = vector.load %arg4[%get3A_470, %get3A_471] : memref<1x64xf32, #tpu.memory_space<vmem>>, vector<1x64xf32>
      %add3A_473 = vector.broadcast %get3A_472 : vector<1x64xf32> to vector<5x64xf32>
      %add3A_474 = arith.addf %add3A_469, %add3A_473 : vector<5x64xf32>
      %tanh3A_475 = math.tanh %add3A_474 : vector<5x64xf32>
      %get3A_476 = arith.constant 0 : index
      %get3A_477 = arith.constant 0 : index
      %get3A_478 = arith.constant 0 : index
      %get3A_479 = vector.load %arg6[%get3A_476, %get3A_477, %get3A_478] : memref<16x512x64xf32, #tpu.memory_space<vmem>>, vector<5x512x64xf32>
      %reshape3A_480 = vector.shape_cast %get3A_479 : vector<5x512x64xf32> to vector<2560x64xf32>
      %dot_general3A_481 = arith.constant dense<0.000000e+00> : vector<2560x5xf32>
      %dot_general3A_482 = tpu.matmul %reshape3A_480, %tanh3A_475, %dot_general3A_481 {dimension_numbers = #tpu.dot_dimension_numbers<[1], [1], [0], [0], [0, 0, 1, 0], [], []>, transpose_lhs_hint = false} : vector<2560x64xf32>, vector<5x64xf32>, vector<2560x5xf32> -> vector<2560x5xf32>
      %reshape3A_483 = vector.shape_cast %dot_general3A_482 : vector<2560x5xf32> to vector<5x512x5xf32>
      %iota3A_484 = tpu.iota {dimensions = array<i32: 0>} : vector<5x1x5xi32>
      %iota3A_485 = tpu.iota {dimensions = array<i32: 2>} : vector<5x1x5xi32>
      %eq3A_486 = arith.cmpi eq, %iota3A_484, %iota3A_485 : vector<5x1x5xi32>
      %jit3A_487 = arith.constant 0.000000e+00 : f32
      %broadcast_in_dim3A_488 = vector.shape_cast %eq3A_486 : vector<5x1x5xi1> to vector<5x1x5xi1>
      %broadcast_in_dim3A_489 = vector.broadcast %broadcast_in_dim3A_488 : vector<5x1x5xi1> to vector<5x512x5xi1>
      %broadcast_in_dim3A_490 = vector.broadcast %jit3A_487 : f32 to vector<5x512x5xf32>
      %select_n3A_491 = arith.select %broadcast_in_dim3A_489, %reshape3A_483, %broadcast_in_dim3A_490 : vector<5x512x5xi1>, vector<5x512x5xf32>
      %reduce_sum3A_492 = arith.constant dense<0.000000e+00> : vector<5x512xf32>
      %reduce_sum3A_493 = vector.multi_reduction <add>, %select_n3A_491, %reduce_sum3A_492 [2] : vector<5x512x5xf32> to vector<5x512xf32>
      %reduce_max3A_494 = arith.constant dense<0xFF800000> : vector<5xf32>
      %reduce_max3A_495 = vector.multi_reduction <maximumf>, %reduce_sum3A_493, %reduce_max3A_494 [1] : vector<5x512xf32> to vector<5xf32>
      %broadcast_in_dim3A_496 = vector.shape_cast %reduce_max3A_495 : vector<5xf32> to vector<5x1xf32>
      %sub3A_497 = vector.broadcast %broadcast_in_dim3A_496 : vector<5x1xf32> to vector<5x512xf32>
      %sub3A_498 = arith.subf %reduce_sum3A_493, %sub3A_497 : vector<5x512xf32>
      %exp3A_499 = math.exp %sub3A_498 : vector<5x512xf32>
      %slice3A_500 = vector.extract_strided_slice %exp3A_499 {offsets = [0, 0], sizes = [5, 128], strides = [1, 1]} : vector<5x512xf32> to vector<5x128xf32>
      %slice3A_501 = vector.extract_strided_slice %exp3A_499 {offsets = [0, 128], sizes = [5, 128], strides = [1, 1]} : vector<5x512xf32> to vector<5x128xf32>
      %slice3A_502 = vector.extract_strided_slice %exp3A_499 {offsets = [0, 256], sizes = [5, 128], strides = [1, 1]} : vector<5x512xf32> to vector<5x128xf32>
      %slice3A_503 = vector.extract_strided_slice %exp3A_499 {offsets = [0, 384], sizes = [5, 128], strides = [1, 1]} : vector<5x512xf32> to vector<5x128xf32>
      %add3A_504 = arith.addf %slice3A_500, %slice3A_501 : vector<5x128xf32>
      %add3A_505 = arith.addf %slice3A_502, %slice3A_503 : vector<5x128xf32>
      %add3A_506 = arith.addf %add3A_504, %add3A_505 : vector<5x128xf32>
      %slice3A_507 = vector.extract_strided_slice %add3A_506 {offsets = [0, 0], sizes = [5, 64], strides = [1, 1]} : vector<5x128xf32> to vector<5x64xf32>
      %slice3A_508 = vector.extract_strided_slice %add3A_506 {offsets = [0, 64], sizes = [5, 64], strides = [1, 1]} : vector<5x128xf32> to vector<5x64xf32>
      %add3A_509 = arith.addf %slice3A_507, %slice3A_508 : vector<5x64xf32>
      %slice3A_510 = vector.extract_strided_slice %add3A_509 {offsets = [0, 0], sizes = [5, 32], strides = [1, 1]} : vector<5x64xf32> to vector<5x32xf32>
      %slice3A_511 = vector.extract_strided_slice %add3A_509 {offsets = [0, 32], sizes = [5, 32], strides = [1, 1]} : vector<5x64xf32> to vector<5x32xf32>
      %add3A_512 = arith.addf %slice3A_510, %slice3A_511 : vector<5x32xf32>
      %slice3A_513 = vector.extract_strided_slice %add3A_512 {offsets = [0, 0], sizes = [5, 16], strides = [1, 1]} : vector<5x32xf32> to vector<5x16xf32>
      %slice3A_514 = vector.extract_strided_slice %add3A_512 {offsets = [0, 16], sizes = [5, 16], strides = [1, 1]} : vector<5x32xf32> to vector<5x16xf32>
      %add3A_515 = arith.addf %slice3A_513, %slice3A_514 : vector<5x16xf32>
      %slice3A_516 = vector.extract_strided_slice %add3A_515 {offsets = [0, 0], sizes = [5, 8], strides = [1, 1]} : vector<5x16xf32> to vector<5x8xf32>
      %slice3A_517 = vector.extract_strided_slice %add3A_515 {offsets = [0, 8], sizes = [5, 8], strides = [1, 1]} : vector<5x16xf32> to vector<5x8xf32>
      %add3A_518 = arith.addf %slice3A_516, %slice3A_517 : vector<5x8xf32>
      %slice3A_519 = vector.extract_strided_slice %add3A_518 {offsets = [0, 0], sizes = [5, 4], strides = [1, 1]} : vector<5x8xf32> to vector<5x4xf32>
      %slice3A_520 = vector.extract_strided_slice %add3A_518 {offsets = [0, 4], sizes = [5, 4], strides = [1, 1]} : vector<5x8xf32> to vector<5x4xf32>
      %add3A_521 = arith.addf %slice3A_519, %slice3A_520 : vector<5x4xf32>
      %slice3A_522 = vector.extract_strided_slice %add3A_521 {offsets = [0, 0], sizes = [5, 2], strides = [1, 1]} : vector<5x4xf32> to vector<5x2xf32>
      %slice3A_523 = vector.extract_strided_slice %add3A_521 {offsets = [0, 2], sizes = [5, 2], strides = [1, 1]} : vector<5x4xf32> to vector<5x2xf32>
      %add3A_524 = arith.addf %slice3A_522, %slice3A_523 : vector<5x2xf32>
      %slice3A_525 = vector.extract_strided_slice %add3A_524 {offsets = [0, 0], sizes = [5, 1], strides = [1, 1]} : vector<5x2xf32> to vector<5x1xf32>
      %slice3A_526 = vector.extract_strided_slice %add3A_524 {offsets = [0, 1], sizes = [5, 1], strides = [1, 1]} : vector<5x2xf32> to vector<5x1xf32>
      %add3A_527 = arith.addf %slice3A_525, %slice3A_526 : vector<5x1xf32>
      %log3A_528 = math.log %add3A_527 : vector<5x1xf32>
      %sub3A_529 = vector.broadcast %log3A_528 : vector<5x1xf32> to vector<5x512xf32>
      %sub3A_530 = arith.subf %sub3A_498, %sub3A_529 : vector<5x512xf32>
      %exp3A_531 = math.exp %sub3A_530 : vector<5x512xf32>
      %get3A_532 = arith.constant 0 : index
      %get3A_533 = arith.constant 0 : index
      %get3A_534 = arith.constant 0 : index
      %get3A_535 = vector.load %arg7[%get3A_532, %get3A_533, %get3A_534] : memref<16x64x512xf32, #tpu.memory_space<vmem>>, vector<5x64x512xf32>
      %broadcast_in_dim3A_536 = vector.shape_cast %exp3A_531 : vector<5x512xf32> to vector<5x1x512xf32>
      %mul3A_537 = vector.broadcast %broadcast_in_dim3A_536 : vector<5x1x512xf32> to vector<5x64x512xf32>
      %mul3A_538 = arith.mulf %get3A_535, %mul3A_537 : vector<5x64x512xf32>
      %reduce_sum3A_539 = arith.constant dense<0.000000e+00> : vector<5x64xf32>
      %reduce_sum3A_540 = vector.multi_reduction <add>, %mul3A_538, %reduce_sum3A_539 [2] : vector<5x64x512xf32> to vector<5x64xf32>
      %convert_element_type3A_541 = arith.truncf %reduce_sum3A_540 : vector<5x64xf32> to vector<5x64xbf16>
      %swap3A_542 = arith.constant 0 : index
      %swap3A_543 = arith.constant 0 : index
      %swap3A_544 = vector.load %arg8[%swap3A_542, %swap3A_543] : memref<16x64xbf16, #tpu.memory_space<vmem>>, vector<5x64xbf16>
      tpu.vector_store %arg8[%swap3A_542, %swap3A_543], %convert_element_type3A_541 {strides = array<i32>} : memref<16x64xbf16, #tpu.memory_space<vmem>>, vector<5x64xbf16>,
      %swap3A_545 = arith.constant 0 : index
      %swap3A_546 = arith.constant 0 : index
      %swap3A_547 = vector.load %arg9[%swap3A_545, %swap3A_546] : memref<16x64xf32, #tpu.memory_space<vmem>>, vector<5x64xf32>
      tpu.vector_store %arg9[%swap3A_545, %swap3A_546], %tanh3A_475 {strides = array<i32>} : memref<16x64xf32, #tpu.memory_space<vmem>>, vector<5x64xf32>,
      %swap3A_548 = arith.index_cast %scan3A_446 : i32 to index
      %swap3A_549 = arith.constant 0 : index
      %swap3A_550 = arith.constant 0 : index
      %swap3A_551 = vector.load %arg5[%swap3A_548, %swap3A_549, %swap3A_550] : memref<512x16x512xf32, #tpu.memory_space<vmem>>, vector<1x5x512xf32>
      %swap3A_552 = vector.shape_cast %swap3A_551 : vector<1x5x512xf32> to vector<5x512xf32>
      %swap3A_553 = vector.shape_cast %sub3A_530 : vector<5x512xf32> to vector<1x5x512xf32>
      tpu.vector_store %arg5[%swap3A_548, %swap3A_549, %swap3A_550], %swap3A_553 {strides = array<i32>} : memref<512x16x512xf32, #tpu.memory_space<vmem>>, vector<1x5x512xf32>,
    }
    %scan3A_425 = arith.constant 34 : i32
    %scan3A_426 = arith.constant 376 : i32
    %scan3A_427 = arith.constant 34 : i32
    %scan3A_428 = arith.addi %scan3A_426, %scan3A_427 : i32
    %scan3A_429 = arith.constant 1 : i32
    scf.for %scan3A_446 = %scan3A_426 to %scan3A_428 step %scan3A_429  : i32 {
      %get3A_447 = arith.constant 0 : index
      %get3A_448 = arith.constant 0 : index
      %get3A_449 = vector.load %arg8[%get3A_447, %get3A_448] : memref<16x64xbf16, #tpu.memory_space<vmem>>, vector<4x64xbf16>
      %convert_element_type3A_450 = arith.extf %get3A_449 : vector<4x64xbf16> to vector<4x64xf32>
      %get3A_451 = arith.constant 0 : index
      %get3A_452 = arith.constant 0 : index
      %get3A_453 = vector.load %arg9[%get3A_451, %get3A_452] : memref<16x64xf32, #tpu.memory_space<vmem>>, vector<4x64xf32>
      %get3A_454 = arith.constant 0 : index
      %get3A_455 = arith.constant 0 : index
      %get3A_456 = vector.load %arg1[%get3A_454, %get3A_455] : memref<64x64xf32, #tpu.memory_space<vmem>>, vector<64x64xf32>
      %dot_general3A_457 = arith.constant dense<0.000000e+00> : vector<4x64xf32>
      %dot_general3A_458 = tpu.matmul %convert_element_type3A_450, %get3A_456, %dot_general3A_457 {dimension_numbers = #tpu.dot_dimension_numbers<[1], [0], [0], [1], [0, 0, 1, 1], [], []>, transpose_lhs_hint = false} : vector<4x64xf32>, vector<64x64xf32>, vector<4x64xf32> -> vector<4x64xf32>
      %get3A_459 = arith.constant 0 : index
      %get3A_460 = arith.constant 0 : index
      %get3A_461 = vector.load %arg3[%get3A_459, %get3A_460] : memref<1x64xf32, #tpu.memory_space<vmem>>, vector<1x64xf32>
      %add3A_462 = vector.broadcast %get3A_461 : vector<1x64xf32> to vector<4x64xf32>
      %add3A_463 = arith.addf %dot_general3A_458, %add3A_462 : vector<4x64xf32>
      %get3A_464 = arith.constant 0 : index
      %get3A_465 = arith.constant 0 : index
      %get3A_466 = vector.load %arg2[%get3A_464, %get3A_465] : memref<64x64xf32, #tpu.memory_space<vmem>>, vector<64x64xf32>
      %dot_general3A_467 = arith.constant dense<0.000000e+00> : vector<4x64xf32>
      %dot_general3A_468 = tpu.matmul %get3A_453, %get3A_466, %dot_general3A_467 {dimension_numbers = #tpu.dot_dimension_numbers<[1], [0], [0], [1], [0, 0, 1, 1], [], []>, transpose_lhs_hint = false} : vector<4x64xf32>, vector<64x64xf32>, vector<4x64xf32> -> vector<4x64xf32>
      %add3A_469 = arith.addf %add3A_463, %dot_general3A_468 : vector<4x64xf32>
      %get3A_470 = arith.constant 0 : index
      %get3A_471 = arith.constant 0 : index
      %get3A_472 = vector.load %arg4[%get3A_470, %get3A_471] : memref<1x64xf32, #tpu.memory_space<vmem>>, vector<1x64xf32>
      %add3A_473 = vector.broadcast %get3A_472 : vector<1x64xf32> to vector<4x64xf32>
      %add3A_474 = arith.addf %add3A_469, %add3A_473 : vector<4x64xf32>
      %tanh3A_475 = math.tanh %add3A_474 : vector<4x64xf32>
      %get3A_476 = arith.constant 0 : index
      %get3A_477 = arith.constant 0 : index
      %get3A_478 = arith.constant 0 : index
      %get3A_479 = vector.load %arg6[%get3A_476, %get3A_477, %get3A_478] : memref<16x512x64xf32, #tpu.memory_space<vmem>>, vector<4x512x64xf32>
      %reshape3A_480 = vector.shape_cast %get3A_479 : vector<4x512x64xf32> to vector<2048x64xf32>
      %dot_general3A_481 = arith.constant dense<0.000000e+00> : vector<2048x4xf32>
      %dot_general3A_482 = tpu.matmul %reshape3A_480, %tanh3A_475, %dot_general3A_481 {dimension_numbers = #tpu.dot_dimension_numbers<[1], [1], [0], [0], [0, 0, 1, 0], [], []>, transpose_lhs_hint = false} : vector<2048x64xf32>, vector<4x64xf32>, vector<2048x4xf32> -> vector<2048x4xf32>
      %reshape3A_483 = vector.shape_cast %dot_general3A_482 : vector<2048x4xf32> to vector<4x512x4xf32>
      %iota3A_484 = tpu.iota {dimensions = array<i32: 0>} : vector<4x1x4xi32>
      %iota3A_485 = tpu.iota {dimensions = array<i32: 2>} : vector<4x1x4xi32>
      %eq3A_486 = arith.cmpi eq, %iota3A_484, %iota3A_485 : vector<4x1x4xi32>
      %jit3A_487 = arith.constant 0.000000e+00 : f32
      %broadcast_in_dim3A_488 = vector.shape_cast %eq3A_486 : vector<4x1x4xi1> to vector<4x1x4xi1>
      %broadcast_in_dim3A_489 = vector.broadcast %broadcast_in_dim3A_488 : vector<4x1x4xi1> to vector<4x512x4xi1>
      %broadcast_in_dim3A_490 = vector.broadcast %jit3A_487 : f32 to vector<4x512x4xf32>
      %select_n3A_491 = arith.select %broadcast_in_dim3A_489, %reshape3A_483, %broadcast_in_dim3A_490 : vector<4x512x4xi1>, vector<4x512x4xf32>
      %reduce_sum3A_492 = arith.constant dense<0.000000e+00> : vector<4x512xf32>
      %reduce_sum3A_493 = vector.multi_reduction <add>, %select_n3A_491, %reduce_sum3A_492 [2] : vector<4x512x4xf32> to vector<4x512xf32>
      %reduce_max3A_494 = arith.constant dense<0xFF800000> : vector<4xf32>
      %reduce_max3A_495 = vector.multi_reduction <maximumf>, %reduce_sum3A_493, %reduce_max3A_494 [1] : vector<4x512xf32> to vector<4xf32>
      %broadcast_in_dim3A_496 = vector.shape_cast %reduce_max3A_495 : vector<4xf32> to vector<4x1xf32>
      %sub3A_497 = vector.broadcast %broadcast_in_dim3A_496 : vector<4x1xf32> to vector<4x512xf32>
      %sub3A_498 = arith.subf %reduce_sum3A_493, %sub3A_497 : vector<4x512xf32>
      %exp3A_499 = math.exp %sub3A_498 : vector<4x512xf32>
      %slice3A_500 = vector.extract_strided_slice %exp3A_499 {offsets = [0, 0], sizes = [4, 128], strides = [1, 1]} : vector<4x512xf32> to vector<4x128xf32>
      %slice3A_501 = vector.extract_strided_slice %exp3A_499 {offsets = [0, 128], sizes = [4, 128], strides = [1, 1]} : vector<4x512xf32> to vector<4x128xf32>
      %slice3A_502 = vector.extract_strided_slice %exp3A_499 {offsets = [0, 256], sizes = [4, 128], strides = [1, 1]} : vector<4x512xf32> to vector<4x128xf32>
      %slice3A_503 = vector.extract_strided_slice %exp3A_499 {offsets = [0, 384], sizes = [4, 128], strides = [1, 1]} : vector<4x512xf32> to vector<4x128xf32>
      %add3A_504 = arith.addf %slice3A_500, %slice3A_501 : vector<4x128xf32>
      %add3A_505 = arith.addf %slice3A_502, %slice3A_503 : vector<4x128xf32>
      %add3A_506 = arith.addf %add3A_504, %add3A_505 : vector<4x128xf32>
      %slice3A_507 = vector.extract_strided_slice %add3A_506 {offsets = [0, 0], sizes = [4, 64], strides = [1, 1]} : vector<4x128xf32> to vector<4x64xf32>
      %slice3A_508 = vector.extract_strided_slice %add3A_506 {offsets = [0, 64], sizes = [4, 64], strides = [1, 1]} : vector<4x128xf32> to vector<4x64xf32>
      %add3A_509 = arith.addf %slice3A_507, %slice3A_508 : vector<4x64xf32>
      %slice3A_510 = vector.extract_strided_slice %add3A_509 {offsets = [0, 0], sizes = [4, 32], strides = [1, 1]} : vector<4x64xf32> to vector<4x32xf32>
      %slice3A_511 = vector.extract_strided_slice %add3A_509 {offsets = [0, 32], sizes = [4, 32], strides = [1, 1]} : vector<4x64xf32> to vector<4x32xf32>
      %add3A_512 = arith.addf %slice3A_510, %slice3A_511 : vector<4x32xf32>
      %slice3A_513 = vector.extract_strided_slice %add3A_512 {offsets = [0, 0], sizes = [4, 16], strides = [1, 1]} : vector<4x32xf32> to vector<4x16xf32>
      %slice3A_514 = vector.extract_strided_slice %add3A_512 {offsets = [0, 16], sizes = [4, 16], strides = [1, 1]} : vector<4x32xf32> to vector<4x16xf32>
      %add3A_515 = arith.addf %slice3A_513, %slice3A_514 : vector<4x16xf32>
      %slice3A_516 = vector.extract_strided_slice %add3A_515 {offsets = [0, 0], sizes = [4, 8], strides = [1, 1]} : vector<4x16xf32> to vector<4x8xf32>
      %slice3A_517 = vector.extract_strided_slice %add3A_515 {offsets = [0, 8], sizes = [4, 8], strides = [1, 1]} : vector<4x16xf32> to vector<4x8xf32>
      %add3A_518 = arith.addf %slice3A_516, %slice3A_517 : vector<4x8xf32>
      %slice3A_519 = vector.extract_strided_slice %add3A_518 {offsets = [0, 0], sizes = [4, 4], strides = [1, 1]} : vector<4x8xf32> to vector<4x4xf32>
      %slice3A_520 = vector.extract_strided_slice %add3A_518 {offsets = [0, 4], sizes = [4, 4], strides = [1, 1]} : vector<4x8xf32> to vector<4x4xf32>
      %add3A_521 = arith.addf %slice3A_519, %slice3A_520 : vector<4x4xf32>
      %slice3A_522 = vector.extract_strided_slice %add3A_521 {offsets = [0, 0], sizes = [4, 2], strides = [1, 1]} : vector<4x4xf32> to vector<4x2xf32>
      %slice3A_523 = vector.extract_strided_slice %add3A_521 {offsets = [0, 2], sizes = [4, 2], strides = [1, 1]} : vector<4x4xf32> to vector<4x2xf32>
      %add3A_524 = arith.addf %slice3A_522, %slice3A_523 : vector<4x2xf32>
      %slice3A_525 = vector.extract_strided_slice %add3A_524 {offsets = [0, 0], sizes = [4, 1], strides = [1, 1]} : vector<4x2xf32> to vector<4x1xf32>
      %slice3A_526 = vector.extract_strided_slice %add3A_524 {offsets = [0, 1], sizes = [4, 1], strides = [1, 1]} : vector<4x2xf32> to vector<4x1xf32>
      %add3A_527 = arith.addf %slice3A_525, %slice3A_526 : vector<4x1xf32>
      %log3A_528 = math.log %add3A_527 : vector<4x1xf32>
      %sub3A_529 = vector.broadcast %log3A_528 : vector<4x1xf32> to vector<4x512xf32>
      %sub3A_530 = arith.subf %sub3A_498, %sub3A_529 : vector<4x512xf32>
      %exp3A_531 = math.exp %sub3A_530 : vector<4x512xf32>
      %get3A_532 = arith.constant 0 : index
      %get3A_533 = arith.constant 0 : index
      %get3A_534 = arith.constant 0 : index
      %get3A_535 = vector.load %arg7[%get3A_532, %get3A_533, %get3A_534] : memref<16x64x512xf32, #tpu.memory_space<vmem>>, vector<4x64x512xf32>
      %broadcast_in_dim3A_536 = vector.shape_cast %exp3A_531 : vector<4x512xf32> to vector<4x1x512xf32>
      %mul3A_537 = vector.broadcast %broadcast_in_dim3A_536 : vector<4x1x512xf32> to vector<4x64x512xf32>
      %mul3A_538 = arith.mulf %get3A_535, %mul3A_537 : vector<4x64x512xf32>
      %reduce_sum3A_539 = arith.constant dense<0.000000e+00> : vector<4x64xf32>
      %reduce_sum3A_540 = vector.multi_reduction <add>, %mul3A_538, %reduce_sum3A_539 [2] : vector<4x64x512xf32> to vector<4x64xf32>
      %convert_element_type3A_541 = arith.truncf %reduce_sum3A_540 : vector<4x64xf32> to vector<4x64xbf16>
      %swap3A_542 = arith.constant 0 : index
      %swap3A_543 = arith.constant 0 : index
      %swap3A_544 = vector.load %arg8[%swap3A_542, %swap3A_543] : memref<16x64xbf16, #tpu.memory_space<vmem>>, vector<4x64xbf16>
      tpu.vector_store %arg8[%swap3A_542, %swap3A_543], %convert_element_type3A_541 {strides = array<i32>} : memref<16x64xbf16, #tpu.memory_space<vmem>>, vector<4x64xbf16>,
      %swap3A_545 = arith.constant 0 : index
      %swap3A_546 = arith.constant 0 : index
      %swap3A_547 = vector.load %arg9[%swap3A_545, %swap3A_546] : memref<16x64xf32, #tpu.memory_space<vmem>>, vector<4x64xf32>
      tpu.vector_store %arg9[%swap3A_545, %swap3A_546], %tanh3A_475 {strides = array<i32>} : memref<16x64xf32, #tpu.memory_space<vmem>>, vector<4x64xf32>,
      %swap3A_548 = arith.index_cast %scan3A_446 : i32 to index
      %swap3A_549 = arith.constant 0 : index
      %swap3A_550 = arith.constant 0 : index
      %swap3A_551 = vector.load %arg5[%swap3A_548, %swap3A_549, %swap3A_550] : memref<512x16x512xf32, #tpu.memory_space<vmem>>, vector<1x4x512xf32>
      %swap3A_552 = vector.shape_cast %swap3A_551 : vector<1x4x512xf32> to vector<4x512xf32>
      %swap3A_553 = vector.shape_cast %sub3A_530 : vector<4x512xf32> to vector<1x4x512xf32>
      tpu.vector_store %arg5[%swap3A_548, %swap3A_549, %swap3A_550], %swap3A_553 {strides = array<i32>} : memref<512x16x512xf32, #tpu.memory_space<vmem>>, vector<1x4x512xf32>,
    }
    %scan3A_430 = arith.constant 34 : i32
    %scan3A_431 = arith.constant 410 : i32
    %scan3A_432 = arith.constant 34 : i32
    %scan3A_433 = arith.addi %scan3A_431, %scan3A_432 : i32
    %scan3A_434 = arith.constant 1 : i32
    scf.for %scan3A_446 = %scan3A_431 to %scan3A_433 step %scan3A_434  : i32 {
      %get3A_447 = arith.constant 0 : index
      %get3A_448 = arith.constant 0 : index
      %get3A_449 = vector.load %arg8[%get3A_447, %get3A_448] : memref<16x64xbf16, #tpu.memory_space<vmem>>, vector<3x64xbf16>
      %convert_element_type3A_450 = arith.extf %get3A_449 : vector<3x64xbf16> to vector<3x64xf32>
      %get3A_451 = arith.constant 0 : index
      %get3A_452 = arith.constant 0 : index
      %get3A_453 = vector.load %arg9[%get3A_451, %get3A_452] : memref<16x64xf32, #tpu.memory_space<vmem>>, vector<3x64xf32>
      %get3A_454 = arith.constant 0 : index
      %get3A_455 = arith.constant 0 : index
      %get3A_456 = vector.load %arg1[%get3A_454, %get3A_455] : memref<64x64xf32, #tpu.memory_space<vmem>>, vector<64x64xf32>
      %dot_general3A_457 = arith.constant dense<0.000000e+00> : vector<3x64xf32>
      %dot_general3A_458 = tpu.matmul %convert_element_type3A_450, %get3A_456, %dot_general3A_457 {dimension_numbers = #tpu.dot_dimension_numbers<[1], [0], [0], [1], [0, 0, 1, 1], [], []>, transpose_lhs_hint = false} : vector<3x64xf32>, vector<64x64xf32>, vector<3x64xf32> -> vector<3x64xf32>
      %get3A_459 = arith.constant 0 : index
      %get3A_460 = arith.constant 0 : index
      %get3A_461 = vector.load %arg3[%get3A_459, %get3A_460] : memref<1x64xf32, #tpu.memory_space<vmem>>, vector<1x64xf32>
      %add3A_462 = vector.broadcast %get3A_461 : vector<1x64xf32> to vector<3x64xf32>
      %add3A_463 = arith.addf %dot_general3A_458, %add3A_462 : vector<3x64xf32>
      %get3A_464 = arith.constant 0 : index
      %get3A_465 = arith.constant 0 : index
      %get3A_466 = vector.load %arg2[%get3A_464, %get3A_465] : memref<64x64xf32, #tpu.memory_space<vmem>>, vector<64x64xf32>
      %dot_general3A_467 = arith.constant dense<0.000000e+00> : vector<3x64xf32>
      %dot_general3A_468 = tpu.matmul %get3A_453, %get3A_466, %dot_general3A_467 {dimension_numbers = #tpu.dot_dimension_numbers<[1], [0], [0], [1], [0, 0, 1, 1], [], []>, transpose_lhs_hint = false} : vector<3x64xf32>, vector<64x64xf32>, vector<3x64xf32> -> vector<3x64xf32>
      %add3A_469 = arith.addf %add3A_463, %dot_general3A_468 : vector<3x64xf32>
      %get3A_470 = arith.constant 0 : index
      %get3A_471 = arith.constant 0 : index
      %get3A_472 = vector.load %arg4[%get3A_470, %get3A_471] : memref<1x64xf32, #tpu.memory_space<vmem>>, vector<1x64xf32>
      %add3A_473 = vector.broadcast %get3A_472 : vector<1x64xf32> to vector<3x64xf32>
      %add3A_474 = arith.addf %add3A_469, %add3A_473 : vector<3x64xf32>
      %tanh3A_475 = math.tanh %add3A_474 : vector<3x64xf32>
      %get3A_476 = arith.constant 0 : index
      %get3A_477 = arith.constant 0 : index
      %get3A_478 = arith.constant 0 : index
      %get3A_479 = vector.load %arg6[%get3A_476, %get3A_477, %get3A_478] : memref<16x512x64xf32, #tpu.memory_space<vmem>>, vector<3x512x64xf32>
      %reshape3A_480 = vector.shape_cast %get3A_479 : vector<3x512x64xf32> to vector<1536x64xf32>
      %dot_general3A_481 = arith.constant dense<0.000000e+00> : vector<1536x3xf32>
      %dot_general3A_482 = tpu.matmul %reshape3A_480, %tanh3A_475, %dot_general3A_481 {dimension_numbers = #tpu.dot_dimension_numbers<[1], [1], [0], [0], [0, 0, 1, 0], [], []>, transpose_lhs_hint = false} : vector<1536x64xf32>, vector<3x64xf32>, vector<1536x3xf32> -> vector<1536x3xf32>
      %reshape3A_483 = vector.shape_cast %dot_general3A_482 : vector<1536x3xf32> to vector<3x512x3xf32>
      %iota3A_484 = tpu.iota {dimensions = array<i32: 0>} : vector<3x1x3xi32>
      %iota3A_485 = tpu.iota {dimensions = array<i32: 2>} : vector<3x1x3xi32>
      %eq3A_486 = arith.cmpi eq, %iota3A_484, %iota3A_485 : vector<3x1x3xi32>
      %jit3A_487 = arith.constant 0.000000e+00 : f32
      %broadcast_in_dim3A_488 = vector.shape_cast %eq3A_486 : vector<3x1x3xi1> to vector<3x1x3xi1>
      %broadcast_in_dim3A_489 = vector.broadcast %broadcast_in_dim3A_488 : vector<3x1x3xi1> to vector<3x512x3xi1>
      %broadcast_in_dim3A_490 = vector.broadcast %jit3A_487 : f32 to vector<3x512x3xf32>
      %select_n3A_491 = arith.select %broadcast_in_dim3A_489, %reshape3A_483, %broadcast_in_dim3A_490 : vector<3x512x3xi1>, vector<3x512x3xf32>
      %reduce_sum3A_492 = arith.constant dense<0.000000e+00> : vector<3x512xf32>
      %reduce_sum3A_493 = vector.multi_reduction <add>, %select_n3A_491, %reduce_sum3A_492 [2] : vector<3x512x3xf32> to vector<3x512xf32>
      %reduce_max3A_494 = arith.constant dense<0xFF800000> : vector<3xf32>
      %reduce_max3A_495 = vector.multi_reduction <maximumf>, %reduce_sum3A_493, %reduce_max3A_494 [1] : vector<3x512xf32> to vector<3xf32>
      %broadcast_in_dim3A_496 = vector.shape_cast %reduce_max3A_495 : vector<3xf32> to vector<3x1xf32>
      %sub3A_497 = vector.broadcast %broadcast_in_dim3A_496 : vector<3x1xf32> to vector<3x512xf32>
      %sub3A_498 = arith.subf %reduce_sum3A_493, %sub3A_497 : vector<3x512xf32>
      %exp3A_499 = math.exp %sub3A_498 : vector<3x512xf32>
      %slice3A_500 = vector.extract_strided_slice %exp3A_499 {offsets = [0, 0], sizes = [3, 128], strides = [1, 1]} : vector<3x512xf32> to vector<3x128xf32>
      %slice3A_501 = vector.extract_strided_slice %exp3A_499 {offsets = [0, 128], sizes = [3, 128], strides = [1, 1]} : vector<3x512xf32> to vector<3x128xf32>
      %slice3A_502 = vector.extract_strided_slice %exp3A_499 {offsets = [0, 256], sizes = [3, 128], strides = [1, 1]} : vector<3x512xf32> to vector<3x128xf32>
      %slice3A_503 = vector.extract_strided_slice %exp3A_499 {offsets = [0, 384], sizes = [3, 128], strides = [1, 1]} : vector<3x512xf32> to vector<3x128xf32>
      %add3A_504 = arith.addf %slice3A_500, %slice3A_501 : vector<3x128xf32>
      %add3A_505 = arith.addf %slice3A_502, %slice3A_503 : vector<3x128xf32>
      %add3A_506 = arith.addf %add3A_504, %add3A_505 : vector<3x128xf32>
      %slice3A_507 = vector.extract_strided_slice %add3A_506 {offsets = [0, 0], sizes = [3, 64], strides = [1, 1]} : vector<3x128xf32> to vector<3x64xf32>
      %slice3A_508 = vector.extract_strided_slice %add3A_506 {offsets = [0, 64], sizes = [3, 64], strides = [1, 1]} : vector<3x128xf32> to vector<3x64xf32>
      %add3A_509 = arith.addf %slice3A_507, %slice3A_508 : vector<3x64xf32>
      %slice3A_510 = vector.extract_strided_slice %add3A_509 {offsets = [0, 0], sizes = [3, 32], strides = [1, 1]} : vector<3x64xf32> to vector<3x32xf32>
      %slice3A_511 = vector.extract_strided_slice %add3A_509 {offsets = [0, 32], sizes = [3, 32], strides = [1, 1]} : vector<3x64xf32> to vector<3x32xf32>
      %add3A_512 = arith.addf %slice3A_510, %slice3A_511 : vector<3x32xf32>
      %slice3A_513 = vector.extract_strided_slice %add3A_512 {offsets = [0, 0], sizes = [3, 16], strides = [1, 1]} : vector<3x32xf32> to vector<3x16xf32>
      %slice3A_514 = vector.extract_strided_slice %add3A_512 {offsets = [0, 16], sizes = [3, 16], strides = [1, 1]} : vector<3x32xf32> to vector<3x16xf32>
      %add3A_515 = arith.addf %slice3A_513, %slice3A_514 : vector<3x16xf32>
      %slice3A_516 = vector.extract_strided_slice %add3A_515 {offsets = [0, 0], sizes = [3, 8], strides = [1, 1]} : vector<3x16xf32> to vector<3x8xf32>
      %slice3A_517 = vector.extract_strided_slice %add3A_515 {offsets = [0, 8], sizes = [3, 8], strides = [1, 1]} : vector<3x16xf32> to vector<3x8xf32>
      %add3A_518 = arith.addf %slice3A_516, %slice3A_517 : vector<3x8xf32>
      %slice3A_519 = vector.extract_strided_slice %add3A_518 {offsets = [0, 0], sizes = [3, 4], strides = [1, 1]} : vector<3x8xf32> to vector<3x4xf32>
      %slice3A_520 = vector.extract_strided_slice %add3A_518 {offsets = [0, 4], sizes = [3, 4], strides = [1, 1]} : vector<3x8xf32> to vector<3x4xf32>
      %add3A_521 = arith.addf %slice3A_519, %slice3A_520 : vector<3x4xf32>
      %slice3A_522 = vector.extract_strided_slice %add3A_521 {offsets = [0, 0], sizes = [3, 2], strides = [1, 1]} : vector<3x4xf32> to vector<3x2xf32>
      %slice3A_523 = vector.extract_strided_slice %add3A_521 {offsets = [0, 2], sizes = [3, 2], strides = [1, 1]} : vector<3x4xf32> to vector<3x2xf32>
      %add3A_524 = arith.addf %slice3A_522, %slice3A_523 : vector<3x2xf32>
      %slice3A_525 = vector.extract_strided_slice %add3A_524 {offsets = [0, 0], sizes = [3, 1], strides = [1, 1]} : vector<3x2xf32> to vector<3x1xf32>
      %slice3A_526 = vector.extract_strided_slice %add3A_524 {offsets = [0, 1], sizes = [3, 1], strides = [1, 1]} : vector<3x2xf32> to vector<3x1xf32>
      %add3A_527 = arith.addf %slice3A_525, %slice3A_526 : vector<3x1xf32>
      %log3A_528 = math.log %add3A_527 : vector<3x1xf32>
      %sub3A_529 = vector.broadcast %log3A_528 : vector<3x1xf32> to vector<3x512xf32>
      %sub3A_530 = arith.subf %sub3A_498, %sub3A_529 : vector<3x512xf32>
      %exp3A_531 = math.exp %sub3A_530 : vector<3x512xf32>
      %get3A_532 = arith.constant 0 : index
      %get3A_533 = arith.constant 0 : index
      %get3A_534 = arith.constant 0 : index
      %get3A_535 = vector.load %arg7[%get3A_532, %get3A_533, %get3A_534] : memref<16x64x512xf32, #tpu.memory_space<vmem>>, vector<3x64x512xf32>
      %broadcast_in_dim3A_536 = vector.shape_cast %exp3A_531 : vector<3x512xf32> to vector<3x1x512xf32>
      %mul3A_537 = vector.broadcast %broadcast_in_dim3A_536 : vector<3x1x512xf32> to vector<3x64x512xf32>
      %mul3A_538 = arith.mulf %get3A_535, %mul3A_537 : vector<3x64x512xf32>
      %reduce_sum3A_539 = arith.constant dense<0.000000e+00> : vector<3x64xf32>
      %reduce_sum3A_540 = vector.multi_reduction <add>, %mul3A_538, %reduce_sum3A_539 [2] : vector<3x64x512xf32> to vector<3x64xf32>
      %convert_element_type3A_541 = arith.truncf %reduce_sum3A_540 : vector<3x64xf32> to vector<3x64xbf16>
      %swap3A_542 = arith.constant 0 : index
      %swap3A_543 = arith.constant 0 : index
      %swap3A_544 = vector.load %arg8[%swap3A_542, %swap3A_543] : memref<16x64xbf16, #tpu.memory_space<vmem>>, vector<3x64xbf16>
      tpu.vector_store %arg8[%swap3A_542, %swap3A_543], %convert_element_type3A_541 {strides = array<i32>} : memref<16x64xbf16, #tpu.memory_space<vmem>>, vector<3x64xbf16>,
      %swap3A_545 = arith.constant 0 : index
      %swap3A_546 = arith.constant 0 : index
      %swap3A_547 = vector.load %arg9[%swap3A_545, %swap3A_546] : memref<16x64xf32, #tpu.memory_space<vmem>>, vector<3x64xf32>
      tpu.vector_store %arg9[%swap3A_545, %swap3A_546], %tanh3A_475 {strides = array<i32>} : memref<16x64xf32, #tpu.memory_space<vmem>>, vector<3x64xf32>,
      %swap3A_548 = arith.index_cast %scan3A_446 : i32 to index
      %swap3A_549 = arith.constant 0 : index
      %swap3A_550 = arith.constant 0 : index
      %swap3A_551 = vector.load %arg5[%swap3A_548, %swap3A_549, %swap3A_550] : memref<512x16x512xf32, #tpu.memory_space<vmem>>, vector<1x3x512xf32>
      %swap3A_552 = vector.shape_cast %swap3A_551 : vector<1x3x512xf32> to vector<3x512xf32>
      %swap3A_553 = vector.shape_cast %sub3A_530 : vector<3x512xf32> to vector<1x3x512xf32>
      tpu.vector_store %arg5[%swap3A_548, %swap3A_549, %swap3A_550], %swap3A_553 {strides = array<i32>} : memref<512x16x512xf32, #tpu.memory_space<vmem>>, vector<1x3x512xf32>,
    }
    %scan3A_435 = arith.constant 34 : i32
    %scan3A_436 = arith.constant 444 : i32
    %scan3A_437 = arith.constant 34 : i32
    %scan3A_438 = arith.addi %scan3A_436, %scan3A_437 : i32
    %scan3A_439 = arith.constant 1 : i32
    scf.for %scan3A_446 = %scan3A_436 to %scan3A_438 step %scan3A_439  : i32 {
      %get3A_447 = arith.constant 0 : index
      %get3A_448 = arith.constant 0 : index
      %get3A_449 = vector.load %arg8[%get3A_447, %get3A_448] : memref<16x64xbf16, #tpu.memory_space<vmem>>, vector<2x64xbf16>
      %convert_element_type3A_450 = arith.extf %get3A_449 : vector<2x64xbf16> to vector<2x64xf32>
      %get3A_451 = arith.constant 0 : index
      %get3A_452 = arith.constant 0 : index
      %get3A_453 = vector.load %arg9[%get3A_451, %get3A_452] : memref<16x64xf32, #tpu.memory_space<vmem>>, vector<2x64xf32>
      %get3A_454 = arith.constant 0 : index
      %get3A_455 = arith.constant 0 : index
      %get3A_456 = vector.load %arg1[%get3A_454, %get3A_455] : memref<64x64xf32, #tpu.memory_space<vmem>>, vector<64x64xf32>
      %dot_general3A_457 = arith.constant dense<0.000000e+00> : vector<2x64xf32>
      %dot_general3A_458 = tpu.matmul %convert_element_type3A_450, %get3A_456, %dot_general3A_457 {dimension_numbers = #tpu.dot_dimension_numbers<[1], [0], [0], [1], [0, 0, 1, 1], [], []>, transpose_lhs_hint = false} : vector<2x64xf32>, vector<64x64xf32>, vector<2x64xf32> -> vector<2x64xf32>
      %get3A_459 = arith.constant 0 : index
      %get3A_460 = arith.constant 0 : index
      %get3A_461 = vector.load %arg3[%get3A_459, %get3A_460] : memref<1x64xf32, #tpu.memory_space<vmem>>, vector<1x64xf32>
      %add3A_462 = vector.broadcast %get3A_461 : vector<1x64xf32> to vector<2x64xf32>
      %add3A_463 = arith.addf %dot_general3A_458, %add3A_462 : vector<2x64xf32>
      %get3A_464 = arith.constant 0 : index
      %get3A_465 = arith.constant 0 : index
      %get3A_466 = vector.load %arg2[%get3A_464, %get3A_465] : memref<64x64xf32, #tpu.memory_space<vmem>>, vector<64x64xf32>
      %dot_general3A_467 = arith.constant dense<0.000000e+00> : vector<2x64xf32>
      %dot_general3A_468 = tpu.matmul %get3A_453, %get3A_466, %dot_general3A_467 {dimension_numbers = #tpu.dot_dimension_numbers<[1], [0], [0], [1], [0, 0, 1, 1], [], []>, transpose_lhs_hint = false} : vector<2x64xf32>, vector<64x64xf32>, vector<2x64xf32> -> vector<2x64xf32>
      %add3A_469 = arith.addf %add3A_463, %dot_general3A_468 : vector<2x64xf32>
      %get3A_470 = arith.constant 0 : index
      %get3A_471 = arith.constant 0 : index
      %get3A_472 = vector.load %arg4[%get3A_470, %get3A_471] : memref<1x64xf32, #tpu.memory_space<vmem>>, vector<1x64xf32>
      %add3A_473 = vector.broadcast %get3A_472 : vector<1x64xf32> to vector<2x64xf32>
      %add3A_474 = arith.addf %add3A_469, %add3A_473 : vector<2x64xf32>
      %tanh3A_475 = math.tanh %add3A_474 : vector<2x64xf32>
      %get3A_476 = arith.constant 0 : index
      %get3A_477 = arith.constant 0 : index
      %get3A_478 = arith.constant 0 : index
      %get3A_479 = vector.load %arg6[%get3A_476, %get3A_477, %get3A_478] : memref<16x512x64xf32, #tpu.memory_space<vmem>>, vector<2x512x64xf32>
      %reshape3A_480 = vector.shape_cast %get3A_479 : vector<2x512x64xf32> to vector<1024x64xf32>
      %dot_general3A_481 = arith.constant dense<0.000000e+00> : vector<1024x2xf32>
      %dot_general3A_482 = tpu.matmul %reshape3A_480, %tanh3A_475, %dot_general3A_481 {dimension_numbers = #tpu.dot_dimension_numbers<[1], [1], [0], [0], [0, 0, 1, 0], [], []>, transpose_lhs_hint = false} : vector<1024x64xf32>, vector<2x64xf32>, vector<1024x2xf32> -> vector<1024x2xf32>
      %reshape3A_483 = vector.shape_cast %dot_general3A_482 : vector<1024x2xf32> to vector<2x512x2xf32>
      %iota3A_484 = tpu.iota {dimensions = array<i32: 0>} : vector<2x1x2xi32>
      %iota3A_485 = tpu.iota {dimensions = array<i32: 2>} : vector<2x1x2xi32>
      %eq3A_486 = arith.cmpi eq, %iota3A_484, %iota3A_485 : vector<2x1x2xi32>
      %jit3A_487 = arith.constant 0.000000e+00 : f32
      %broadcast_in_dim3A_488 = vector.shape_cast %eq3A_486 : vector<2x1x2xi1> to vector<2x1x2xi1>
      %broadcast_in_dim3A_489 = vector.broadcast %broadcast_in_dim3A_488 : vector<2x1x2xi1> to vector<2x512x2xi1>
      %broadcast_in_dim3A_490 = vector.broadcast %jit3A_487 : f32 to vector<2x512x2xf32>
      %select_n3A_491 = arith.select %broadcast_in_dim3A_489, %reshape3A_483, %broadcast_in_dim3A_490 : vector<2x512x2xi1>, vector<2x512x2xf32>
      %reduce_sum3A_492 = arith.constant dense<0.000000e+00> : vector<2x512xf32>
      %reduce_sum3A_493 = vector.multi_reduction <add>, %select_n3A_491, %reduce_sum3A_492 [2] : vector<2x512x2xf32> to vector<2x512xf32>
      %reduce_max3A_494 = arith.constant dense<0xFF800000> : vector<2xf32>
      %reduce_max3A_495 = vector.multi_reduction <maximumf>, %reduce_sum3A_493, %reduce_max3A_494 [1] : vector<2x512xf32> to vector<2xf32>
      %broadcast_in_dim3A_496 = vector.shape_cast %reduce_max3A_495 : vector<2xf32> to vector<2x1xf32>
      %sub3A_497 = vector.broadcast %broadcast_in_dim3A_496 : vector<2x1xf32> to vector<2x512xf32>
      %sub3A_498 = arith.subf %reduce_sum3A_493, %sub3A_497 : vector<2x512xf32>
      %exp3A_499 = math.exp %sub3A_498 : vector<2x512xf32>
      %slice3A_500 = vector.extract_strided_slice %exp3A_499 {offsets = [0, 0], sizes = [2, 128], strides = [1, 1]} : vector<2x512xf32> to vector<2x128xf32>
      %slice3A_501 = vector.extract_strided_slice %exp3A_499 {offsets = [0, 128], sizes = [2, 128], strides = [1, 1]} : vector<2x512xf32> to vector<2x128xf32>
      %slice3A_502 = vector.extract_strided_slice %exp3A_499 {offsets = [0, 256], sizes = [2, 128], strides = [1, 1]} : vector<2x512xf32> to vector<2x128xf32>
      %slice3A_503 = vector.extract_strided_slice %exp3A_499 {offsets = [0, 384], sizes = [2, 128], strides = [1, 1]} : vector<2x512xf32> to vector<2x128xf32>
      %add3A_504 = arith.addf %slice3A_500, %slice3A_501 : vector<2x128xf32>
      %add3A_505 = arith.addf %slice3A_502, %slice3A_503 : vector<2x128xf32>
      %add3A_506 = arith.addf %add3A_504, %add3A_505 : vector<2x128xf32>
      %slice3A_507 = vector.extract_strided_slice %add3A_506 {offsets = [0, 0], sizes = [2, 64], strides = [1, 1]} : vector<2x128xf32> to vector<2x64xf32>
      %slice3A_508 = vector.extract_strided_slice %add3A_506 {offsets = [0, 64], sizes = [2, 64], strides = [1, 1]} : vector<2x128xf32> to vector<2x64xf32>
      %add3A_509 = arith.addf %slice3A_507, %slice3A_508 : vector<2x64xf32>
      %slice3A_510 = vector.extract_strided_slice %add3A_509 {offsets = [0, 0], sizes = [2, 32], strides = [1, 1]} : vector<2x64xf32> to vector<2x32xf32>
      %slice3A_511 = vector.extract_strided_slice %add3A_509 {offsets = [0, 32], sizes = [2, 32], strides = [1, 1]} : vector<2x64xf32> to vector<2x32xf32>
      %add3A_512 = arith.addf %slice3A_510, %slice3A_511 : vector<2x32xf32>
      %slice3A_513 = vector.extract_strided_slice %add3A_512 {offsets = [0, 0], sizes = [2, 16], strides = [1, 1]} : vector<2x32xf32> to vector<2x16xf32>
      %slice3A_514 = vector.extract_strided_slice %add3A_512 {offsets = [0, 16], sizes = [2, 16], strides = [1, 1]} : vector<2x32xf32> to vector<2x16xf32>
      %add3A_515 = arith.addf %slice3A_513, %slice3A_514 : vector<2x16xf32>
      %slice3A_516 = vector.extract_strided_slice %add3A_515 {offsets = [0, 0], sizes = [2, 8], strides = [1, 1]} : vector<2x16xf32> to vector<2x8xf32>
      %slice3A_517 = vector.extract_strided_slice %add3A_515 {offsets = [0, 8], sizes = [2, 8], strides = [1, 1]} : vector<2x16xf32> to vector<2x8xf32>
      %add3A_518 = arith.addf %slice3A_516, %slice3A_517 : vector<2x8xf32>
      %slice3A_519 = vector.extract_strided_slice %add3A_518 {offsets = [0, 0], sizes = [2, 4], strides = [1, 1]} : vector<2x8xf32> to vector<2x4xf32>
      %slice3A_520 = vector.extract_strided_slice %add3A_518 {offsets = [0, 4], sizes = [2, 4], strides = [1, 1]} : vector<2x8xf32> to vector<2x4xf32>
      %add3A_521 = arith.addf %slice3A_519, %slice3A_520 : vector<2x4xf32>
      %slice3A_522 = vector.extract_strided_slice %add3A_521 {offsets = [0, 0], sizes = [2, 2], strides = [1, 1]} : vector<2x4xf32> to vector<2x2xf32>
      %slice3A_523 = vector.extract_strided_slice %add3A_521 {offsets = [0, 2], sizes = [2, 2], strides = [1, 1]} : vector<2x4xf32> to vector<2x2xf32>
      %add3A_524 = arith.addf %slice3A_522, %slice3A_523 : vector<2x2xf32>
      %slice3A_525 = vector.extract_strided_slice %add3A_524 {offsets = [0, 0], sizes = [2, 1], strides = [1, 1]} : vector<2x2xf32> to vector<2x1xf32>
      %slice3A_526 = vector.extract_strided_slice %add3A_524 {offsets = [0, 1], sizes = [2, 1], strides = [1, 1]} : vector<2x2xf32> to vector<2x1xf32>
      %add3A_527 = arith.addf %slice3A_525, %slice3A_526 : vector<2x1xf32>
      %log3A_528 = math.log %add3A_527 : vector<2x1xf32>
      %sub3A_529 = vector.broadcast %log3A_528 : vector<2x1xf32> to vector<2x512xf32>
      %sub3A_530 = arith.subf %sub3A_498, %sub3A_529 : vector<2x512xf32>
      %exp3A_531 = math.exp %sub3A_530 : vector<2x512xf32>
      %get3A_532 = arith.constant 0 : index
      %get3A_533 = arith.constant 0 : index
      %get3A_534 = arith.constant 0 : index
      %get3A_535 = vector.load %arg7[%get3A_532, %get3A_533, %get3A_534] : memref<16x64x512xf32, #tpu.memory_space<vmem>>, vector<2x64x512xf32>
      %broadcast_in_dim3A_536 = vector.shape_cast %exp3A_531 : vector<2x512xf32> to vector<2x1x512xf32>
      %mul3A_537 = vector.broadcast %broadcast_in_dim3A_536 : vector<2x1x512xf32> to vector<2x64x512xf32>
      %mul3A_538 = arith.mulf %get3A_535, %mul3A_537 : vector<2x64x512xf32>
      %reduce_sum3A_539 = arith.constant dense<0.000000e+00> : vector<2x64xf32>
      %reduce_sum3A_540 = vector.multi_reduction <add>, %mul3A_538, %reduce_sum3A_539 [2] : vector<2x64x512xf32> to vector<2x64xf32>
      %convert_element_type3A_541 = arith.truncf %reduce_sum3A_540 : vector<2x64xf32> to vector<2x64xbf16>
      %swap3A_542 = arith.constant 0 : index
      %swap3A_543 = arith.constant 0 : index
      %swap3A_544 = vector.load %arg8[%swap3A_542, %swap3A_543] : memref<16x64xbf16, #tpu.memory_space<vmem>>, vector<2x64xbf16>
      tpu.vector_store %arg8[%swap3A_542, %swap3A_543], %convert_element_type3A_541 {strides = array<i32>} : memref<16x64xbf16, #tpu.memory_space<vmem>>, vector<2x64xbf16>,
      %swap3A_545 = arith.constant 0 : index
      %swap3A_546 = arith.constant 0 : index
      %swap3A_547 = vector.load %arg9[%swap3A_545, %swap3A_546] : memref<16x64xf32, #tpu.memory_space<vmem>>, vector<2x64xf32>
      tpu.vector_store %arg9[%swap3A_545, %swap3A_546], %tanh3A_475 {strides = array<i32>} : memref<16x64xf32, #tpu.memory_space<vmem>>, vector<2x64xf32>,
      %swap3A_548 = arith.index_cast %scan3A_446 : i32 to index
      %swap3A_549 = arith.constant 0 : index
      %swap3A_550 = arith.constant 0 : index
      %swap3A_551 = vector.load %arg5[%swap3A_548, %swap3A_549, %swap3A_550] : memref<512x16x512xf32, #tpu.memory_space<vmem>>, vector<1x2x512xf32>
      %swap3A_552 = vector.shape_cast %swap3A_551 : vector<1x2x512xf32> to vector<2x512xf32>
      %swap3A_553 = vector.shape_cast %sub3A_530 : vector<2x512xf32> to vector<1x2x512xf32>
      tpu.vector_store %arg5[%swap3A_548, %swap3A_549, %swap3A_550], %swap3A_553 {strides = array<i32>} : memref<512x16x512xf32, #tpu.memory_space<vmem>>, vector<1x2x512xf32>,
    }
    %scan3A_440 = arith.constant 34 : i32
    %scan3A_441 = arith.constant 478 : i32
    %scan3A_442 = arith.constant 34 : i32
    %scan3A_443 = arith.addi %scan3A_441, %scan3A_442 : i32
    %scan3A_444 = arith.constant 1 : i32
    scf.for %scan3A_446 = %scan3A_441 to %scan3A_443 step %scan3A_444  : i32 {
      %get3A_447 = arith.constant 0 : index
      %get3A_448 = arith.constant 0 : index
      %get3A_449 = vector.load %arg8[%get3A_447, %get3A_448] : memref<16x64xbf16, #tpu.memory_space<vmem>>, vector<1x64xbf16>
      %convert_element_type3A_450 = arith.extf %get3A_449 : vector<1x64xbf16> to vector<1x64xf32>
      %get3A_451 = arith.constant 0 : index
      %get3A_452 = arith.constant 0 : index
      %get3A_453 = vector.load %arg9[%get3A_451, %get3A_452] : memref<16x64xf32, #tpu.memory_space<vmem>>, vector<1x64xf32>
      %get3A_454 = arith.constant 0 : index
      %get3A_455 = arith.constant 0 : index
      %get3A_456 = vector.load %arg1[%get3A_454, %get3A_455] : memref<64x64xf32, #tpu.memory_space<vmem>>, vector<64x64xf32>
      %dot_general3A_457 = arith.constant dense<0.000000e+00> : vector<1x64xf32>
      %dot_general3A_458 = tpu.matmul %convert_element_type3A_450, %get3A_456, %dot_general3A_457 {dimension_numbers = #tpu.dot_dimension_numbers<[1], [0], [0], [1], [0, 0, 1, 1], [], []>, transpose_lhs_hint = false} : vector<1x64xf32>, vector<64x64xf32>, vector<1x64xf32> -> vector<1x64xf32>
      %get3A_459 = arith.constant 0 : index
      %get3A_460 = arith.constant 0 : index
      %get3A_461 = vector.load %arg3[%get3A_459, %get3A_460] : memref<1x64xf32, #tpu.memory_space<vmem>>, vector<1x64xf32>
      %add3A_462 = arith.addf %dot_general3A_458, %get3A_461 : vector<1x64xf32>
      %get3A_463 = arith.constant 0 : index
      %get3A_464 = arith.constant 0 : index
      %get3A_465 = vector.load %arg2[%get3A_463, %get3A_464] : memref<64x64xf32, #tpu.memory_space<vmem>>, vector<64x64xf32>
      %dot_general3A_466 = arith.constant dense<0.000000e+00> : vector<1x64xf32>
      %dot_general3A_467 = tpu.matmul %get3A_453, %get3A_465, %dot_general3A_466 {dimension_numbers = #tpu.dot_dimension_numbers<[1], [0], [0], [1], [0, 0, 1, 1], [], []>, transpose_lhs_hint = false} : vector<1x64xf32>, vector<64x64xf32>, vector<1x64xf32> -> vector<1x64xf32>
      %add3A_468 = arith.addf %add3A_462, %dot_general3A_467 : vector<1x64xf32>
      %get3A_469 = arith.constant 0 : index
      %get3A_470 = arith.constant 0 : index
      %get3A_471 = vector.load %arg4[%get3A_469, %get3A_470] : memref<1x64xf32, #tpu.memory_space<vmem>>, vector<1x64xf32>
      %add3A_472 = arith.addf %add3A_468, %get3A_471 : vector<1x64xf32>
      %tanh3A_473 = math.tanh %add3A_472 : vector<1x64xf32>
      %get3A_474 = arith.constant 0 : index
      %get3A_475 = arith.constant 0 : index
      %get3A_476 = arith.constant 0 : index
      %get3A_477 = vector.load %arg6[%get3A_474, %get3A_475, %get3A_476] : memref<16x512x64xf32, #tpu.memory_space<vmem>>, vector<1x512x64xf32>
      %reshape3A_478 = vector.shape_cast %get3A_477 : vector<1x512x64xf32> to vector<512x64xf32>
      %dot_general3A_479 = arith.constant dense<0.000000e+00> : vector<512x1xf32>
      %dot_general3A_480 = tpu.matmul %reshape3A_478, %tanh3A_473, %dot_general3A_479 {dimension_numbers = #tpu.dot_dimension_numbers<[1], [1], [0], [0], [0, 0, 1, 0], [], []>, transpose_lhs_hint = false} : vector<512x64xf32>, vector<1x64xf32>, vector<512x1xf32> -> vector<512x1xf32>
      %reshape3A_481 = vector.shape_cast %dot_general3A_480 : vector<512x1xf32> to vector<1x512x1xf32>
      %iota3A_482 = tpu.iota {dimensions = array<i32: 0>} : vector<1x1x1xi32>
      %iota3A_483 = tpu.iota {dimensions = array<i32: 2>} : vector<1x1x1xi32>
      %eq3A_484 = arith.cmpi eq, %iota3A_482, %iota3A_483 : vector<1x1x1xi32>
      %jit3A_485 = arith.constant 0.000000e+00 : f32
      %broadcast_in_dim3A_486 = vector.shape_cast %eq3A_484 : vector<1x1x1xi1> to vector<1x1x1xi1>
      %broadcast_in_dim3A_487 = vector.broadcast %broadcast_in_dim3A_486 : vector<1x1x1xi1> to vector<1x512x1xi1>
      %broadcast_in_dim3A_488 = vector.broadcast %jit3A_485 : f32 to vector<1x512x1xf32>
      %select_n3A_489 = arith.select %broadcast_in_dim3A_487, %reshape3A_481, %broadcast_in_dim3A_488 : vector<1x512x1xi1>, vector<1x512x1xf32>
      %reduce_sum3A_490 = arith.constant dense<0.000000e+00> : vector<1x512xf32>
      %reduce_sum3A_491 = vector.multi_reduction <add>, %select_n3A_489, %reduce_sum3A_490 [2] : vector<1x512x1xf32> to vector<1x512xf32>
      %reduce_max3A_492 = arith.constant dense<0xFF800000> : vector<1xf32>
      %reduce_max3A_493 = vector.multi_reduction <maximumf>, %reduce_sum3A_491, %reduce_max3A_492 [1] : vector<1x512xf32> to vector<1xf32>
      %broadcast_in_dim3A_494 = vector.shape_cast %reduce_max3A_493 : vector<1xf32> to vector<1x1xf32>
      %sub3A_495 = vector.broadcast %broadcast_in_dim3A_494 : vector<1x1xf32> to vector<1x512xf32>
      %sub3A_496 = arith.subf %reduce_sum3A_491, %sub3A_495 : vector<1x512xf32>
      %exp3A_497 = math.exp %sub3A_496 : vector<1x512xf32>
      %slice3A_498 = vector.extract_strided_slice %exp3A_497 {offsets = [0, 0], sizes = [1, 128], strides = [1, 1]} : vector<1x512xf32> to vector<1x128xf32>
      %slice3A_499 = vector.extract_strided_slice %exp3A_497 {offsets = [0, 128], sizes = [1, 128], strides = [1, 1]} : vector<1x512xf32> to vector<1x128xf32>
      %slice3A_500 = vector.extract_strided_slice %exp3A_497 {offsets = [0, 256], sizes = [1, 128], strides = [1, 1]} : vector<1x512xf32> to vector<1x128xf32>
      %slice3A_501 = vector.extract_strided_slice %exp3A_497 {offsets = [0, 384], sizes = [1, 128], strides = [1, 1]} : vector<1x512xf32> to vector<1x128xf32>
      %add3A_502 = arith.addf %slice3A_498, %slice3A_499 : vector<1x128xf32>
      %add3A_503 = arith.addf %slice3A_500, %slice3A_501 : vector<1x128xf32>
      %add3A_504 = arith.addf %add3A_502, %add3A_503 : vector<1x128xf32>
      %slice3A_505 = vector.extract_strided_slice %add3A_504 {offsets = [0, 0], sizes = [1, 64], strides = [1, 1]} : vector<1x128xf32> to vector<1x64xf32>
      %slice3A_506 = vector.extract_strided_slice %add3A_504 {offsets = [0, 64], sizes = [1, 64], strides = [1, 1]} : vector<1x128xf32> to vector<1x64xf32>
      %add3A_507 = arith.addf %slice3A_505, %slice3A_506 : vector<1x64xf32>
      %slice3A_508 = vector.extract_strided_slice %add3A_507 {offsets = [0, 0], sizes = [1, 32], strides = [1, 1]} : vector<1x64xf32> to vector<1x32xf32>
      %slice3A_509 = vector.extract_strided_slice %add3A_507 {offsets = [0, 32], sizes = [1, 32], strides = [1, 1]} : vector<1x64xf32> to vector<1x32xf32>
      %add3A_510 = arith.addf %slice3A_508, %slice3A_509 : vector<1x32xf32>
      %slice3A_511 = vector.extract_strided_slice %add3A_510 {offsets = [0, 0], sizes = [1, 16], strides = [1, 1]} : vector<1x32xf32> to vector<1x16xf32>
      %slice3A_512 = vector.extract_strided_slice %add3A_510 {offsets = [0, 16], sizes = [1, 16], strides = [1, 1]} : vector<1x32xf32> to vector<1x16xf32>
      %add3A_513 = arith.addf %slice3A_511, %slice3A_512 : vector<1x16xf32>
      %slice3A_514 = vector.extract_strided_slice %add3A_513 {offsets = [0, 0], sizes = [1, 8], strides = [1, 1]} : vector<1x16xf32> to vector<1x8xf32>
      %slice3A_515 = vector.extract_strided_slice %add3A_513 {offsets = [0, 8], sizes = [1, 8], strides = [1, 1]} : vector<1x16xf32> to vector<1x8xf32>
      %add3A_516 = arith.addf %slice3A_514, %slice3A_515 : vector<1x8xf32>
      %slice3A_517 = vector.extract_strided_slice %add3A_516 {offsets = [0, 0], sizes = [1, 4], strides = [1, 1]} : vector<1x8xf32> to vector<1x4xf32>
      %slice3A_518 = vector.extract_strided_slice %add3A_516 {offsets = [0, 4], sizes = [1, 4], strides = [1, 1]} : vector<1x8xf32> to vector<1x4xf32>
      %add3A_519 = arith.addf %slice3A_517, %slice3A_518 : vector<1x4xf32>
      %slice3A_520 = vector.extract_strided_slice %add3A_519 {offsets = [0, 0], sizes = [1, 2], strides = [1, 1]} : vector<1x4xf32> to vector<1x2xf32>
      %slice3A_521 = vector.extract_strided_slice %add3A_519 {offsets = [0, 2], sizes = [1, 2], strides = [1, 1]} : vector<1x4xf32> to vector<1x2xf32>
      %add3A_522 = arith.addf %slice3A_520, %slice3A_521 : vector<1x2xf32>
      %slice3A_523 = vector.extract_strided_slice %add3A_522 {offsets = [0, 0], sizes = [1, 1], strides = [1, 1]} : vector<1x2xf32> to vector<1x1xf32>
      %slice3A_524 = vector.extract_strided_slice %add3A_522 {offsets = [0, 1], sizes = [1, 1], strides = [1, 1]} : vector<1x2xf32> to vector<1x1xf32>
      %add3A_525 = arith.addf %slice3A_523, %slice3A_524 : vector<1x1xf32>
      %log3A_526 = math.log %add3A_525 : vector<1x1xf32>
      %sub3A_527 = vector.broadcast %log3A_526 : vector<1x1xf32> to vector<1x512xf32>
      %sub3A_528 = arith.subf %sub3A_496, %sub3A_527 : vector<1x512xf32>
      %exp3A_529 = math.exp %sub3A_528 : vector<1x512xf32>
      %get3A_530 = arith.constant 0 : index
      %get3A_531 = arith.constant 0 : index
      %get3A_532 = arith.constant 0 : index
      %get3A_533 = vector.load %arg7[%get3A_530, %get3A_531, %get3A_532] : memref<16x64x512xf32, #tpu.memory_space<vmem>>, vector<1x64x512xf32>
      %broadcast_in_dim3A_534 = vector.shape_cast %exp3A_529 : vector<1x512xf32> to vector<1x1x512xf32>
      %mul3A_535 = vector.broadcast %broadcast_in_dim3A_534 : vector<1x1x512xf32> to vector<1x64x512xf32>
      %mul3A_536 = arith.mulf %get3A_533, %mul3A_535 : vector<1x64x512xf32>
      %reduce_sum3A_537 = arith.constant dense<0.000000e+00> : vector<1x64xf32>
      %reduce_sum3A_538 = vector.multi_reduction <add>, %mul3A_536, %reduce_sum3A_537 [2] : vector<1x64x512xf32> to vector<1x64xf32>
      %convert_element_type3A_539 = arith.truncf %reduce_sum3A_538 : vector<1x64xf32> to vector<1x64xbf16>
      %swap3A_540 = arith.constant 0 : index
      %swap3A_541 = arith.constant 0 : index
      %swap3A_542 = vector.load %arg8[%swap3A_540, %swap3A_541] : memref<16x64xbf16, #tpu.memory_space<vmem>>, vector<1x64xbf16>
      tpu.vector_store %arg8[%swap3A_540, %swap3A_541], %convert_element_type3A_539 {strides = array<i32>} : memref<16x64xbf16, #tpu.memory_space<vmem>>, vector<1x64xbf16>,
      %swap3A_543 = arith.constant 0 : index
      %swap3A_544 = arith.constant 0 : index
      %swap3A_545 = vector.load %arg9[%swap3A_543, %swap3A_544] : memref<16x64xf32, #tpu.memory_space<vmem>>, vector<1x64xf32>
      tpu.vector_store %arg9[%swap3A_543, %swap3A_544], %tanh3A_473 {strides = array<i32>} : memref<16x64xf32, #tpu.memory_space<vmem>>, vector<1x64xf32>,
      %swap3A_546 = arith.index_cast %scan3A_446 : i32 to index
      %swap3A_547 = arith.constant 0 : index
      %swap3A_548 = arith.constant 0 : index
      %swap3A_549 = vector.load %arg5[%swap3A_546, %swap3A_547, %swap3A_548] : memref<512x16x512xf32, #tpu.memory_space<vmem>>, vector<1x1x512xf32>
      %swap3A_550 = vector.shape_cast %swap3A_549 : vector<1x1x512xf32> to vector<1x512xf32>
      %swap3A_551 = vector.shape_cast %sub3A_528 : vector<1x512xf32> to vector<1x1x512xf32>
      tpu.vector_store %arg5[%swap3A_546, %swap3A_547, %swap3A_548], %swap3A_551 {strides = array<i32>} : memref<512x16x512xf32, #tpu.memory_space<vmem>>, vector<1x1x512xf32>,
    }
    %scan3A_445 = arith.constant 34 : i32
    return
  }
}

</mosaic_0001>

<sc_bundles>
// kernel: kernel.5.cloned.1.call-start
scs
__scs_entry_jumppad:
0x0: {  	(pc) =	sbr.rel $0x88, $3  }
0x1: {  	(tag) =	ssettag $0x0;
	lr =	simm.s32 $0x1  }
0x2: {  	[smem:$0x3F9B] =	sst lr;
	_ =	strace $0xD0000000  }
0x3: {  	_ = 	snop  }
0x4: {  	_ = 	snop  }
0x5: {  	_ = 	snop  }
0x6: {  	_ = 	snop  }
0x7: {  	_ = 	snop  }
__scs_overlays_trampoline_lowered:
0x8: {  	[smem:$0x3FAA] =	sst s0  }
0x9: {  	[smem:$0x3FAB] =	sst s1  }
0xa: {  	[smem:$0x3FAC] =	sst s2  }
0xb: {  	[smem:$0x3FAD] =	sst s3  }
0xc: {  	[smem:$0x3FAE] =	sst s4  }
0xd: {  	[smem:$0x3FAF] =	sst s5  }
0xe: {  	[smem:$0x3FB0] =	sst s6  }
0xf: {  	[smem:$0x3FB1] =	sst s7  }
0x10: {  	[smem:$0x3FB2] =	sst s8  }
0x11: {  	[smem:$0x3FB3] =	sst s9;
	s0 =	simm.s32 @!p0 $0x0  }
0x12: {  	s1 =	sld [smem:$0x3F99];
	s0 =	simm.s32 @p0 $0x1  }
0x13: {  	[smem:$0x3FB4] =	sst s0;
	s0 =	simm.s32 @!p1 $0x0  }
0x14: {  	s2 =	sld [smem:$0x3F98];
	s0 =	simm.s32 @p1 $0x1  }
0x15: {  	[smem:$0x3FB5] =	sst s0;
	s0 =	simm.s32 @!p2 $0x0  }
0x16: {  	s3 =	sld [smem:$0x3FDB];
	s0 =	simm.s32 @p2 $0x1  }
0x17: {  	s4 =	simm.s32 $0x1BF5;
	[smem:$0x3FB7] =	sst s0  }
0x18: {  	s0 =	sld [smem:$0x3F9A];
	_ =	swait.ge [sflag:s4], $0x0  }
0x19: {  	s7 =	sld [smem:$0x3F9B]  }
0x1a: {  	s8 =	sadd.s32 $0xFFFFE003, lr  }
0x1b: {  	s9 =	sadd.s32 $0xFFFFFEF7, lr;
	s5 =	simm.s32 $0xFFFFFFFF;
	p2 =	slt.u32 s8, $0xFFFFF086  }
0x1c: {  	p1 =	slt.u32 s9, $0xF7A;
	s5 =	simm.s32 @!p2 $0x0  }
0x1d: {  	s5 =	simm.s32 @p1 $0x1;
	p0 =	seq.s32 s7, s2  }
0x1e: {  	s7 =	smul.u32 @!p0 $0xF7A, s2;
	p2 =	seq.s32 @!p0 s5, $0x0  }
0x1f: {  	s9 =	smul.u32 $0xF7A, s1;
	s8 =	simm.s32 @!p0 $0x1BF5;
	p2 =	por !p2, p0  }
0x20: {  	[sflag:s8] =	ssyncset.s32 @!p0 $0xFFFFF086;
	s6 =	sadd.s32 @!p0 s3, s7;
	s7 =	simm.s32 @!p0 $0x108  }
0x21: {  	s3 =	sadd.s32 s3, s9;
	s6 =	sadd.s32 @!p0 $0x88, s6;
	s7 =	simm.s32 @p2 $0x1082  }
0x22: {  	[simem:s7], [sflag:s8] =	dma.local @!p0 [hbm:s6], $0xF7A  }
0x23: {  	s9 =	sor.u32 $0xD0000000, s2;
	s6 =	simm.s32 $0x108;
	_ =	swait.ge @!p0 [sflag:s8], $0x0  }
0x24: {  	s3 =	sadd.s32 $0x88, s3;
	s6 =	simm.s32 @!p1 $0x1082;
	[sflag:s4] =	ssyncset.s32 $0xFFFFF086  }
0x25: {  	[simem:s6], [sflag:s4] =	dma.local [hbm:s3], $0xF7A  }
0x26: {  	[smem:$0x3F9B] =	sst s1;
	(tag) =	ssettag s2;
	_ =	strace s9  }
0x27: {  	s1 =	sld [smem:$0x3FAB]  }
0x28: {  	s2 =	sld [smem:$0x3FAC]  }
0x29: {  	s4 =	sld [smem:$0x3FAE]  }
0x2a: {  	p0 =	seq.s32 s5, $0x0;
	s5 =	sld [smem:$0x3FAF]  }
0x2b: {  	s6 =	sld [smem:$0x3FB0]  }
0x2c: {  	s7 =	sld [smem:$0x3FB1]  }
0x2d: {  	s3 =	simm.s32 $0x108;
	s8 =	sld [smem:$0x3FB2]  }
0x2e: {  	s3 =	simm.s32 @!p0 $0x1082;
	s9 =	sld [smem:$0x3FB3]  }
0x2f: {  	lr =	sadd.s32 s0, s3;
	s0 =	sld [smem:$0x3FAA]  }
0x30: {  	s3 =	sld [smem:$0x3FAD]  }
0x31: {  	[smem:$0x3FB6] =	sst s10  }
0x32: {  	s10 =	sld [smem:$0x3FB4];
	_ =	sdelay $0x3  }
0x33: {  	p0 =	seq.s32 s10, $0x1;
	s10 =	sld [smem:$0x3FB6];
	_ =	sdelay $0x3  }
0x34: {  	[smem:$0x3FB6] =	sst s10  }
0x35: {  	s10 =	sld [smem:$0x3FB5];
	_ =	sdelay $0x3  }
0x36: {  	p1 =	seq.s32 s10, $0x1;
	s10 =	sld [smem:$0x3FB6];
	_ =	sdelay $0x3  }
0x37: {  	[smem:$0x3FB6] =	sst s10  }
0x38: {  	s10 =	sld [smem:$0x3FB7]  }
0x39: {  	_ = 	snop;
	(pc) =	sbr.ind lr, $3  }
0x3a: {  	_ = 	snop  }
0x3b: {  	_ = 	snop  }
0x3c: {  	p2 =	seq.s32 s10, $0x1;
	s10 =	sld [smem:$0x3FB6]  }
0x3d: {  	_ =	shalt  }
0x3e: {  	_ =	shalt  }
0x3f: {  	_ =	shalt  }
0x40: {  	_ =	shalt  }
0x41: {  	_ =	shalt  }
0x42: {  	_ =	shalt  }
0x43: {  	_ =	shalt  }
0x44: {  	_ =	shalt  }
0x45: {  	_ =	shalt  }
0x46: {  	_ =	shalt  }
0x47: {  	_ =	shalt  }
0x48: {  	_ =	shalt  }
0x49: {  	_ =	shalt  }
0x4a: {  	_ =	shalt  }
0x4b: {  	_ =	shalt  }
0x4c: {  	_ =	shalt  }
0x4d: {  	_ =	shalt  }
0x4e: {  	_ =	shalt  }
0x4f: {  	_ =	shalt  }
0x50: {  	_ =	shalt  }
0x51: {  	_ =	shalt  }
0x52: {  	_ =	shalt  }
0x53: {  	_ =	shalt  }
0x54: {  	_ =	shalt  }
0x55: {  	_ =	shalt  }
0x56: {  	_ =	shalt  }
0x57: {  	_ =	shalt  }
0x58: {  	_ =	shalt  }
0x59: {  	_ =	shalt  }
0x5a: {  	_ =	shalt  }
0x5b: {  	_ =	shalt  }
0x5c: {  	_ =	shalt  }
0x5d: {  	_ =	shalt  }
0x5e: {  	_ =	shalt  }
0x5f: {  	_ =	shalt  }
0x60: {  	_ =	shalt  }
0x61: {  	_ =	shalt  }
0x62: {  	_ =	shalt  }
0x63: {  	_ =	shalt  }
0x64: {  	_ =	shalt  }
0x65: {  	_ =	shalt  }
0x66: {  	_ =	shalt  }
0x67: {  	_ =	shalt  }
0x68: {  	_ =	shalt  }
0x69: {  	_ =	shalt  }
0x6a: {  	_ =	shalt  }
0x6b: {  	_ =	shalt  }
0x6c: {  	_ =	shalt  }
0x6d: {  	_ =	shalt  }
0x6e: {  	_ =	shalt  }
0x6f: {  	_ =	shalt  }
0x70: {  	_ =	shalt  }
0x71: {  	_ =	shalt  }
0x72: {  	_ =	shalt  }
0x73: {  	_ =	shalt  }
0x74: {  	_ =	shalt  }
0x75: {  	_ =	shalt  }
0x76: {  	_ =	shalt  }
0x77: {  	_ =	shalt  }
0x78: {  	_ =	shalt  }
0x79: {  	_ =	shalt  }
0x7a: {  	_ =	shalt  }
0x7b: {  	_ =	shalt  }
0x7c: {  	_ =	shalt  }
0x7d: {  	_ =	shalt  }
0x7e: {  	_ =	shalt  }
0x7f: {  	_ =	shalt  }
0x80: {  	_ =	shalt  }
0x81: {  	_ =	shalt  }
0x82: {  	_ =	shalt  }
0x83: {  	_ =	shalt  }
0x84: {  	_ =	shalt  }
0x85: {  	_ =	shalt  }
0x86: {  	_ =	shalt  }
0x87: {  	_ =	shalt  }
.Lfunc_end0:
.L_simem_size_0:
called_computation_lowered:
.L_overlay_start_0:
0x88: {  	s2 =	sld [smem:$0x3FD9]  }
0x89: {  	s3 =	sld [smem:$0x3FFE];
	_ =	sdelay $0x1  }
0x8a: {  	s1 =	srdreg.scid  }
0x8b: {  	s0 =	sand.u32 $0x1, s1  }
0x8c: {  	s17 =	sshll.u32 s0, $0xA;
	s2 =	sadd.s32 s3, s2  }
0x8d: {  	s2 =	sadd.s32 s2, s17  }
0x8e: {  	[smem:$0x3FC2] =	sst s2  }
0x8f: {  	_ = 	snop  }
0x90: {  	s2 =	sld [smem:$0x3FC9]  }
0x91: {  	s18 =	sld [smem:$0x3FD0];
	(tm) =	ssettm $0x1  }
0x92: {  	s4 =	sld [smem:$0x3FFB];
	_ =	sdelay $0x3  }
0x93: {  	_ =	strace s4  }
0x94: {  	s4 =	sld [smem:$0x3FFC];
	_ =	sdelay $0x3  }
0x95: {  	_ =	strace s4  }
0x96: {  	s4 =	sld [smem:$0x3FFD];
	_ =	sdelay $0x3  }
0x97: {  	_ =	strace s4  }
0x98: {  	_ =	strace $0x8FFFFFFF  }
0x99: {  	s19 =	sld [smem:$0x3FDB];
	_ =	sdelay $0x1  }
0x9a: {  	s5 =	simm.s32 $_scs_section_size  }
0x9b: {  	s6 =	simm.s32 $_size__tile_overlayer_lowered;
	s7 =	simm.s32 $_tile_overlayer_lowered  }
0x9c: {  	s22 =	simm.s32 $0x1BFF;
	s21 =	sshll.u32 s7, $0x1;
	s4 =	sadd.s32 s5, s19  }
0x9d: {  	s8 =	simm.s32 $0x0;
	s20 =	sshll.u32 s6, $0x1;
	s6 =	sadd.s32 s21, s4  }
0x9e: {  	[timem:s8], [sflag:s22] =	dma.local [hbm:s6], s20  }
0x9f: {  	_ =	swait.ge [sflag:s22], s20  }
0xa0: {  	s5 =	ssub.s32 $0x0, s20;
	[sflag:s22] =	ssyncset.done $0x0  }
0xa1: {  	[sflag:s22] =	ssyncadd.s32 s5;
	_ =	sdelay $0x1  }
0xa2: {  	s23 =	simm.s32 $0x1B8B  }
0xa3: {  	_ =	swait.ge [sflag:s23], $0x1  }
0xa4: {  	[sflag:s23] =	ssyncset.done $0x0  }
0xa5: {  	s25 =	simm.s32 $0x1B8E;
	s24 =	sld [smem:$0x3FFE];
	[sflag:s23] =	ssyncadd.s32 $0xFFFFFFFF  }
0xa6: {  	s26 =	simm.s32 $execute0_lowered;
	[smem:$0x3FD2] =	sst s25  }
0xa7: {  	s6 =	sshll.u32 s26, $0x1;
	_ =	strace $0x80000046;
	[dreg:$0x1] =	wrdreg $0xFFFFFFFF  }
0xa8: {  	s28 =	simm.s32 $_size_execute0_lowered;
	s4 =	sadd.s32 s4, s6;
	[dreg:$0x0] =	wrdreg $0x0  }
0xa9: {  	s6 =	sshll.u32 s28, $0x1;
	[dreg:$0x2] =	wrdreg s4  }
0xaa: {  	[dreg:$0x3] =	wrdreg s6  }
0xab: {  	[dreg:$0x4] =	wrdreg $0xC0  }
0xac: {  	_ =	task [dreg:s8], $0x5FFFF  }
0xad: {  	[dreg:$0x1] =	wrdreg $0xFFFFFFFF  }
0xae: {  	[dreg:$0x0] =	wrdreg $0x60  }
0xaf: {  	[dreg:$0x2] =	wrdreg s2  }
0xb0: {  	[dreg:$0x3] =	wrdreg s24  }
0xb1: {  	[dreg:$0x4] =	wrdreg s18  }
0xb2: {  	[dreg:$0x5] =	wrdreg $0x9  }
0xb3: {  	_ =	task.clear_ibuf [dreg:s8], $0x6FFFF;
	_ =	strace $0x90000046  }
0xb4: {  	s29 =	simm.s32 $0x9;
	_ =	strace $0x80000048  }
0xb5: {  	_ =	swait.ge [sflag:s29], $0x1  }
0xb6: {  	[sflag:s29] =	ssyncadd.s32 $0xFFFFFFFF  }
0xb7: {  	_ =	strace $0x90000048  }
0xb8: {  	_ =	sfence  }
0xb9: {  	s30 =	sld [smem:$0x0];
	_ =	sdelay $0x2  }
0xba: {  	s31 =	sshll.u32 s1, $0xD;
	s1 =	sshrl.u32 s1, $0x2  }
0xbb: {  	s3 =	sand.u32 $0x4000, s31;
	s1 =	sadd.s32 s1, s30  }
0xbc: {  	s0 =	sor.u32 s3, s0;
	s1 =	sshll.u32 s1, $0x11  }
0xbd: {  	s0 =	sor.u32 s1, s0  }
0xbe: {  	s0 =	sadd.s32 $0x8F2B, s0  }
0xbf: {  	[sflag:s0] =	ssyncadd.remote.s32 $0x1  }
0xc0: {  	_ =	sfence.sel $0xFFFF  }
0xc1: {  	[dreg:$0x0] =	wrdreg $0xFFFFFFFF;
	(pc) =	sbr.abs _section_cstart, $3  }
0xc2: {  	[dreg:$0x1] =	wrdreg $0xFFFFFFFF  }
0xc3: {  	_ =	task.clear_ibuf [dreg:s8], $0x2FFFF;
	_ =	strace $0x9FFFFFFF  }
0xc4: {  	(tm) =	ssettm $0x7FFFFFFF  }
0xc5: {  	_ =	shalt  }
tec
execute0_lowered:
.L_overlay_start_1:
0x0: {  	(tag) =	ssettag $0x1  }
0x1: {  	s0 =	srdreg.scid  }
0x2: {  	s11 =	rddreg [dreg:$0x0];
	s17 =	sand.u32 $0x1, s0  }
0x3: {  	s15 =	rddreg [dreg:$0x1];
	s1 =	stileid.u32;
	s4 =	sshll.u32 s17, $0x4  }
0x4: {  	s2 =	rddreg [dreg:$0x2];
	s3 =	simm.s32 $0x0;
	s12 =	sor.u32 s1, s4  }
0x5: {  	s5 =	simm.s32 $0x2;
	[smem:$0x7FF] =	sst s3;
	s6 =	sshll.u32 s12, $0x4  }
0x6: {  	s0 =	rddreg [dreg:$0x3];
	_ =	strace $0x80000047;
	s4 =	sadd.s32 s11, s6  }
0x7: {  	[tilespmem:s3], [sflag:$0x2] =	stream.linear.gather [hbm4b:s4+s3], $0x80, $0x38;
	[tilespmem:$0x4A00] =	vst v63  }
0x8: {  	_ =	swait.ge [sflag:s5], $0x80  }
0x9: {  	s6 =	sadd.s32 s6, s15;
	[sflag:s5] =	ssyncset.done $0x0  }
0xa: {  	s7 =	simm.s32 $0x80;
	s6 =	sadd.s32 $0x1800, s6;
	[sflag:s5] =	ssyncadd.s32 $0xFFFFFF80  }
0xb: {  	[tilespmem:s7], [sflag:$0x2] =	stream.linear.gather [hbm4b:s6+s3], $0x80, $0x38;
	[tilespmem:$0x4A00] =	vst v63  }
0xc: {  	_ =	swait.ge [sflag:s5], $0x80  }
0xd: {  	s9 =	simm.s32 $0x100;
	[sflag:s5] =	ssyncset.done $0x0  }
0xe: {  	s10 =	simm.s32 $0x1;
	s8 =	sadd.s32 $0x188200, s15;
	[sflag:s5] =	ssyncadd.s32 $0xFFFFFF80  }
0xf: {  	[tilespmem:s9], [sflag:$0x1] =	stream.indirect.gather [hbm4b:s8+s7], $0x80, s3, s7, $0xb8;
	[tilespmem:$0x4A00] =	vst v63  }
0x10: {  	_ =	swait.ge [sflag:s10], $0x4000  }
0x11: {  	[sflag:s10] =	ssyncset.done $0x0  }
0x12: {  	[sflag:s10] =	ssyncadd.s32 $0xFFFFC000  }
0x13: {  	[hbm4b:s2+s7] =	stream.indirect.scatter [tilespmem:s9], [sflag:$0x2], $0x80, s7, s7, $0xb8;
	[tilespmem:$0x4A00] =	vst v63  }
0x14: {  	p0 =	sne.s32 s12, $0x1F;
	_ =	swait.ge [sflag:s5], $0x4000  }
0x15: {  	s12 =	sadd.s32 $0x200, s11;
	s11 =	simm.s32 @!p0 $0x2;
	[sflag:s5] =	ssyncset.done $0x0  }
0x16: {  	s13 =	simm.s32 @!p0 $0x0;
	s14 =	simm.s32 @!p0 $0x4100;
	[sflag:s5] =	ssyncadd.s32 $0xFFFFC000  }
0x17: {  	[tilespmem:s14], [sflag:$0x2] =	stream.linear.gather @!p0 [hbm4b:s12+s13], $0x10, $0x38;
	[tilespmem:$0x4A00] =	vst v63  }
0x18: {  	s20 =	ssub.s32 $0x2, s17;
	_ =	swait.ge @!p0 [sflag:s11], $0x10  }
0x19: {  	s21 =	sshrl.u32 s20, $0x1;
	[sflag:s11] =	ssyncset.done @!p0 $0x0  }
0x1a: {  	s15 =	sadd.s32 $0x1A00, s15;
	s16 =	simm.s32 @!p0 $0x4180;
	[sflag:s11] =	ssyncadd.s32 @!p0 $0xFFFFFFF0  }
0x1b: {  	[tilespmem:s16], [sflag:$0x2] =	stream.linear.gather @!p0 [hbm4b:s15+s13], $0x10, $0x38;
	[tilespmem:$0x4A00] =	vst v63  }
0x1c: {  	s20 =	ssub.s32 s20, s21;
	s17 =	simm.s32 @!p0 $0x1;
	_ =	swait.ge @!p0 [sflag:s11], $0x10  }
0x1d: {  	s18 =	simm.s32 @!p0 $0x10;
	s20 =	smax.u32 s20, $0x1;
	[sflag:s11] =	ssyncset.done @!p0 $0x0  }
0x1e: {  	s19 =	simm.s32 @!p0 $0x4200;
	s20 =	sadd.s32 $0xFFFFFFFF, s20;
	[sflag:s11] =	ssyncadd.s32 @!p0 $0xFFFFFFF0  }
0x1f: {  	[tilespmem:s19], [sflag:$0x1] =	stream.indirect.gather @!p0 [hbm4b:s8+s18], $0x80, s14, s18, $0xb8;
	[tilespmem:$0x4A00] =	vst v63  }
0x20: {  	p1 =	sne.s32 s20, $0x0;
	_ =	swait.ge @!p0 [sflag:s17], $0x800  }
.Ltmp0:
0x21: {  	[sflag:s17] =	ssyncset.done @!p0 $0x0;
	(pc) =	sbr.rel @!p1 .LBB2_2-.Ltmp0, $4  }
0x22: {  	[sflag:s17] =	ssyncadd.s32 @!p0 $0xFFFFF800  }
0x23: {  	[hbm4b:s2+s18] =	stream.indirect.scatter @!p0 [tilespmem:s19], [sflag:$0x2], $0x80, s16, s18, $0xb8;
	[tilespmem:$0x4A00] =	vst v63  }
0x24: {  	_ =	swait.ge @!p0 [sflag:s11], $0x800  }
0x25: {  	[sflag:s11] =	ssyncset.done @!p0 $0x0  }
.LBB2_1:
0x26: {  	s20 =	sadd.s32 $0xFFFFFFFF, s20;
	[sflag:s11] =	ssyncadd.s32 @!p0 $0xFFFFF800  }
0x27: {  	[tilespmem:s3], [sflag:$0x2] =	stream.linear.gather [hbm4b:s4+s3], $0x80, $0x38;
	[tilespmem:$0x4A00] =	vst v63  }
0x28: {  	p1 =	sne.s32 s20, $0x0;
	_ =	swait.ge [sflag:s5], $0x80  }
0x29: {  	[sflag:s5] =	ssyncset.done $0x0  }
0x2a: {  	[sflag:s5] =	ssyncadd.s32 $0xFFFFFF80  }
0x2b: {  	[tilespmem:s7], [sflag:$0x2] =	stream.linear.gather [hbm4b:s6+s3], $0x80, $0x38;
	[tilespmem:$0x4A00] =	vst v63  }
0x2c: {  	_ =	swait.ge [sflag:s5], $0x80  }
0x2d: {  	[sflag:s5] =	ssyncset.done $0x0  }
0x2e: {  	[sflag:s5] =	ssyncadd.s32 $0xFFFFFF80  }
0x2f: {  	[tilespmem:s9], [sflag:$0x1] =	stream.indirect.gather [hbm4b:s8+s7], $0x80, s3, s7, $0xb8;
	[tilespmem:$0x4A00] =	vst v63  }
0x30: {  	_ =	swait.ge [sflag:s10], $0x4000  }
0x31: {  	[sflag:s10] =	ssyncset.done $0x0  }
0x32: {  	[sflag:s10] =	ssyncadd.s32 $0xFFFFC000  }
0x33: {  	[hbm4b:s2+s7] =	stream.indirect.scatter [tilespmem:s9], [sflag:$0x2], $0x80, s7, s7, $0xb8;
	[tilespmem:$0x4A00] =	vst v63  }
0x34: {  	_ =	swait.ge [sflag:s5], $0x4000  }
0x35: {  	[sflag:s5] =	ssyncset.done $0x0  }
0x36: {  	[sflag:s5] =	ssyncadd.s32 $0xFFFFC000  }
0x37: {  	[tilespmem:s14], [sflag:$0x2] =	stream.linear.gather @!p0 [hbm4b:s12+s13], $0x10, $0x38;
	[tilespmem:$0x4A00] =	vst v63  }
0x38: {  	_ =	swait.ge @!p0 [sflag:s11], $0x10  }
0x39: {  	[sflag:s11] =	ssyncset.done @!p0 $0x0  }
0x3a: {  	[sflag:s11] =	ssyncadd.s32 @!p0 $0xFFFFFFF0  }
0x3b: {  	[tilespmem:s16], [sflag:$0x2] =	stream.linear.gather @!p0 [hbm4b:s15+s13], $0x10, $0x38;
	[tilespmem:$0x4A00] =	vst v63  }
0x3c: {  	_ =	swait.ge @!p0 [sflag:s11], $0x10  }
0x3d: {  	[sflag:s11] =	ssyncset.done @!p0 $0x0  }
0x3e: {  	[sflag:s11] =	ssyncadd.s32 @!p0 $0xFFFFFFF0  }
0x3f: {  	[tilespmem:s19], [sflag:$0x1] =	stream.indirect.gather @!p0 [hbm4b:s8+s18], $0x80, s14, s18, $0xb8;
	[tilespmem:$0x4A00] =	vst v63  }
0x40: {  	_ =	swait.ge @!p0 [sflag:s17], $0x800  }
.Ltmp1:
0x41: {  	[sflag:s17] =	ssyncset.done @!p0 $0x0;
	(pc) =	sbr.rel @p1 .LBB2_1-.Ltmp1, $4  }
0x42: {  	[sflag:s17] =	ssyncadd.s32 @!p0 $0xFFFFF800  }
0x43: {  	[hbm4b:s2+s18] =	stream.indirect.scatter @!p0 [tilespmem:s19], [sflag:$0x2], $0x80, s16, s18, $0xb8;
	[tilespmem:$0x4A00] =	vst v63  }
0x44: {  	_ =	swait.ge @!p0 [sflag:s11], $0x800  }
0x45: {  	[sflag:s11] =	ssyncset.done @!p0 $0x0  }
.LBB2_2:
0x46: {  	[sflag:s11] =	ssyncadd.s32 @!p0 $0xFFFFF800  }
0x47: {  	_ =	sfence.sel $0x180000  }
0x48: {  	[bflag:$0x0] =	sbarrier.arrive $0xFFFF  }
0x49: {  	p0 =	sne.s32 s1, $0x0;
	_ =	strace $0x90000047  }
0x4a: {  	s0 =	sadd.s32 @!p0 $0x100000, s0;
	[bflag:$0x2] =	sbarrier.arrive $0xFFFF  }
0x4b: {  	[sflag:s0] =	ssyncadd.tile.s32 @!p0 $0x1;
	_ =	shalt  }
.Lfunc_end2:
_tile_overlayer_lowered:
.L_overlay_start_2:
0x4c: {  	(tag) =	ssettag $0x2  }
0x4d: {  	s0 =	rddreg [dreg:$0x0];
	s2 =	stileid.u32  }
0x4e: {  	s1 =	rddreg [dreg:$0x1];
	p0 =	sne.s32 s2, $0x0  }
0x4f: {  	s3 =	rddreg [dreg:$0x2];
	[bflag:$0x3] =	sbarrier.arrive $0xFFFF;
	s2 =	simm.s32 @!p0 $0x1C02  }
0x50: {  	[timem:s3], [sflag:s2] =	dma.local @!p0 [hbm:s0], s1  }
0x51: {  	s0 =	simm.s32 @!p0 $0x2  }
0x52: {  	_ =	swait.ge @!p0 [sflag:s0], s1  }
0x53: {  	s1 =	ssub.s32 @!p0 $0x0, s1;
	[sflag:s0] =	ssyncset.done @!p0 $0x0  }
0x54: {  	[sflag:s0] =	ssyncadd.s32 @!p0 s1  }
0x55: {  	[bflag:$0x3] =	sbarrier.arrive $0xFFFF  }
0x56: {  	_ =	shalt  }

// kernel: kernel.8.cloned.1.call-start
scs
__scs_entry_jumppad:
0x0: {  	(pc) =	sbr.rel $0x88, $3  }
0x1: {  	(tag) =	ssettag $0x0;
	lr =	simm.s32 $0x1  }
0x2: {  	[smem:$0x3F9B] =	sst lr;
	_ =	strace $0xD0000000  }
0x3: {  	_ = 	snop  }
0x4: {  	_ = 	snop  }
0x5: {  	_ = 	snop  }
0x6: {  	_ = 	snop  }
0x7: {  	_ = 	snop  }
__scs_overlays_trampoline_lowered:
0x8: {  	[smem:$0x3FAA] =	sst s0  }
0x9: {  	[smem:$0x3FAB] =	sst s1  }
0xa: {  	[smem:$0x3FAC] =	sst s2  }
0xb: {  	[smem:$0x3FAD] =	sst s3  }
0xc: {  	[smem:$0x3FAE] =	sst s4  }
0xd: {  	[smem:$0x3FAF] =	sst s5  }
0xe: {  	[smem:$0x3FB0] =	sst s6  }
0xf: {  	[smem:$0x3FB1] =	sst s7  }
0x10: {  	[smem:$0x3FB2] =	sst s8  }
0x11: {  	[smem:$0x3FB3] =	sst s9;
	s0 =	simm.s32 @!p0 $0x0  }
0x12: {  	s1 =	sld [smem:$0x3F99];
	s0 =	simm.s32 @p0 $0x1  }
0x13: {  	[smem:$0x3FB4] =	sst s0;
	s0 =	simm.s32 @!p1 $0x0  }
0x14: {  	s2 =	sld [smem:$0x3F98];
	s0 =	simm.s32 @p1 $0x1  }
0x15: {  	[smem:$0x3FB5] =	sst s0;
	s0 =	simm.s32 @!p2 $0x0  }
0x16: {  	s3 =	sld [smem:$0x3FDB];
	s0 =	simm.s32 @p2 $0x1  }
0x17: {  	s4 =	simm.s32 $0x1BF5;
	[smem:$0x3FB7] =	sst s0  }
0x18: {  	s0 =	sld [smem:$0x3F9A];
	_ =	swait.ge [sflag:s4], $0x0  }
0x19: {  	s7 =	sld [smem:$0x3F9B]  }
0x1a: {  	s8 =	sadd.s32 $0xFFFFE003, lr  }
0x1b: {  	s9 =	sadd.s32 $0xFFFFFEF7, lr;
	s5 =	simm.s32 $0xFFFFFFFF;
	p2 =	slt.u32 s8, $0xFFFFF086  }
0x1c: {  	p1 =	slt.u32 s9, $0xF7A;
	s5 =	simm.s32 @!p2 $0x0  }
0x1d: {  	s5 =	simm.s32 @p1 $0x1;
	p0 =	seq.s32 s7, s2  }
0x1e: {  	s7 =	smul.u32 @!p0 $0xF7A, s2;
	p2 =	seq.s32 @!p0 s5, $0x0  }
0x1f: {  	s9 =	smul.u32 $0xF7A, s1;
	s8 =	simm.s32 @!p0 $0x1BF5;
	p2 =	por !p2, p0  }
0x20: {  	[sflag:s8] =	ssyncset.s32 @!p0 $0xFFFFF086;
	s6 =	sadd.s32 @!p0 s3, s7;
	s7 =	simm.s32 @!p0 $0x108  }
0x21: {  	s3 =	sadd.s32 s3, s9;
	s6 =	sadd.s32 @!p0 $0x88, s6;
	s7 =	simm.s32 @p2 $0x1082  }
0x22: {  	[simem:s7], [sflag:s8] =	dma.local @!p0 [hbm:s6], $0xF7A  }
0x23: {  	s9 =	sor.u32 $0xD0000000, s2;
	s6 =	simm.s32 $0x108;
	_ =	swait.ge @!p0 [sflag:s8], $0x0  }
0x24: {  	s3 =	sadd.s32 $0x88, s3;
	s6 =	simm.s32 @!p1 $0x1082;
	[sflag:s4] =	ssyncset.s32 $0xFFFFF086  }
0x25: {  	[simem:s6], [sflag:s4] =	dma.local [hbm:s3], $0xF7A  }
0x26: {  	[smem:$0x3F9B] =	sst s1;
	(tag) =	ssettag s2;
	_ =	strace s9  }
0x27: {  	s1 =	sld [smem:$0x3FAB]  }
0x28: {  	s2 =	sld [smem:$0x3FAC]  }
0x29: {  	s4 =	sld [smem:$0x3FAE]  }
0x2a: {  	p0 =	seq.s32 s5, $0x0;
	s5 =	sld [smem:$0x3FAF]  }
0x2b: {  	s6 =	sld [smem:$0x3FB0]  }
0x2c: {  	s7 =	sld [smem:$0x3FB1]  }
0x2d: {  	s3 =	simm.s32 $0x108;
	s8 =	sld [smem:$0x3FB2]  }
0x2e: {  	s3 =	simm.s32 @!p0 $0x1082;
	s9 =	sld [smem:$0x3FB3]  }
0x2f: {  	lr =	sadd.s32 s0, s3;
	s0 =	sld [smem:$0x3FAA]  }
0x30: {  	s3 =	sld [smem:$0x3FAD]  }
0x31: {  	[smem:$0x3FB6] =	sst s10  }
0x32: {  	s10 =	sld [smem:$0x3FB4];
	_ =	sdelay $0x3  }
0x33: {  	p0 =	seq.s32 s10, $0x1;
	s10 =	sld [smem:$0x3FB6];
	_ =	sdelay $0x3  }
0x34: {  	[smem:$0x3FB6] =	sst s10  }
0x35: {  	s10 =	sld [smem:$0x3FB5];
	_ =	sdelay $0x3  }
0x36: {  	p1 =	seq.s32 s10, $0x1;
	s10 =	sld [smem:$0x3FB6];
	_ =	sdelay $0x3  }
0x37: {  	[smem:$0x3FB6] =	sst s10  }
0x38: {  	s10 =	sld [smem:$0x3FB7]  }
0x39: {  	_ = 	snop;
	(pc) =	sbr.ind lr, $3  }
0x3a: {  	_ = 	snop  }
0x3b: {  	_ = 	snop  }
0x3c: {  	p2 =	seq.s32 s10, $0x1;
	s10 =	sld [smem:$0x3FB6]  }
0x3d: {  	_ =	shalt  }
0x3e: {  	_ =	shalt  }
0x3f: {  	_ =	shalt  }
0x40: {  	_ =	shalt  }
0x41: {  	_ =	shalt  }
0x42: {  	_ =	shalt  }
0x43: {  	_ =	shalt  }
0x44: {  	_ =	shalt  }
0x45: {  	_ =	shalt  }
0x46: {  	_ =	shalt  }
0x47: {  	_ =	shalt  }
0x48: {  	_ =	shalt  }
0x49: {  	_ =	shalt  }
0x4a: {  	_ =	shalt  }
0x4b: {  	_ =	shalt  }
0x4c: {  	_ =	shalt  }
0x4d: {  	_ =	shalt  }
0x4e: {  	_ =	shalt  }
0x4f: {  	_ =	shalt  }
0x50: {  	_ =	shalt  }
0x51: {  	_ =	shalt  }
0x52: {  	_ =	shalt  }
0x53: {  	_ =	shalt  }
0x54: {  	_ =	shalt  }
0x55: {  	_ =	shalt  }
0x56: {  	_ =	shalt  }
0x57: {  	_ =	shalt  }
0x58: {  	_ =	shalt  }
0x59: {  	_ =	shalt  }
0x5a: {  	_ =	shalt  }
0x5b: {  	_ =	shalt  }
0x5c: {  	_ =	shalt  }
0x5d: {  	_ =	shalt  }
0x5e: {  	_ =	shalt  }
0x5f: {  	_ =	shalt  }
0x60: {  	_ =	shalt  }
0x61: {  	_ =	shalt  }
0x62: {  	_ =	shalt  }
0x63: {  	_ =	shalt  }
0x64: {  	_ =	shalt  }
0x65: {  	_ =	shalt  }
0x66: {  	_ =	shalt  }
0x67: {  	_ =	shalt  }
0x68: {  	_ =	shalt  }
0x69: {  	_ =	shalt  }
0x6a: {  	_ =	shalt  }
0x6b: {  	_ =	shalt  }
0x6c: {  	_ =	shalt  }
0x6d: {  	_ =	shalt  }
0x6e: {  	_ =	shalt  }
0x6f: {  	_ =	shalt  }
0x70: {  	_ =	shalt  }
0x71: {  	_ =	shalt  }
0x72: {  	_ =	shalt  }
0x73: {  	_ =	shalt  }
0x74: {  	_ =	shalt  }
0x75: {  	_ =	shalt  }
0x76: {  	_ =	shalt  }
0x77: {  	_ =	shalt  }
0x78: {  	_ =	shalt  }
0x79: {  	_ =	shalt  }
0x7a: {  	_ =	shalt  }
0x7b: {  	_ =	shalt  }
0x7c: {  	_ =	shalt  }
0x7d: {  	_ =	shalt  }
0x7e: {  	_ =	shalt  }
0x7f: {  	_ =	shalt  }
0x80: {  	_ =	shalt  }
0x81: {  	_ =	shalt  }
0x82: {  	_ =	shalt  }
0x83: {  	_ =	shalt  }
0x84: {  	_ =	shalt  }
0x85: {  	_ =	shalt  }
0x86: {  	_ =	shalt  }
0x87: {  	_ =	shalt  }
.Lfunc_end0:
.L_simem_size_0:
called_computation.1_lowered:
.L_overlay_start_0:
0x88: {  	s2 =	sld [smem:$0x3FD9]  }
0x89: {  	s3 =	sld [smem:$0x3FFE];
	_ =	sdelay $0x1  }
0x8a: {  	s1 =	srdreg.scid  }
0x8b: {  	s0 =	sand.u32 $0x1, s1  }
0x8c: {  	s17 =	sshll.u32 s0, $0xA;
	s2 =	sadd.s32 s3, s2  }
0x8d: {  	s2 =	sadd.s32 s2, s17  }
0x8e: {  	[smem:$0x3FC2] =	sst s2  }
0x8f: {  	_ = 	snop  }
0x90: {  	s2 =	sld [smem:$0x3FD0];
	(tm) =	ssettm $0x1  }
0x91: {  	s18 =	sld [smem:$0x3FFB];
	_ =	sdelay $0x3  }
0x92: {  	_ =	strace s18  }
0x93: {  	s3 =	sld [smem:$0x3FFC];
	_ =	sdelay $0x3  }
0x94: {  	_ =	strace s3  }
0x95: {  	s3 =	sld [smem:$0x3FFD];
	_ =	sdelay $0x3  }
0x96: {  	_ =	strace s3  }
0x97: {  	_ =	strace $0x8FFFFFFF  }
0x98: {  	s19 =	sld [smem:$0x3FDB];
	_ =	sdelay $0x1  }
0x99: {  	s4 =	simm.s32 $_scs_section_size  }
0x9a: {  	s5 =	simm.s32 $_size__tile_overlayer_lowered;
	s6 =	simm.s32 $_tile_overlayer_lowered  }
0x9b: {  	s22 =	simm.s32 $0x1BFF;
	s21 =	sshll.u32 s6, $0x1;
	s3 =	sadd.s32 s4, s19  }
0x9c: {  	s7 =	simm.s32 $0x0;
	s20 =	sshll.u32 s5, $0x1;
	s5 =	sadd.s32 s21, s3  }
0x9d: {  	[timem:s7], [sflag:s22] =	dma.local [hbm:s5], s20  }
0x9e: {  	_ =	swait.ge [sflag:s22], s20  }
0x9f: {  	s4 =	ssub.s32 $0x0, s20;
	[sflag:s22] =	ssyncset.done $0x0  }
0xa0: {  	[sflag:s22] =	ssyncadd.s32 s4;
	_ =	sdelay $0x1  }
0xa1: {  	s23 =	simm.s32 $0x1B8B  }
0xa2: {  	_ =	swait.ge [sflag:s23], $0x1  }
0xa3: {  	[sflag:s23] =	ssyncset.done $0x0  }
0xa4: {  	s25 =	simm.s32 $0x1B8E;
	s24 =	sld [smem:$0x3FFE];
	[sflag:s23] =	ssyncadd.s32 $0xFFFFFFFF  }
0xa5: {  	s26 =	simm.s32 $execute0_lowered;
	[smem:$0x3FD2] =	sst s25  }
0xa6: {  	s5 =	sshll.u32 s26, $0x1;
	_ =	strace $0x80000049;
	[dreg:$0x1] =	wrdreg $0xFFFFFFFF  }
0xa7: {  	s28 =	simm.s32 $_size_execute0_lowered;
	s3 =	sadd.s32 s3, s5;
	[dreg:$0x0] =	wrdreg $0x0  }
0xa8: {  	s5 =	sshll.u32 s28, $0x1;
	[dreg:$0x2] =	wrdreg s3  }
0xa9: {  	[dreg:$0x3] =	wrdreg s5  }
0xaa: {  	[dreg:$0x4] =	wrdreg $0xC0  }
0xab: {  	_ =	task [dreg:s7], $0x5FFFF  }
0xac: {  	[dreg:$0x1] =	wrdreg $0xFFFFFFFF  }
0xad: {  	[dreg:$0x0] =	wrdreg $0x60  }
0xae: {  	[dreg:$0x2] =	wrdreg s24  }
0xaf: {  	[dreg:$0x3] =	wrdreg s2  }
0xb0: {  	[dreg:$0x4] =	wrdreg $0x9  }
0xb1: {  	_ =	task.clear_ibuf [dreg:s7], $0x5FFFF;
	_ =	strace $0x90000049  }
0xb2: {  	s29 =	simm.s32 $0x9;
	_ =	strace $0x8000004B  }
0xb3: {  	_ =	swait.ge [sflag:s29], $0x1  }
0xb4: {  	[sflag:s29] =	ssyncadd.s32 $0xFFFFFFFF  }
0xb5: {  	_ =	strace $0x9000004B  }
0xb6: {  	_ =	sfence  }
0xb7: {  	s30 =	sld [smem:$0x0];
	_ =	sdelay $0x2  }
0xb8: {  	s31 =	sshll.u32 s1, $0xD;
	s1 =	sshrl.u32 s1, $0x2  }
0xb9: {  	s3 =	sand.u32 $0x4000, s31;
	s1 =	sadd.s32 s1, s30  }
0xba: {  	s0 =	sor.u32 s3, s0;
	s1 =	sshll.u32 s1, $0x11  }
0xbb: {  	s0 =	sor.u32 s1, s0  }
0xbc: {  	s0 =	sadd.s32 $0x8F2B, s0  }
0xbd: {  	[sflag:s0] =	ssyncadd.remote.s32 $0x1  }
0xbe: {  	_ =	sfence.sel $0xFFFF  }
0xbf: {  	[dreg:$0x0] =	wrdreg $0xFFFFFFFF;
	(pc) =	sbr.abs _section_cstart, $3  }
0xc0: {  	[dreg:$0x1] =	wrdreg $0xFFFFFFFF  }
0xc1: {  	_ =	task.clear_ibuf [dreg:s7], $0x2FFFF;
	_ =	strace $0x9FFFFFFF  }
0xc2: {  	(tm) =	ssettm $0x7FFFFFFF  }
0xc3: {  	_ =	shalt  }
tec
execute0_lowered:
.L_overlay_start_1:
0x0: {  	(tag) =	ssettag $0x1  }
0x1: {  	s0 =	srdreg.scid;
	s5 =	rddreg [dreg:$0x0]  }
0x2: {  	s3 =	rddreg [dreg:$0x1];
	s2 =	simm.s32 $0x0;
	s4 =	sand.u32 $0x1, s0  }
0x3: {  	s0 =	stileid.u32;
	[smem:$0x7FF] =	sst s2;
	s1 =	sshll.u32 s4, $0x4  }
0x4: {  	s14 =	sadd.s32 $0x81A00, s5;
	s6 =	sor.u32 s0, s1;
	s1 =	rddreg [dreg:$0x2]  }
0x5: {  	s15 =	simm.s32 $0x880;
	_ =	strace $0x8000004A;
	[dreg:$0x5] =	wrdreg s14  }
0x6: {  	s16 =	simm.s32 $0x1080;
	[dreg:$0x7] =	wrdreg s15  }
0x7: {  	s17 =	simm.s32 $0x1880;
	[dreg:$0x8] =	wrdreg s16  }
0x8: {  	s18 =	simm.s32 $0x2080;
	[dreg:$0x9] =	wrdreg s17  }
0x9: {  	s19 =	simm.s32 $0x2880;
	[dreg:$0xa] =	wrdreg s18  }
0xa: {  	s20 =	simm.s32 $0x3080;
	[dreg:$0xb] =	wrdreg s19  }
0xb: {  	s21 =	simm.s32 $0x3880;
	[dreg:$0xc] =	wrdreg s20  }
0xc: {  	s22 =	simm.s32 $0x4080;
	[dreg:$0xd] =	wrdreg s21  }
0xd: {  	s24 =	simm.s32 $0x4880;
	[dreg:$0xe] =	wrdreg s22  }
0xe: {  	s25 =	simm.s32 $0x5080;
	s26 =	simm.s32 $0x5880;
	[dreg:$0xf] =	wrdreg s24  }
0xf: {  	s28 =	simm.s32 $0x6080;
	s29 =	simm.s32 $0x6880;
	[dreg:$0x10] =	wrdreg s25  }
0x10: {  	s30 =	simm.s32 $0x7080;
	s31 =	simm.s32 $0x7880;
	[dreg:$0x11] =	wrdreg s26  }
0x11: {  	s9 =	simm.s32 $0x8880;
	s10 =	simm.s32 $0x9080;
	[dreg:$0x12] =	wrdreg s28  }
0x12: {  	s11 =	simm.s32 $0x9880;
	s4 =	ssub.s32 $0x2, s4;
	[dreg:$0x13] =	wrdreg s29  }
0x13: {  	s12 =	simm.s32 $0xA080;
	s23 =	sshrl.u32 s4, $0x1;
	[dreg:$0x14] =	wrdreg s30  }
0x14: {  	[dreg:$0x15] =	wrdreg s31;
	s14 =	simm.s32 $0xB080;
	s15 =	simm.s32 $0xB880  }
0x15: {  	s16 =	simm.s32 $0xC080;
	s17 =	simm.s32 $0xC880;
	s18 =	simm.s32 $0xD080  }
0x16: {  	s19 =	simm.s32 $0xD880;
	s20 =	simm.s32 $0xE080;
	s21 =	simm.s32 $0xE880  }
0x17: {  	s22 =	simm.s32 $0xF080;
	s24 =	simm.s32 $0x1;
	s7 =	sshll.u32 s6, $0x4  }
0x18: {  	s8 =	sshll.u32 s6, $0xD;
	p0 =	sne.s32 s6, $0x1F;
	s6 =	simm.s32 $0x2  }
0x19: {  	s7 =	sadd.s32 s7, s5;
	s13 =	sadd.s32 s3, s8;
	s3 =	sadd.s32 $0x40000, s3  }
0x1a: {  	s8 =	ssub.s32 s4, s23;
	s4 =	sadd.s32 $0x1900, s5;
	[dreg:$0x4] =	wrdreg s13  }
0x1b: {  	v2 =	vlaneseq.u32;
	s23 =	simm.s32 $0xF880;
	s7 =	sadd.s32 $0x81800, s7;
	[dreg:$0x6] =	wrdreg s3  }
0x1c: {  	vm0 =	vmmov $0xffff;
	v1 =	vshrl.u32 v2, $0x3;
	v0 =	vand.u32 $0x7, v2;
	s3 =	sadd.s32 $0x1800, s5;
	s5 =	smax.u32 s8, $0x1;
	s8 =	simm.s32 $0x8080  }
0x1d: {  	v2 =	vor.u32 $0x8, v2;
	v1 =	vmul.u32 $0x8, v1;
	vm1 =	vmmov @!p0 $0xffff;
	s13 =	simm.s32 $0xA880;
	[dreg:$0x3] =	wrdreg s7;
	s7 =	simm.s32 $0x80  }
.LBB2_1:
0x1e: {  	s25 =	rddreg [dreg:$0x3]  }
0x1f: {  	[tilespmem:s2], [sflag:$0x2] =	stream.linear.gather [hbm4b:s25+s2], $0x80, $0x38;
	[tilespmem:$0x12100] =	vst v63  }
0x20: {  	_ =	swait.ge [sflag:s6], $0x80  }
0x21: {  	[sflag:s6] =	ssyncset.done $0x0  }
0x22: {  	[sflag:s6] =	ssyncadd.s32 $0xFFFFFF80  }
0x23: {  	v3 =	vld [tilespmem:$0x0];
	_ =	sdelay $0x4  }
0x24: {  	v4 =	vshll.u32 v3, $0x2  }
0x25: {  	v3 =	vand.u32 $0x7, v3;
	v4 =	vand.u32 $0xFFFFFFE0, v4  }
0x26: {  	v3 =	vor.u32 v3, v4  }
0x27: {  	v4 =	vperm.xlane v3, v0;
	_ =	sdelay $0x1  }
0x28: {  	v4 =	vadd.s32 v1, v4;
	_ =	sdelay $0x1  }
0x29: {  	v3 =	vperm.xlane v3, v2;
	_ =	sdelay $0x1  }
0x2a: {  	v3 =	vadd.s32 v1, v3  }
0x2b: {  	[tilespmem:s7], [sflag:$0x1] =	stream.indirect_vreg.gather [hbm4b:s3+s2], $0x80, v4, vm0, $0xb8;
	[tilespmem:$0x12100] =	vst v63  }
0x2c: {  	s30 =	rddreg [dreg:$0x7]  }
0x2d: {  	[tilespmem:s30], [sflag:$0x1] =	stream.indirect_vreg.gather [hbm4b:s4+s2], $0x80, v4, vm0, $0xb8;
	[tilespmem:$0x12100] =	vst v63  }
0x2e: {  	s26 =	rddreg [dreg:$0x8]  }
0x2f: {  	[tilespmem:s26], [sflag:$0x1] =	stream.indirect_vreg.gather [hbm4b:s3+s2], $0x80, v3, vm0, $0xb8;
	[tilespmem:$0x12100] =	vst v63  }
0x30: {  	s31 =	rddreg [dreg:$0x9]  }
0x31: {  	[tilespmem:s31], [sflag:$0x1] =	stream.indirect_vreg.gather [hbm4b:s4+s2], $0x80, v3, vm0, $0xb8;
	[tilespmem:$0x12100] =	vst v63  }
0x32: {  	v3 =	vld [tilespmem:$0x10];
	_ =	sdelay $0x4  }
0x33: {  	v57 =	vshll.u32 v3, $0x2  }
0x34: {  	v3 =	vand.u32 $0x7, v3;
	v4 =	vand.u32 $0xFFFFFFE0, v57  }
0x35: {  	v3 =	vor.u32 v3, v4  }
0x36: {  	v4 =	vperm.xlane v3, v0;
	_ =	sdelay $0x1  }
0x37: {  	v4 =	vadd.s32 v1, v4;
	_ =	sdelay $0x1  }
0x38: {  	v3 =	vperm.xlane v3, v2;
	_ =	sdelay $0x1  }
0x39: {  	s28 =	rddreg [dreg:$0xa];
	v3 =	vadd.s32 v1, v3  }
0x3a: {  	[tilespmem:s28], [sflag:$0x1] =	stream.indirect_vreg.gather [hbm4b:s3+s2], $0x80, v4, vm0, $0xb8;
	[tilespmem:$0x12100] =	vst v63  }
0x3b: {  	s29 =	rddreg [dreg:$0xb]  }
0x3c: {  	[tilespmem:s29], [sflag:$0x1] =	stream.indirect_vreg.gather [hbm4b:s4+s2], $0x80, v4, vm0, $0xb8;
	[tilespmem:$0x12100] =	vst v63  }
0x3d: {  	s30 =	rddreg [dreg:$0xc]  }
0x3e: {  	[tilespmem:s30], [sflag:$0x1] =	stream.indirect_vreg.gather [hbm4b:s3+s2], $0x80, v3, vm0, $0xb8;
	[tilespmem:$0x12100] =	vst v63  }
0x3f: {  	s31 =	rddreg [dreg:$0xd]  }
0x40: {  	[tilespmem:s31], [sflag:$0x1] =	stream.indirect_vreg.gather [hbm4b:s4+s2], $0x80, v3, vm0, $0xb8;
	[tilespmem:$0x12100] =	vst v63  }
0x41: {  	v3 =	vld [tilespmem:$0x20];
	_ =	sdelay $0x4  }
0x42: {  	v58 =	vshll.u32 v3, $0x2  }
0x43: {  	v3 =	vand.u32 $0x7, v3;
	v4 =	vand.u32 $0xFFFFFFE0, v58  }
0x44: {  	v3 =	vor.u32 v3, v4  }
0x45: {  	v4 =	vperm.xlane v3, v0;
	_ =	sdelay $0x1  }
0x46: {  	v4 =	vadd.s32 v1, v4;
	_ =	sdelay $0x1  }
0x47: {  	v3 =	vperm.xlane v3, v2;
	_ =	sdelay $0x1  }
0x48: {  	s28 =	rddreg [dreg:$0xe];
	v3 =	vadd.s32 v1, v3  }
0x49: {  	[tilespmem:s28], [sflag:$0x1] =	stream.indirect_vreg.gather [hbm4b:s3+s2], $0x80, v4, vm0, $0xb8;
	[tilespmem:$0x12100] =	vst v63  }
0x4a: {  	s29 =	rddreg [dreg:$0xf]  }
0x4b: {  	[tilespmem:s29], [sflag:$0x1] =	stream.indirect_vreg.gather [hbm4b:s4+s2], $0x80, v4, vm0, $0xb8;
	[tilespmem:$0x12100] =	vst v63  }
0x4c: {  	s30 =	rddreg [dreg:$0x10]  }
0x4d: {  	[tilespmem:s30], [sflag:$0x1] =	stream.indirect_vreg.gather [hbm4b:s3+s2], $0x80, v3, vm0, $0xb8;
	[tilespmem:$0x12100] =	vst v63  }
0x4e: {  	s31 =	rddreg [dreg:$0x11]  }
0x4f: {  	[tilespmem:s31], [sflag:$0x1] =	stream.indirect_vreg.gather [hbm4b:s4+s2], $0x80, v3, vm0, $0xb8;
	[tilespmem:$0x12100] =	vst v63  }
0x50: {  	v3 =	vld [tilespmem:$0x30];
	_ =	sdelay $0x4  }
0x51: {  	v59 =	vshll.u32 v3, $0x2  }
0x52: {  	v3 =	vand.u32 $0x7, v3;
	v4 =	vand.u32 $0xFFFFFFE0, v59  }
0x53: {  	v3 =	vor.u32 v3, v4  }
0x54: {  	v4 =	vperm.xlane v3, v0;
	_ =	sdelay $0x1  }
0x55: {  	v4 =	vadd.s32 v1, v4;
	_ =	sdelay $0x1  }
0x56: {  	v3 =	vperm.xlane v3, v2;
	_ =	sdelay $0x1  }
0x57: {  	s26 =	rddreg [dreg:$0x12];
	v3 =	vadd.s32 v1, v3  }
0x58: {  	[tilespmem:s26], [sflag:$0x1] =	stream.indirect_vreg.gather [hbm4b:s3+s2], $0x80, v4, vm0, $0xb8;
	[tilespmem:$0x12100] =	vst v63  }
0x59: {  	s28 =	rddreg [dreg:$0x13]  }
0x5a: {  	[tilespmem:s28], [sflag:$0x1] =	stream.indirect_vreg.gather [hbm4b:s4+s2], $0x80, v4, vm0, $0xb8;
	[tilespmem:$0x12100] =	vst v63  }
0x5b: {  	s29 =	rddreg [dreg:$0x14]  }
0x5c: {  	[tilespmem:s29], [sflag:$0x1] =	stream.indirect_vreg.gather [hbm4b:s3+s2], $0x80, v3, vm0, $0xb8;
	[tilespmem:$0x12100] =	vst v63  }
0x5d: {  	s30 =	rddreg [dreg:$0x15]  }
0x5e: {  	[tilespmem:s30], [sflag:$0x1] =	stream.indirect_vreg.gather [hbm4b:s4+s2], $0x80, v3, vm0, $0xb8;
	[tilespmem:$0x12100] =	vst v63  }
0x5f: {  	v3 =	vld [tilespmem:$0x40];
	_ =	sdelay $0x4  }
0x60: {  	v60 =	vshll.u32 v3, $0x2  }
0x61: {  	v3 =	vand.u32 $0x7, v3;
	v4 =	vand.u32 $0xFFFFFFE0, v60  }
0x62: {  	v3 =	vor.u32 v3, v4  }
0x63: {  	v4 =	vperm.xlane v3, v0;
	_ =	sdelay $0x1  }
0x64: {  	v4 =	vadd.s32 v1, v4;
	_ =	sdelay $0x1  }
0x65: {  	v3 =	vperm.xlane v3, v2;
	_ =	sdelay $0x1  }
0x66: {  	v3 =	vadd.s32 v1, v3  }
0x67: {  	[tilespmem:s8], [sflag:$0x1] =	stream.indirect_vreg.gather [hbm4b:s3+s2], $0x80, v4, vm0, $0xb8;
	[tilespmem:$0x12100] =	vst v63  }
0x68: {  	_ = 	snop  }
0x69: {  	[tilespmem:s9], [sflag:$0x1] =	stream.indirect_vreg.gather [hbm4b:s4+s2], $0x80, v4, vm0, $0xb8;
	[tilespmem:$0x12100] =	vst v63  }
0x6a: {  	_ = 	snop  }
0x6b: {  	[tilespmem:s10], [sflag:$0x1] =	stream.indirect_vreg.gather [hbm4b:s3+s2], $0x80, v3, vm0, $0xb8;
	[tilespmem:$0x12100] =	vst v63  }
0x6c: {  	_ = 	snop  }
0x6d: {  	[tilespmem:s11], [sflag:$0x1] =	stream.indirect_vreg.gather [hbm4b:s4+s2], $0x80, v3, vm0, $0xb8;
	[tilespmem:$0x12100] =	vst v63  }
0x6e: {  	v3 =	vld [tilespmem:$0x50];
	_ =	sdelay $0x4  }
0x6f: {  	v61 =	vshll.u32 v3, $0x2  }
0x70: {  	v3 =	vand.u32 $0x7, v3;
	v4 =	vand.u32 $0xFFFFFFE0, v61  }
0x71: {  	v3 =	vor.u32 v3, v4  }
0x72: {  	v4 =	vperm.xlane v3, v0;
	_ =	sdelay $0x1  }
0x73: {  	v4 =	vadd.s32 v1, v4;
	_ =	sdelay $0x1  }
0x74: {  	v3 =	vperm.xlane v3, v2;
	_ =	sdelay $0x1  }
0x75: {  	v3 =	vadd.s32 v1, v3  }
0x76: {  	[tilespmem:s12], [sflag:$0x1] =	stream.indirect_vreg.gather [hbm4b:s3+s2], $0x80, v4, vm0, $0xb8;
	[tilespmem:$0x12100] =	vst v63  }
0x77: {  	_ = 	snop  }
0x78: {  	[tilespmem:s13], [sflag:$0x1] =	stream.indirect_vreg.gather [hbm4b:s4+s2], $0x80, v4, vm0, $0xb8;
	[tilespmem:$0x12100] =	vst v63  }
0x79: {  	_ = 	snop  }
0x7a: {  	[tilespmem:s14], [sflag:$0x1] =	stream.indirect_vreg.gather [hbm4b:s3+s2], $0x80, v3, vm0, $0xb8;
	[tilespmem:$0x12100] =	vst v63  }
0x7b: {  	_ = 	snop  }
0x7c: {  	[tilespmem:s15], [sflag:$0x1] =	stream.indirect_vreg.gather [hbm4b:s4+s2], $0x80, v3, vm0, $0xb8;
	[tilespmem:$0x12100] =	vst v63  }
0x7d: {  	v3 =	vld [tilespmem:$0x60];
	_ =	sdelay $0x4  }
0x7e: {  	v62 =	vshll.u32 v3, $0x2  }
0x7f: {  	v3 =	vand.u32 $0x7, v3;
	v4 =	vand.u32 $0xFFFFFFE0, v62  }
0x80: {  	v3 =	vor.u32 v3, v4  }
0x81: {  	v4 =	vperm.xlane v3, v0;
	_ =	sdelay $0x1  }
0x82: {  	v4 =	vadd.s32 v1, v4;
	_ =	sdelay $0x1  }
0x83: {  	v3 =	vperm.xlane v3, v2;
	_ =	sdelay $0x1  }
0x84: {  	v3 =	vadd.s32 v1, v3  }
0x85: {  	[tilespmem:s16], [sflag:$0x1] =	stream.indirect_vreg.gather [hbm4b:s3+s2], $0x80, v4, vm0, $0xb8;
	[tilespmem:$0x12100] =	vst v63  }
0x86: {  	_ = 	snop  }
0x87: {  	[tilespmem:s17], [sflag:$0x1] =	stream.indirect_vreg.gather [hbm4b:s4+s2], $0x80, v4, vm0, $0xb8;
	[tilespmem:$0x12100] =	vst v63  }
0x88: {  	_ = 	snop  }
0x89: {  	[tilespmem:s18], [sflag:$0x1] =	stream.indirect_vreg.gather [hbm4b:s3+s2], $0x80, v3, vm0, $0xb8;
	[tilespmem:$0x12100] =	vst v63  }
0x8a: {  	_ = 	snop  }
0x8b: {  	[tilespmem:s19], [sflag:$0x1] =	stream.indirect_vreg.gather [hbm4b:s4+s2], $0x80, v3, vm0, $0xb8;
	[tilespmem:$0x12100] =	vst v63  }
0x8c: {  	v3 =	vld [tilespmem:$0x70];
	_ =	sdelay $0x4  }
0x8d: {  	v63 =	vshll.u32 v3, $0x2  }
0x8e: {  	v3 =	vand.u32 $0x7, v3;
	v4 =	vand.u32 $0xFFFFFFE0, v63  }
0x8f: {  	v3 =	vor.u32 v3, v4  }
0x90: {  	v4 =	vperm.xlane v3, v0;
	_ =	sdelay $0x1  }
0x91: {  	v4 =	vadd.s32 v1, v4;
	_ =	sdelay $0x1  }
0x92: {  	v3 =	vperm.xlane v3, v2;
	_ =	sdelay $0x1  }
0x93: {  	v3 =	vadd.s32 v1, v3  }
0x94: {  	[tilespmem:s20], [sflag:$0x1] =	stream.indirect_vreg.gather [hbm4b:s3+s2], $0x80, v4, vm0, $0xb8;
	[tilespmem:$0x12100] =	vst v63  }
0x95: {  	_ = 	snop  }
0x96: {  	[tilespmem:s21], [sflag:$0x1] =	stream.indirect_vreg.gather [hbm4b:s4+s2], $0x80, v4, vm0, $0xb8;
	[tilespmem:$0x12100] =	vst v63  }
0x97: {  	_ = 	snop  }
0x98: {  	[tilespmem:s22], [sflag:$0x1] =	stream.indirect_vreg.gather [hbm4b:s3+s2], $0x80, v3, vm0, $0xb8;
	[tilespmem:$0x12100] =	vst v63  }
0x99: {  	_ = 	snop  }
0x9a: {  	[tilespmem:s23], [sflag:$0x1] =	stream.indirect_vreg.gather [hbm4b:s4+s2], $0x80, v3, vm0, $0xb8;
	[tilespmem:$0x12100] =	vst v63  }
0x9b: {  	_ =	swait.ge [sflag:s24], $0x10000  }
0x9c: {  	[sflag:s24] =	ssyncset.done $0x0  }
0x9d: {  	s31 =	rddreg [dreg:$0x4];
	[sflag:s24] =	ssyncadd.s32 $0xFFFF0000  }
0x9e: {  	[hbm4b:s31+s2] =	stream.linear.scatter [tilespmem:s7], [sflag:$0x2], $0x10000, $0x38;
	[tilespmem:$0x12100] =	vst v63  }
0x9f: {  	_ =	swait.ge [sflag:s6], $0x10000  }
0xa0: {  	s26 =	simm.s32 @!p0 $0x0;
	[sflag:s6] =	ssyncset.done $0x0  }
0xa1: {  	s28 =	simm.s32 @!p0 $0x10080;
	s25 =	rddreg [dreg:$0x5];
	[sflag:s6] =	ssyncadd.s32 $0xFFFF0000  }
0xa2: {  	[tilespmem:s28], [sflag:$0x2] =	stream.linear.gather @!p0 [hbm4b:s25+s26], $0x10, $0x38;
	[tilespmem:$0x12100] =	vst v63  }
0xa3: {  	s25 =	simm.s32 @!p0 $0x2  }
0xa4: {  	_ =	swait.ge @!p0 [sflag:s25], $0x10  }
0xa5: {  	[sflag:s25] =	ssyncset.done @!p0 $0x0  }
0xa6: {  	[sflag:s25] =	ssyncadd.s32 @!p0 $0xFFFFFFF0  }
0xa7: {  	v3 =	vld @!p0 [tilespmem:$0x10080];
	_ =	sdelay $0x4  }
0xa8: {  	v4 =	vshll.u32 @!p0 v3, $0x2  }
0xa9: {  	v5 =	vlaneseq.u32 @!p0;
	v3 =	vand.u32 @!p0 $0x7, v3;
	v4 =	vand.u32 @!p0 $0xFFFFFFE0, v4  }
0xaa: {  	v6 =	vshrl.u32 @!p0 v5, $0x3;
	v3 =	vor.u32 @!p0 v3, v4;
	v4 =	vand.u32 @!p0 $0x7, v5  }
0xab: {  	v6 =	vmul.u32 @!p0 $0x8, v6;
	v4 =	vperm.xlane @!p0 v3, v4;
	_ =	sdelay $0x1  }
0xac: {  	v4 =	vadd.s32 @!p0 v6, v4  }
0xad: {  	v5 =	vor.u32 @!p0 $0x8, v5  }
0xae: {  	v3 =	vperm.xlane @!p0 v3, v5;
	_ =	sdelay $0x1  }
0xaf: {  	s28 =	simm.s32 @!p0 $0x10100;
	v3 =	vadd.s32 @!p0 v6, v3  }
0xb0: {  	[tilespmem:s28], [sflag:$0x1] =	stream.indirect_vreg.gather @!p0 [hbm4b:s3+s26], $0x80, v4, vm1, $0xb8;
	[tilespmem:$0x12100] =	vst v63  }
0xb1: {  	s29 =	simm.s32 @!p0 $0x10900  }
0xb2: {  	[tilespmem:s29], [sflag:$0x1] =	stream.indirect_vreg.gather @!p0 [hbm4b:s4+s26], $0x80, v4, vm1, $0xb8;
	[tilespmem:$0x12100] =	vst v63  }
0xb3: {  	s29 =	simm.s32 @!p0 $0x11100  }
0xb4: {  	[tilespmem:s29], [sflag:$0x1] =	stream.indirect_vreg.gather @!p0 [hbm4b:s3+s26], $0x80, v3, vm1, $0xb8;
	[tilespmem:$0x12100] =	vst v63  }
0xb5: {  	s29 =	simm.s32 @!p0 $0x11900  }
0xb6: {  	[tilespmem:s29], [sflag:$0x1] =	stream.indirect_vreg.gather @!p0 [hbm4b:s4+s26], $0x80, v3, vm1, $0xb8;
	[tilespmem:$0x12100] =	vst v63  }
0xb7: {  	s29 =	simm.s32 @!p0 $0x1  }
0xb8: {  	s5 =	sadd.s32 $0xFFFFFFFF, s5;
	_ =	swait.ge @!p0 [sflag:s29], $0x2000  }
0xb9: {  	p1 =	sne.s32 s5, $0x0;
	[sflag:s29] =	ssyncset.done @!p0 $0x0  }
.Ltmp0:
0xba: {  	s30 =	rddreg [dreg:$0x6];
	[sflag:s29] =	ssyncadd.s32 @!p0 $0xFFFFE000;
	(pc) =	sbr.rel @p1 .LBB2_1-.Ltmp0, $4  }
0xbb: {  	[hbm4b:s30+s26] =	stream.linear.scatter @!p0 [tilespmem:s28], [sflag:$0x2], $0x2000, $0x38;
	[tilespmem:$0x12100] =	vst v63  }
0xbc: {  	_ =	swait.ge @!p0 [sflag:s25], $0x2000  }
0xbd: {  	[sflag:s25] =	ssyncset.done @!p0 $0x0  }
0xbe: {  	[sflag:s25] =	ssyncadd.s32 @!p0 $0xFFFFE000  }
0xbf: {  	_ =	sfence.sel $0x180000  }
0xc0: {  	[bflag:$0x0] =	sbarrier.arrive $0xFFFF  }
0xc1: {  	p0 =	sne.s32 s0, $0x0;
	_ =	strace $0x9000004A  }
0xc2: {  	s0 =	sadd.s32 @!p0 $0x100000, s1;
	[bflag:$0x2] =	sbarrier.arrive $0xFFFF  }
0xc3: {  	[sflag:s0] =	ssyncadd.tile.s32 @!p0 $0x1;
	_ =	shalt  }
.Lfunc_end2:
_tile_overlayer_lowered:
.L_overlay_start_2:
0xc4: {  	(tag) =	ssettag $0x2  }
0xc5: {  	s0 =	rddreg [dreg:$0x0];
	s2 =	stileid.u32  }
0xc6: {  	s1 =	rddreg [dreg:$0x1];
	p0 =	sne.s32 s2, $0x0  }
0xc7: {  	s3 =	rddreg [dreg:$0x2];
	[bflag:$0x3] =	sbarrier.arrive $0xFFFF;
	s2 =	simm.s32 @!p0 $0x1C02  }
0xc8: {  	[timem:s3], [sflag:s2] =	dma.local @!p0 [hbm:s0], s1  }
0xc9: {  	s0 =	simm.s32 @!p0 $0x2  }
0xca: {  	_ =	swait.ge @!p0 [sflag:s0], s1  }
0xcb: {  	s1 =	ssub.s32 @!p0 $0x0, s1;
	[sflag:s0] =	ssyncset.done @!p0 $0x0  }
0xcc: {  	[sflag:s0] =	ssyncadd.s32 @!p0 s1  }
0xcd: {  	[bflag:$0x3] =	sbarrier.arrive $0xFFFF  }
0xce: {  	_ =	shalt  }

</sc_bundles>
